<compile_context>
chip_gen: v7x
topology: tpu7x:2x2x1
jax: 0.10.2.dev20260603
libtpu: 0.0.44.dev20260713+nightly
codegen_flags: <defaults>
</compile_context>

<pallas_src>
import functools

import jax
import jax.numpy as jnp
from jax import lax
from jax.experimental import pallas as pl
from jax.experimental.pallas import tpu as pltpu
from jax.experimental.pallas import tpu_sc as plsc

N = 10000
D = 128
DH = D // 2
E = 320000
NP = 10240
EP = 327680
ER = EP // 128
ER_SC = ER // 2
ER_TILE_A = ER_SC // 16
ER_TILE_C = ER // 16
ROWS_TILE = NP // 16


def _deg_body(dst_hbm, z_hbm, ones_hbm, degs_hbm, dstv, onesv, acc):
    c = lax.axis_index("c")
    s = lax.axis_index("s")
    pltpu.sync_copy(z_hbm.at[pl.ds(s * ROWS_TILE, ROWS_TILE)],
                    acc.at[pl.ds(s * ROWS_TILE, ROWS_TILE)])
    pltpu.sync_copy(ones_hbm, onesv)
    base = c * ER_SC + s * ER_TILE_A
    pltpu.sync_copy(dst_hbm.at[pl.ds(base, ER_TILE_A)], dstv)
    plsc.subcore_barrier()

    def chunk(i, carry):
        pltpu.sync_copy(onesv, acc.at[dstv.at[i]], add=True)
        return carry

    lax.fori_loop(0, ER_TILE_A, chunk, 0)
    plsc.subcore_barrier()
    pltpu.sync_copy(acc.at[pl.ds(s * ROWS_TILE, ROWS_TILE)],
                    degs_hbm.at[pl.ds(c * NP + s * ROWS_TILE, ROWS_TILE)])


RING = 6
SLAG = 2


def _agg_body(y_hbm, srcg_hbm, dst_hbm, z_hbm, olo_hbm, ohi_hbm,
              srcv, dstv, r0, r1, r2, r3, r4, r5, acc,
              g0, g1, g2, g3, g4, g5,
              s0, s1, s2, s3, s4, s5):
    rows = (r0, r1, r2, r3, r4, r5)
    gsem = (g0, g1, g2, g3, g4, g5)
    ssem = (s0, s1, s2, s3, s4, s5)
    c = lax.axis_index("c")
    s = lax.axis_index("s")
    n = ER_TILE_C
    pltpu.sync_copy(srcg_hbm.at[c, pl.ds(s * ER_TILE_C, ER_TILE_C)], srcv)
    pltpu.sync_copy(dst_hbm.at[pl.ds(s * ER_TILE_C, ER_TILE_C)], dstv)

    def srcv_update(mul, add):
        def row(r, carry):
            for cc in range(8):
                sl = pl.ds(cc * 16, 16)
                srcv[r, sl] = srcv[r, sl] * mul + add
            return carry
        lax.fori_loop(0, ER_TILE_C, row, 0)

    def run(o_hbm):
        def g_start(i, t):
            pltpu.async_copy(y_hbm.at[srcv.at[i]], rows[t], gsem[t])

        def g_wait(i, t):
            pltpu.make_async_copy(y_hbm.at[srcv.at[i]], rows[t],
                                  gsem[t]).wait()

        def s_start(i, t):
            pltpu.async_copy(rows[t], acc.at[dstv.at[i]], ssem[t], add=True)

        def s_wait(t):
            pltpu.make_async_copy(rows[t], acc.at[dstv.at[0]],
                                  ssem[t]).wait()

        def step(i, t, do_swait, do_gstart):
            g_wait(i, t)
            s_start(i, t)
            if do_swait:
                s_wait((t - SLAG) % RING)
            if do_gstart:
                g_start(i + RING - SLAG, (t - SLAG) % RING)

        for t in range(RING - SLAG):
            g_start(t, t)
        for i in range(RING):
            step(i, i, i >= SLAG, i + RING - SLAG <= n - 1)

        def body(j, carry):
            for t in range(RING):
                step(j * RING + t, t, True, True)
            return carry

        n_steady_end = n - RING + SLAG
        n_full = n_steady_end // RING
        lax.fori_loop(1, n_full, body, 0)
        for i in range(n_full * RING, n):
            step(i, i % RING, True, i + RING - SLAG <= n - 1)
        for i in range(n - SLAG, n):
            s_wait(i % RING)

    srcv_update(2, 0)
    for p, o_hbm in ((0, olo_hbm), (1, ohi_hbm)):
        if p == 1:
            srcv_update(1, 1)
        pltpu.sync_copy(z_hbm, r5)
        for k in range(ROWS_TILE // 128):
            pltpu.sync_copy(r5, acc.at[pl.ds(s * ROWS_TILE + k * 128, 128)])
        plsc.subcore_barrier()
        run(o_hbm)
        plsc.subcore_barrier()
        for k in range(ROWS_TILE // 128):
            r = s * ROWS_TILE + k * 128
            pltpu.sync_copy(acc.at[pl.ds(r, 128)],
                            o_hbm.at[pl.ds(c * NP + r, 128)])


def _b_body(x_ref, w_ref, d0_ref, d1_ref, y_ref):
    deg = d0_ref[...] + d1_ref[...] + 1.0
    dinv = lax.rsqrt(deg)
    xw = jnp.dot(x_ref[...], w_ref[...], preferred_element_type=jnp.float32)
    y_ref[...] = xw * dinv


def _d_body(alo_ref, ahi_ref, y_ref, d0_ref, d1_ref, b_ref, pa_ref, o_ref):
    i = pl.program_id(0)

    @pl.when(i == 0)
    def _():
        o_ref[...] = jnp.zeros_like(o_ref)

    dinv = lax.rsqrt(d0_ref[...] + d1_ref[...] + 1.0)
    acc = jnp.concatenate([alo_ref[...], ahi_ref[...]], axis=1) + y_ref[...]
    h = dinv * acc + b_ref[...]
    a = pa_ref[0, 0]
    h = jnp.where(h >= 0, h, a * h)
    row = i * 1024 + lax.broadcasted_iota(jnp.int32, h.shape, 0)
    h = jnp.where(row < N, h, 0.0)
    o_ref[...] += jnp.sum(h, axis=0, keepdims=True)


def _e_body(alo1_ref, ahi1_ref, y1_ref, alo2_ref, ahi2_ref, y2_ref,
            d0_ref, d1_ref, ps_ref, wb_ref, b_ref, pa_ref, bb_ref,
            o1_ref, o2_ref):
    s = jax.nn.sigmoid(ps_ref[...] * (1.0 / N))
    v = lax.dot_general(wb_ref[...], s, (((1,), (1,)), ((), ())),
                        preferred_element_type=jnp.float32)
    a = pa_ref[0, 0]
    bias = b_ref[...]
    dv = lax.rsqrt(d0_ref[...] + d1_ref[...] + 1.0)

    def score(alo, ahi, y):
        acc = jnp.concatenate([alo[...], ahi[...]], axis=1) + y[...]
        h = dv * acc + bias
        h = jnp.where(h >= 0, h, a * h)
        return jnp.dot(h, v, preferred_element_type=jnp.float32) + bb_ref[0, 0]

    o1_ref[...] = score(alo1_ref, ahi1_ref, y1_ref)
    o2_ref[...] = score(alo2_ref, ahi2_ref, y2_ref)


def kernel(seq1, seq2, edge_index, W, b, prelu_a, Wb, bb):
    f32 = jnp.float32
    src = edge_index[0]
    dst = edge_index[1]
    pad_e = EP - E
    srcp = jnp.concatenate([src, jnp.zeros((pad_e,), jnp.int32)])
    dstp = jnp.concatenate([dst, jnp.full((pad_e,), N, jnp.int32)])
    dst2d = dstp.reshape(ER, 128)
    srcg = jnp.stack([srcp, srcp + NP]).reshape(2, ER, 128)
    seqs = jnp.zeros((2 * NP, D), f32)
    seqs = seqs.at[0:N].set(seq1).at[NP:NP + N].set(seq2)

    zeros1d = jnp.zeros((NP,), f32)
    ones128 = jnp.ones((128,), f32)
    zeros2d = jnp.zeros((128, DH), f32)

    mesh = plsc.VectorSubcoreMesh(core_axis_name="c", subcore_axis_name="s")

    deg_kernel = functools.partial(
        pl.kernel,
        out_type=jax.ShapeDtypeStruct((2 * NP,), f32),
        mesh=mesh,
        scratch_types=[
            pltpu.VMEM((ER_TILE_A, 128), jnp.int32),
            pltpu.VMEM((128,), f32),
            pltpu.VMEM_SHARED((NP,), f32),
        ],
    )(_deg_body)
    degs = deg_kernel(dst2d, zeros1d, ones128)

    deg0 = degs[:NP].reshape(NP, 1)
    deg1 = degs[NP:].reshape(NP, 1)

    nb = NP // 1024
    ystk = pl.pallas_call(
        _b_body,
        grid=(2 * nb,),
        in_specs=[
            pl.BlockSpec((1024, D), lambda i: (i, 0)),
            pl.BlockSpec((D, D), lambda i: (0, 0)),
            pl.BlockSpec((1024, 1), lambda i: (i % nb, 0)),
            pl.BlockSpec((1024, 1), lambda i: (i % nb, 0)),
        ],
        out_specs=pl.BlockSpec((1024, D), lambda i: (i, 0)),
        out_shape=jax.ShapeDtypeStruct((2 * NP, D), f32),
    )(seqs, W, deg0, deg1)
    ysplit = ystk.reshape(4 * NP, DH)

    agg_kernel = functools.partial(
        pl.kernel,
        out_type=[
            jax.ShapeDtypeStruct((2 * NP, DH), f32),
            jax.ShapeDtypeStruct((2 * NP, DH), f32),
        ],
        mesh=mesh,
        scratch_types=[
            pltpu.VMEM((ER_TILE_C, 128), jnp.int32),
            pltpu.VMEM((ER_TILE_C, 128), jnp.int32),
            *[pltpu.VMEM((128, DH), f32) for _ in range(RING)],
            pltpu.VMEM_SHARED((NP, DH), f32),
            *[pltpu.SemaphoreType.DMA for _ in range(2 * RING)],
        ],
        compiler_params=pltpu.CompilerParams(use_tc_tiling_on_sc=False),
    )(_agg_body)
    alo, ahi = agg_kernel(ysplit, srcg, dst2d, zeros2d)

    b2d = b.reshape(1, D)
    pa2d = prelu_a.reshape(1, 1)
    bb2d = bb.reshape(1, 1)

    psum = pl.pallas_call(
        _d_body,
        grid=(nb,),
        in_specs=[
            pl.BlockSpec((1024, DH), lambda i: (i, 0)),
            pl.BlockSpec((1024, DH), lambda i: (i, 0)),
            pl.BlockSpec((1024, D), lambda i: (i, 0)),
            pl.BlockSpec((1024, 1), lambda i: (i, 0)),
            pl.BlockSpec((1024, 1), lambda i: (i, 0)),
            pl.BlockSpec((1, D), lambda i: (0, 0)),
            pl.BlockSpec((1, 1), lambda i: (0, 0)),
        ],
        out_specs=pl.BlockSpec((1, D), lambda i: (0, 0)),
        out_shape=jax.ShapeDtypeStruct((1, D), f32),
    )(alo, ahi, ystk, deg0, deg1, b2d, pa2d)

    sc1, sc2 = pl.pallas_call(
        _e_body,
        grid=(nb,),
        in_specs=[
            pl.BlockSpec((1024, DH), lambda i: (i, 0)),
            pl.BlockSpec((1024, DH), lambda i: (i, 0)),
            pl.BlockSpec((1024, D), lambda i: (i, 0)),
            pl.BlockSpec((1024, DH), lambda i: (i + nb, 0)),
            pl.BlockSpec((1024, DH), lambda i: (i + nb, 0)),
            pl.BlockSpec((1024, D), lambda i: (i + nb, 0)),
            pl.BlockSpec((1024, 1), lambda i: (i, 0)),
            pl.BlockSpec((1024, 1), lambda i: (i, 0)),
            pl.BlockSpec((1, D), lambda i: (0, 0)),
            pl.BlockSpec((D, D), lambda i: (0, 0)),
            pl.BlockSpec((1, D), lambda i: (0, 0)),
            pl.BlockSpec((1, 1), lambda i: (0, 0)),
            pl.BlockSpec((1, 1), lambda i: (0, 0)),
        ],
        out_specs=[
            pl.BlockSpec((1024, 1), lambda i: (i, 0)),
            pl.BlockSpec((1024, 1), lambda i: (i, 0)),
        ],
        out_shape=[
            jax.ShapeDtypeStruct((NP, 1), f32),
            jax.ShapeDtypeStruct((NP, 1), f32),
        ],
    )(alo, ahi, ystk, alo, ahi, ystk, deg0, deg1, psum, Wb[0], b2d,
      pa2d, bb2d)

    return jnp.concatenate([sc1[:N], sc2[:N]], axis=0)

# --- scband reference (transcript-rebuilt; emitter-appended) ---
"""Pipeline reference for scband-dgi-11081015623989 (READ-ONLY COPY).

The authoritative reference and input builder live on the scoring server;
editing this copy changes nothing except your own understanding.
"""

import jax, jax.numpy as jnp
import numpy as np

N = 10000
E = 320000
D = 128


def setup_inputs(seed: int = 0) -> dict:
    key = jax.random.key(seed)
    ks = jax.random.split(key, 8)
    seq1 = jax.random.normal(ks[0], (N, D), dtype=jnp.float32)
    seq2 = jax.random.normal(ks[1], (N, D), dtype=jnp.float32)
    edge_index = jax.random.randint(ks[2], (2, E), 0, N, dtype=jnp.int32)
    # GCNConv params (glorot-ish init)
    W = jax.random.normal(ks[3], (D, D), dtype=jnp.float32) * (1.0 / np.sqrt(D))
    b = jnp.zeros((D,), dtype=jnp.float32)
    # PReLU single learned slope (torch default init 0.25)
    prelu_a = jnp.full((1,), 0.25, dtype=jnp.float32)
    # Discriminator nn.Bilinear(n_h, n_h, 1): weight [1, D, D], bias [1]
    Wb = jax.random.normal(ks[4], (1, D, D), dtype=jnp.float32) * (1.0 / np.sqrt(D))
    bb = jnp.zeros((1,), dtype=jnp.float32)
    return {"seq1": seq1, "seq2": seq2, "edge_index": edge_index,
            "W": W, "b": b, "prelu_a": prelu_a, "Wb": Wb, "bb": bb}


def _gcn_conv(x, edge_index, W, b, num_nodes):
    # PyG GCNConv: add self-loops, symmetric deg^-1/2 normalization, scatter-add to dst
    src = edge_index[0]
    dst = edge_index[1]
    loop = jnp.arange(num_nodes, dtype=edge_index.dtype)
    src = jnp.concatenate([src, loop])
    dst = jnp.concatenate([dst, loop])
    ones = jnp.ones(src.shape[0], dtype=x.dtype)
    deg = jnp.zeros((num_nodes,), dtype=x.dtype).at[dst].add(ones)
    dinv = jnp.where(deg > 0, jax.lax.rsqrt(jnp.maximum(deg, 1e-12)), 0.0)
    norm = dinv[src] * dinv[dst]
    xw = x @ W
    msg = jnp.take(xw, src, axis=0) * norm[:, None]
    out = jnp.zeros((num_nodes, xw.shape[1]), dtype=x.dtype).at[dst].add(msg)
    return out + b


def _prelu(x, a):
    return jnp.where(x >= 0, x, a * x)


def reference(seq1, seq2, edge_index, W, b, prelu_a, Wb, bb):
    n = seq1.shape[0]
    # h_1 = act(gnn(seq1, edge_index))
    h1 = _prelu(_gcn_conv(seq1, edge_index, W, b, n), prelu_a)
    # s = sigm(read(h_1)) -- AvgReadout with batch=None: mean over nodes
    s = jax.nn.sigmoid(jnp.mean(h1, axis=0))
    # h_2 = act(gnn(seq2, edge_index))
    h2 = _prelu(_gcn_conv(seq2, edge_index, W, b, n), prelu_a)
    # Discriminator: bilinear f_k(h, c) with c expanded over nodes
    c = jnp.broadcast_to(s, h1.shape)
    sc1 = jnp.sum((h1 @ Wb[0]) * c, axis=-1, keepdims=True) + bb
    sc2 = jnp.sum((h2 @ Wb[0]) * c, axis=-1, keepdims=True) + bb
    return jnp.concatenate([sc1, sc2], axis=0)

if __name__ == "__main__":
    import jax
    _d = setup_inputs()
    print(jax.jit(kernel)(*tuple(_d.values())))

</pallas_src>

<mosaic_0001>
#map = affine_map<(d0, d1) -> (0, 0)>
#map1 = affine_map<(d0, d1) -> (0)>
module attributes {stable_mosaic.version = 14 : i64} {
  func.func @_deg_body(%arg0: i32, %arg1: i32, %arg2: memref<2560x128xi32, #tpu.memory_space<hbm>>, %arg3: memref<10240xf32, #tpu.memory_space<hbm>>, %arg4: memref<128xf32, #tpu.memory_space<hbm>>, %arg5: memref<20480xf32, #tpu.memory_space<hbm>>, %arg6: memref<80x128xi32, #tpu.memory_space<vmem>>, %arg7: memref<128xf32, #tpu.memory_space<vmem>>, %arg8: memref<10240xf32, #tpu.memory_space<vmem_shared>>) attributes {dimension_semantics = [#tpu.dimension_semantics<core_parallel>, #tpu.dimension_semantics<subcore_parallel>], iteration_bounds = array<i64: 2, 16>, scalar_prefetch = 0 : i64, scratch_operands = 3 : i64, tpu.core_type = #tpu.core_type<sc_vector_subcore>, window_params = [{transform_indices = #map}, {transform_indices = #map1}, {transform_indices = #map1}, {transform_indices = #map1}]} {
    %mul3A = arith.constant 640 : i32
    %mul3A_0 = arith.muli %arg1, %mul3A : i32
    %mul3A_1 = arith.constant 640 : i32
    %mul3A_2 = arith.muli %arg1, %mul3A_1 : i32
    "tpu.region"() ({
      %run_scoped3A = tpu.sem_alloc : memref<!tpu.dma_semaphore, #tpu.memory_space<semaphore_mem>>
      %dma_start3A = tpu.memref_slice %arg8[%mul3A_2] : memref<10240xf32, #tpu.memory_space<vmem_shared>> -> memref<640xf32, #tpu.memory_space<vmem_shared>>
      %dma_start3A_20 = tpu.memref_slice %arg3[%mul3A_0] : memref<10240xf32, #tpu.memory_space<hbm>> -> memref<640xf32, #tpu.memory_space<hbm>>
      tpu.enqueue_dma source(%dma_start3A_20 : memref<640xf32, #tpu.memory_space<hbm>>) target(%dma_start3A : memref<640xf32, #tpu.memory_space<vmem_shared>>) target_semaphore(%run_scoped3A : memref<!tpu.dma_semaphore, #tpu.memory_space<semaphore_mem>>)
      %dma_wait3A = tpu.memref_slice %arg8[%mul3A_2] : memref<10240xf32, #tpu.memory_space<vmem_shared>> -> memref<640xf32, #tpu.memory_space<vmem_shared>>
      %dma_wait3A_21 = tpu.memref_slice %arg3[%mul3A_0] : memref<10240xf32, #tpu.memory_space<hbm>> -> memref<640xf32, #tpu.memory_space<hbm>>
      tpu.wait_dma2 semaphore(%run_scoped3A : memref<!tpu.dma_semaphore, #tpu.memory_space<semaphore_mem>>) src(%dma_wait3A_21 : memref<640xf32, #tpu.memory_space<hbm>>) dst(%dma_wait3A : memref<640xf32, #tpu.memory_space<vmem_shared>>)
      tpu.yield
    }) : () -> ()
    "tpu.region"() ({
      %run_scoped3A = tpu.sem_alloc : memref<!tpu.dma_semaphore, #tpu.memory_space<semaphore_mem>>
      tpu.enqueue_dma source(%arg4 : memref<128xf32, #tpu.memory_space<hbm>>) target(%arg7 : memref<128xf32, #tpu.memory_space<vmem>>) target_semaphore(%run_scoped3A : memref<!tpu.dma_semaphore, #tpu.memory_space<semaphore_mem>>)
      tpu.wait_dma2 semaphore(%run_scoped3A : memref<!tpu.dma_semaphore, #tpu.memory_space<semaphore_mem>>) src(%arg4 : memref<128xf32, #tpu.memory_space<hbm>>) dst(%arg7 : memref<128xf32, #tpu.memory_space<vmem>>)
      tpu.yield
    }) : () -> ()
    %mul3A_3 = arith.constant 1280 : i32
    %mul3A_4 = arith.muli %arg0, %mul3A_3 : i32
    %mul3A_5 = arith.constant 80 : i32
    %mul3A_6 = arith.muli %arg1, %mul3A_5 : i32
    %add3A = arith.addi %mul3A_4, %mul3A_6 : i32
    "tpu.region"() ({
      %run_scoped3A = tpu.sem_alloc : memref<!tpu.dma_semaphore, #tpu.memory_space<semaphore_mem>>
      %dma_start3A = arith.constant 0 : i32
      %dma_start3A_20 = tpu.memref_slice %arg2[%add3A, %dma_start3A] : memref<2560x128xi32, #tpu.memory_space<hbm>> -> memref<80x128xi32, #tpu.memory_space<hbm>>
      %dma_start3A_21 = arith.constant 0 : i32
      %dma_start3A_22 = tpu.memref_slice %arg2[%add3A, %dma_start3A_21] : memref<2560x128xi32, #tpu.memory_space<hbm>> -> memref<80x128xi32, #tpu.memory_space<hbm>>
      tpu.enqueue_dma source(%dma_start3A_22 : memref<80x128xi32, #tpu.memory_space<hbm>>) target(%arg6 : memref<80x128xi32, #tpu.memory_space<vmem>>) target_semaphore(%run_scoped3A : memref<!tpu.dma_semaphore, #tpu.memory_space<semaphore_mem>>)
      %dma_wait3A = arith.constant 0 : i32
      %dma_wait3A_23 = tpu.memref_slice %arg2[%add3A, %dma_wait3A] : memref<2560x128xi32, #tpu.memory_space<hbm>> -> memref<80x128xi32, #tpu.memory_space<hbm>>
      %dma_wait3A_24 = arith.constant 0 : i32
      %dma_wait3A_25 = tpu.memref_slice %arg2[%add3A, %dma_wait3A_24] : memref<2560x128xi32, #tpu.memory_space<hbm>> -> memref<80x128xi32, #tpu.memory_space<hbm>>
      tpu.wait_dma2 semaphore(%run_scoped3A : memref<!tpu.dma_semaphore, #tpu.memory_space<semaphore_mem>>) src(%dma_wait3A_25 : memref<80x128xi32, #tpu.memory_space<hbm>>) dst(%arg6 : memref<80x128xi32, #tpu.memory_space<vmem>>)
      tpu.yield
    }) : () -> ()
    %barrier3A = arith.constant 0 : index
    tpu.barrier barrier_id(%barrier3A)
    %scan3A = arith.constant 0 : i32
    %scan3A_7 = arith.constant 0 : i32
    %scan3A_8 = arith.constant 80 : i32
    %scan3A_9 = arith.addi %scan3A_7, %scan3A_8 : i32
    %scan3A_10 = arith.constant 1 : i32
    scf.for %scan3A_20 = %scan3A_7 to %scan3A_9 step %scan3A_10  : i32 {
      "tpu.region"() ({
        %run_scoped3A = tpu.sem_alloc : memref<!tpu.dma_semaphore, #tpu.memory_space<semaphore_mem>>
        %dma_start3A = arith.constant 0 : i32
        %dma_start3A_21 = tpu.memref_slice %arg6[%scan3A_20, %dma_start3A] : memref<80x128xi32, #tpu.memory_space<vmem>> -> memref<1x128xi32, #tpu.memory_space<vmem>>
        %dma_start3A_22 = tpu.memref_squeeze %dma_start3A_21 : memref<1x128xi32, #tpu.memory_space<vmem>> -> memref<128xi32, #tpu.memory_space<vmem>>
        %dma_start3A_23 = arith.constant 0 : i32
        %dma_start3A_24 = tpu.memref_slice %arg8[%dma_start3A_23] : memref<10240xf32, #tpu.memory_space<vmem_shared>> -> memref<10240xf32, #tpu.memory_space<vmem_shared>>
        tpu.enqueue_indirect_dma source(%arg7 : memref<128xf32, #tpu.memory_space<vmem>>) target(%dma_start3A_24 : memref<10240xf32, #tpu.memory_space<vmem_shared>>) offsets(%dma_start3A_22 : memref<128xi32, #tpu.memory_space<vmem>>) semaphore(%run_scoped3A : memref<!tpu.dma_semaphore, #tpu.memory_space<semaphore_mem>>) {add = true}
        %dma_wait3A = arith.constant 0 : i32
        %dma_wait3A_25 = tpu.memref_slice %arg6[%scan3A_20, %dma_wait3A] : memref<80x128xi32, #tpu.memory_space<vmem>> -> memref<1x128xi32, #tpu.memory_space<vmem>>
        %dma_wait3A_26 = tpu.memref_squeeze %dma_wait3A_25 : memref<1x128xi32, #tpu.memory_space<vmem>> -> memref<128xi32, #tpu.memory_space<vmem>>
        %dma_wait3A_27 = arith.constant 0 : i32
        %dma_wait3A_28 = tpu.memref_slice %arg8[%dma_wait3A_27] : memref<10240xf32, #tpu.memory_space<vmem_shared>> -> memref<10240xf32, #tpu.memory_space<vmem_shared>>
        tpu.wait_indirect_dma semaphore(%run_scoped3A : memref<!tpu.dma_semaphore, #tpu.memory_space<semaphore_mem>>) src(%arg7 : memref<128xf32, #tpu.memory_space<vmem>>) dst(%dma_wait3A_28 : memref<10240xf32, #tpu.memory_space<vmem_shared>>)
        tpu.yield
      }) : () -> ()
    }
    %scan3A_11 = arith.constant 80 : i32
    %barrier3A_12 = arith.constant 0 : index
    tpu.barrier barrier_id(%barrier3A_12)
    %mul3A_13 = arith.constant 640 : i32
    %mul3A_14 = arith.muli %arg1, %mul3A_13 : i32
    %mul3A_15 = arith.constant 10240 : i32
    %mul3A_16 = arith.muli %arg0, %mul3A_15 : i32
    %mul3A_17 = arith.constant 640 : i32
    %mul3A_18 = arith.muli %arg1, %mul3A_17 : i32
    %add3A_19 = arith.addi %mul3A_16, %mul3A_18 : i32
    "tpu.region"() ({
      %run_scoped3A = tpu.sem_alloc : memref<!tpu.dma_semaphore, #tpu.memory_space<semaphore_mem>>
      %dma_start3A = tpu.memref_slice %arg5[%add3A_19] : memref<20480xf32, #tpu.memory_space<hbm>> -> memref<640xf32, #tpu.memory_space<hbm>>
      %dma_start3A_20 = tpu.memref_slice %arg8[%mul3A_14] : memref<10240xf32, #tpu.memory_space<vmem_shared>> -> memref<640xf32, #tpu.memory_space<vmem_shared>>
      tpu.enqueue_dma source(%dma_start3A_20 : memref<640xf32, #tpu.memory_space<vmem_shared>>) target(%dma_start3A : memref<640xf32, #tpu.memory_space<hbm>>) target_semaphore(%run_scoped3A : memref<!tpu.dma_semaphore, #tpu.memory_space<semaphore_mem>>)
      %dma_wait3A = tpu.memref_slice %arg5[%add3A_19] : memref<20480xf32, #tpu.memory_space<hbm>> -> memref<640xf32, #tpu.memory_space<hbm>>
      %dma_wait3A_21 = tpu.memref_slice %arg8[%mul3A_14] : memref<10240xf32, #tpu.memory_space<vmem_shared>> -> memref<640xf32, #tpu.memory_space<vmem_shared>>
      tpu.wait_dma2 semaphore(%run_scoped3A : memref<!tpu.dma_semaphore, #tpu.memory_space<semaphore_mem>>) src(%dma_wait3A_21 : memref<640xf32, #tpu.memory_space<vmem_shared>>) dst(%dma_wait3A : memref<640xf32, #tpu.memory_space<hbm>>)
      tpu.yield
    }) : () -> ()
    return
  }
}

#map = affine_map<(d0, d1) -> (0, 0)>
#map1 = affine_map<(d0, d1) -> (0, 0, 0)>
module attributes {stable_mosaic.version = 14 : i64} {
  func.func @_agg_body(%arg0: i32, %arg1: i32, %arg2: memref<40960x64xf32, #tpu.memory_space<hbm>>, %arg3: memref<2x2560x128xi32, #tpu.memory_space<hbm>>, %arg4: memref<2560x128xi32, #tpu.memory_space<hbm>>, %arg5: memref<128x64xf32, #tpu.memory_space<hbm>>, %arg6: memref<20480x64xf32, #tpu.memory_space<hbm>>, %arg7: memref<20480x64xf32, #tpu.memory_space<hbm>>, %arg8: memref<160x128xi32, #tpu.memory_space<vmem>>, %arg9: memref<160x128xi32, #tpu.memory_space<vmem>>, %arg10: memref<128x64xf32, #tpu.memory_space<vmem>>, %arg11: memref<128x64xf32, #tpu.memory_space<vmem>>, %arg12: memref<128x64xf32, #tpu.memory_space<vmem>>, %arg13: memref<128x64xf32, #tpu.memory_space<vmem>>, %arg14: memref<128x64xf32, #tpu.memory_space<vmem>>, %arg15: memref<128x64xf32, #tpu.memory_space<vmem>>, %arg16: memref<10240x64xf32, #tpu.memory_space<vmem_shared>>, %arg17: memref<!tpu.dma_semaphore, #tpu.memory_space<semaphore_mem>>, %arg18: memref<!tpu.dma_semaphore, #tpu.memory_space<semaphore_mem>>, %arg19: memref<!tpu.dma_semaphore, #tpu.memory_space<semaphore_mem>>, %arg20: memref<!tpu.dma_semaphore, #tpu.memory_space<semaphore_mem>>, %arg21: memref<!tpu.dma_semaphore, #tpu.memory_space<semaphore_mem>>, %arg22: memref<!tpu.dma_semaphore, #tpu.memory_space<semaphore_mem>>, %arg23: memref<!tpu.dma_semaphore, #tpu.memory_space<semaphore_mem>>, %arg24: memref<!tpu.dma_semaphore, #tpu.memory_space<semaphore_mem>>, %arg25: memref<!tpu.dma_semaphore, #tpu.memory_space<semaphore_mem>>, %arg26: memref<!tpu.dma_semaphore, #tpu.memory_space<semaphore_mem>>, %arg27: memref<!tpu.dma_semaphore, #tpu.memory_space<semaphore_mem>>, %arg28: memref<!tpu.dma_semaphore, #tpu.memory_space<semaphore_mem>>) attributes {dimension_semantics = [#tpu.dimension_semantics<core_parallel>, #tpu.dimension_semantics<subcore_parallel>], iteration_bounds = array<i64: 2, 16>, scalar_prefetch = 0 : i64, scratch_operands = 21 : i64, tpu.core_type = #tpu.core_type<sc_vector_subcore>, window_params = [{transform_indices = #map}, {transform_indices = #map1}, {transform_indices = #map}, {transform_indices = #map}, {transform_indices = #map}, {transform_indices = #map}]} {
    %mul3A = arith.constant 160 : i32
    %mul3A_0 = arith.muli %arg1, %mul3A : i32
    "tpu.region"() ({
      %run_scoped3A = tpu.sem_alloc : memref<!tpu.dma_semaphore, #tpu.memory_space<semaphore_mem>>
      %dma_start3A_696 = arith.constant 0 : i32
      %dma_start3A_697 = tpu.memref_slice %arg3[%arg0, %mul3A_0, %dma_start3A_696] : memref<2x2560x128xi32, #tpu.memory_space<hbm>> -> memref<1x160x128xi32, #tpu.memory_space<hbm>>
      %dma_start3A_698 = tpu.memref_squeeze %dma_start3A_697 : memref<1x160x128xi32, #tpu.memory_space<hbm>> -> memref<160x128xi32, #tpu.memory_space<hbm>>
      %dma_start3A_699 = arith.constant 0 : i32
      %dma_start3A_700 = tpu.memref_slice %arg3[%arg0, %mul3A_0, %dma_start3A_699] : memref<2x2560x128xi32, #tpu.memory_space<hbm>> -> memref<1x160x128xi32, #tpu.memory_space<hbm>>
      %dma_start3A_701 = tpu.memref_squeeze %dma_start3A_700 : memref<1x160x128xi32, #tpu.memory_space<hbm>> -> memref<160x128xi32, #tpu.memory_space<hbm>>
      tpu.enqueue_dma source(%dma_start3A_701 : memref<160x128xi32, #tpu.memory_space<hbm>>) target(%arg8 : memref<160x128xi32, #tpu.memory_space<vmem>>) target_semaphore(%run_scoped3A : memref<!tpu.dma_semaphore, #tpu.memory_space<semaphore_mem>>)
      %dma_wait3A_702 = arith.constant 0 : i32
      %dma_wait3A_703 = tpu.memref_slice %arg3[%arg0, %mul3A_0, %dma_wait3A_702] : memref<2x2560x128xi32, #tpu.memory_space<hbm>> -> memref<1x160x128xi32, #tpu.memory_space<hbm>>
      %dma_wait3A_704 = tpu.memref_squeeze %dma_wait3A_703 : memref<1x160x128xi32, #tpu.memory_space<hbm>> -> memref<160x128xi32, #tpu.memory_space<hbm>>
      %dma_wait3A_705 = arith.constant 0 : i32
      %dma_wait3A_706 = tpu.memref_slice %arg3[%arg0, %mul3A_0, %dma_wait3A_705] : memref<2x2560x128xi32, #tpu.memory_space<hbm>> -> memref<1x160x128xi32, #tpu.memory_space<hbm>>
      %dma_wait3A_707 = tpu.memref_squeeze %dma_wait3A_706 : memref<1x160x128xi32, #tpu.memory_space<hbm>> -> memref<160x128xi32, #tpu.memory_space<hbm>>
      tpu.wait_dma2 semaphore(%run_scoped3A : memref<!tpu.dma_semaphore, #tpu.memory_space<semaphore_mem>>) src(%dma_wait3A_707 : memref<160x128xi32, #tpu.memory_space<hbm>>) dst(%arg8 : memref<160x128xi32, #tpu.memory_space<vmem>>)
      tpu.yield
    }) : () -> ()
    %mul3A_1 = arith.constant 160 : i32
    %mul3A_2 = arith.muli %arg1, %mul3A_1 : i32
    "tpu.region"() ({
      %run_scoped3A = tpu.sem_alloc : memref<!tpu.dma_semaphore, #tpu.memory_space<semaphore_mem>>
      %dma_start3A_696 = arith.constant 0 : i32
      %dma_start3A_697 = tpu.memref_slice %arg4[%mul3A_2, %dma_start3A_696] : memref<2560x128xi32, #tpu.memory_space<hbm>> -> memref<160x128xi32, #tpu.memory_space<hbm>>
      %dma_start3A_698 = arith.constant 0 : i32
      %dma_start3A_699 = tpu.memref_slice %arg4[%mul3A_2, %dma_start3A_698] : memref<2560x128xi32, #tpu.memory_space<hbm>> -> memref<160x128xi32, #tpu.memory_space<hbm>>
      tpu.enqueue_dma source(%dma_start3A_699 : memref<160x128xi32, #tpu.memory_space<hbm>>) target(%arg9 : memref<160x128xi32, #tpu.memory_space<vmem>>) target_semaphore(%run_scoped3A : memref<!tpu.dma_semaphore, #tpu.memory_space<semaphore_mem>>)
      %dma_wait3A_700 = arith.constant 0 : i32
      %dma_wait3A_701 = tpu.memref_slice %arg4[%mul3A_2, %dma_wait3A_700] : memref<2560x128xi32, #tpu.memory_space<hbm>> -> memref<160x128xi32, #tpu.memory_space<hbm>>
      %dma_wait3A_702 = arith.constant 0 : i32
      %dma_wait3A_703 = tpu.memref_slice %arg4[%mul3A_2, %dma_wait3A_702] : memref<2560x128xi32, #tpu.memory_space<hbm>> -> memref<160x128xi32, #tpu.memory_space<hbm>>
      tpu.wait_dma2 semaphore(%run_scoped3A : memref<!tpu.dma_semaphore, #tpu.memory_space<semaphore_mem>>) src(%dma_wait3A_703 : memref<160x128xi32, #tpu.memory_space<hbm>>) dst(%arg9 : memref<160x128xi32, #tpu.memory_space<vmem>>)
      tpu.yield
    }) : () -> ()
    %scan3A = arith.constant 0 : i32
    %scan3A_3 = arith.constant 0 : i32
    %scan3A_4 = arith.constant 160 : i32
    %scan3A_5 = arith.addi %scan3A_3, %scan3A_4 : i32
    %scan3A_6 = arith.constant 1 : i32
    scf.for %scan3A_696 = %scan3A_3 to %scan3A_5 step %scan3A_6  : i32 {
      %get3A = arith.index_cast %scan3A_696 : i32 to index
      %get3A_697 = arith.constant 0 : index
      %get3A_698 = tpu.vector_load %arg8[%get3A, %get3A_697] {strides = array<i32>} : memref<160x128xi32, #tpu.memory_space<vmem>>, vector<1x16xi32>,
      %get3A_699 = vector.shape_cast %get3A_698 : vector<1x16xi32> to vector<16xi32>
      %mul3A_700 = arith.constant 2 : i32
      %mul3A_701 = vector.broadcast %mul3A_700 : i32 to vector<16xi32>
      %mul3A_702 = arith.muli %get3A_699, %mul3A_701 : vector<16xi32>
      %add3A_703 = arith.constant 0 : i32
      %add3A_704 = vector.broadcast %add3A_703 : i32 to vector<16xi32>
      %add3A_705 = arith.addi %mul3A_702, %add3A_704 : vector<16xi32>
      %swap3A = arith.index_cast %scan3A_696 : i32 to index
      %swap3A_706 = arith.constant 0 : index
      %swap3A_707 = tpu.vector_load %arg8[%swap3A, %swap3A_706] {strides = array<i32>} : memref<160x128xi32, #tpu.memory_space<vmem>>, vector<1x16xi32>,
      %swap3A_708 = vector.shape_cast %swap3A_707 : vector<1x16xi32> to vector<16xi32>
      %swap3A_709 = vector.shape_cast %add3A_705 : vector<16xi32> to vector<1x16xi32>
      tpu.vector_store %arg8[%swap3A, %swap3A_706], %swap3A_709 {strides = array<i32>} : memref<160x128xi32, #tpu.memory_space<vmem>>, vector<1x16xi32>,
      %get3A_710 = arith.index_cast %scan3A_696 : i32 to index
      %get3A_711 = arith.constant 16 : index
      %get3A_712 = tpu.vector_load %arg8[%get3A_710, %get3A_711] {strides = array<i32>} : memref<160x128xi32, #tpu.memory_space<vmem>>, vector<1x16xi32>,
      %get3A_713 = vector.shape_cast %get3A_712 : vector<1x16xi32> to vector<16xi32>
      %mul3A_714 = arith.constant 2 : i32
      %mul3A_715 = vector.broadcast %mul3A_714 : i32 to vector<16xi32>
      %mul3A_716 = arith.muli %get3A_713, %mul3A_715 : vector<16xi32>
      %add3A_717 = arith.constant 0 : i32
      %add3A_718 = vector.broadcast %add3A_717 : i32 to vector<16xi32>
      %add3A_719 = arith.addi %mul3A_716, %add3A_718 : vector<16xi32>
      %swap3A_720 = arith.index_cast %scan3A_696 : i32 to index
      %swap3A_721 = arith.constant 16 : index
      %swap3A_722 = tpu.vector_load %arg8[%swap3A_720, %swap3A_721] {strides = array<i32>} : memref<160x128xi32, #tpu.memory_space<vmem>>, vector<1x16xi32>,
      %swap3A_723 = vector.shape_cast %swap3A_722 : vector<1x16xi32> to vector<16xi32>
      %swap3A_724 = vector.shape_cast %add3A_719 : vector<16xi32> to vector<1x16xi32>
      tpu.vector_store %arg8[%swap3A_720, %swap3A_721], %swap3A_724 {strides = array<i32>} : memref<160x128xi32, #tpu.memory_space<vmem>>, vector<1x16xi32>,
      %get3A_725 = arith.index_cast %scan3A_696 : i32 to index
      %get3A_726 = arith.constant 32 : index
      %get3A_727 = tpu.vector_load %arg8[%get3A_725, %get3A_726] {strides = array<i32>} : memref<160x128xi32, #tpu.memory_space<vmem>>, vector<1x16xi32>,
      %get3A_728 = vector.shape_cast %get3A_727 : vector<1x16xi32> to vector<16xi32>
      %mul3A_729 = arith.constant 2 : i32
      %mul3A_730 = vector.broadcast %mul3A_729 : i32 to vector<16xi32>
      %mul3A_731 = arith.muli %get3A_728, %mul3A_730 : vector<16xi32>
      %add3A_732 = arith.constant 0 : i32
      %add3A_733 = vector.broadcast %add3A_732 : i32 to vector<16xi32>
      %add3A_734 = arith.addi %mul3A_731, %add3A_733 : vector<16xi32>
      %swap3A_735 = arith.index_cast %scan3A_696 : i32 to index
      %swap3A_736 = arith.constant 32 : index
      %swap3A_737 = tpu.vector_load %arg8[%swap3A_735, %swap3A_736] {strides = array<i32>} : memref<160x128xi32, #tpu.memory_space<vmem>>, vector<1x16xi32>,
      %swap3A_738 = vector.shape_cast %swap3A_737 : vector<1x16xi32> to vector<16xi32>
      %swap3A_739 = vector.shape_cast %add3A_734 : vector<16xi32> to vector<1x16xi32>
      tpu.vector_store %arg8[%swap3A_735, %swap3A_736], %swap3A_739 {strides = array<i32>} : memref<160x128xi32, #tpu.memory_space<vmem>>, vector<1x16xi32>,
      %get3A_740 = arith.index_cast %scan3A_696 : i32 to index
      %get3A_741 = arith.constant 48 : index
      %get3A_742 = tpu.vector_load %arg8[%get3A_740, %get3A_741] {strides = array<i32>} : memref<160x128xi32, #tpu.memory_space<vmem>>, vector<1x16xi32>,
      %get3A_743 = vector.shape_cast %get3A_742 : vector<1x16xi32> to vector<16xi32>
      %mul3A_744 = arith.constant 2 : i32
      %mul3A_745 = vector.broadcast %mul3A_744 : i32 to vector<16xi32>
      %mul3A_746 = arith.muli %get3A_743, %mul3A_745 : vector<16xi32>
      %add3A_747 = arith.constant 0 : i32
      %add3A_748 = vector.broadcast %add3A_747 : i32 to vector<16xi32>
      %add3A_749 = arith.addi %mul3A_746, %add3A_748 : vector<16xi32>
      %swap3A_750 = arith.index_cast %scan3A_696 : i32 to index
      %swap3A_751 = arith.constant 48 : index
      %swap3A_752 = tpu.vector_load %arg8[%swap3A_750, %swap3A_751] {strides = array<i32>} : memref<160x128xi32, #tpu.memory_space<vmem>>, vector<1x16xi32>,
      %swap3A_753 = vector.shape_cast %swap3A_752 : vector<1x16xi32> to vector<16xi32>
      %swap3A_754 = vector.shape_cast %add3A_749 : vector<16xi32> to vector<1x16xi32>
      tpu.vector_store %arg8[%swap3A_750, %swap3A_751], %swap3A_754 {strides = array<i32>} : memref<160x128xi32, #tpu.memory_space<vmem>>, vector<1x16xi32>,
      %get3A_755 = arith.index_cast %scan3A_696 : i32 to index
      %get3A_756 = arith.constant 64 : index
      %get3A_757 = tpu.vector_load %arg8[%get3A_755, %get3A_756] {strides = array<i32>} : memref<160x128xi32, #tpu.memory_space<vmem>>, vector<1x16xi32>,
      %get3A_758 = vector.shape_cast %get3A_757 : vector<1x16xi32> to vector<16xi32>
      %mul3A_759 = arith.constant 2 : i32
      %mul3A_760 = vector.broadcast %mul3A_759 : i32 to vector<16xi32>
      %mul3A_761 = arith.muli %get3A_758, %mul3A_760 : vector<16xi32>
      %add3A_762 = arith.constant 0 : i32
      %add3A_763 = vector.broadcast %add3A_762 : i32 to vector<16xi32>
      %add3A_764 = arith.addi %mul3A_761, %add3A_763 : vector<16xi32>
      %swap3A_765 = arith.index_cast %scan3A_696 : i32 to index
      %swap3A_766 = arith.constant 64 : index
      %swap3A_767 = tpu.vector_load %arg8[%swap3A_765, %swap3A_766] {strides = array<i32>} : memref<160x128xi32, #tpu.memory_space<vmem>>, vector<1x16xi32>,
      %swap3A_768 = vector.shape_cast %swap3A_767 : vector<1x16xi32> to vector<16xi32>
      %swap3A_769 = vector.shape_cast %add3A_764 : vector<16xi32> to vector<1x16xi32>
      tpu.vector_store %arg8[%swap3A_765, %swap3A_766], %swap3A_769 {strides = array<i32>} : memref<160x128xi32, #tpu.memory_space<vmem>>, vector<1x16xi32>,
      %get3A_770 = arith.index_cast %scan3A_696 : i32 to index
      %get3A_771 = arith.constant 80 : index
      %get3A_772 = tpu.vector_load %arg8[%get3A_770, %get3A_771] {strides = array<i32>} : memref<160x128xi32, #tpu.memory_space<vmem>>, vector<1x16xi32>,
      %get3A_773 = vector.shape_cast %get3A_772 : vector<1x16xi32> to vector<16xi32>
      %mul3A_774 = arith.constant 2 : i32
      %mul3A_775 = vector.broadcast %mul3A_774 : i32 to vector<16xi32>
      %mul3A_776 = arith.muli %get3A_773, %mul3A_775 : vector<16xi32>
      %add3A_777 = arith.constant 0 : i32
      %add3A_778 = vector.broadcast %add3A_777 : i32 to vector<16xi32>
      %add3A_779 = arith.addi %mul3A_776, %add3A_778 : vector<16xi32>
      %swap3A_780 = arith.index_cast %scan3A_696 : i32 to index
      %swap3A_781 = arith.constant 80 : index
      %swap3A_782 = tpu.vector_load %arg8[%swap3A_780, %swap3A_781] {strides = array<i32>} : memref<160x128xi32, #tpu.memory_space<vmem>>, vector<1x16xi32>,
      %swap3A_783 = vector.shape_cast %swap3A_782 : vector<1x16xi32> to vector<16xi32>
      %swap3A_784 = vector.shape_cast %add3A_779 : vector<16xi32> to vector<1x16xi32>
      tpu.vector_store %arg8[%swap3A_780, %swap3A_781], %swap3A_784 {strides = array<i32>} : memref<160x128xi32, #tpu.memory_space<vmem>>, vector<1x16xi32>,
      %get3A_785 = arith.index_cast %scan3A_696 : i32 to index
      %get3A_786 = arith.constant 96 : index
      %get3A_787 = tpu.vector_load %arg8[%get3A_785, %get3A_786] {strides = array<i32>} : memref<160x128xi32, #tpu.memory_space<vmem>>, vector<1x16xi32>,
      %get3A_788 = vector.shape_cast %get3A_787 : vector<1x16xi32> to vector<16xi32>
      %mul3A_789 = arith.constant 2 : i32
      %mul3A_790 = vector.broadcast %mul3A_789 : i32 to vector<16xi32>
      %mul3A_791 = arith.muli %get3A_788, %mul3A_790 : vector<16xi32>
      %add3A_792 = arith.constant 0 : i32
      %add3A_793 = vector.broadcast %add3A_792 : i32 to vector<16xi32>
      %add3A_794 = arith.addi %mul3A_791, %add3A_793 : vector<16xi32>
      %swap3A_795 = arith.index_cast %scan3A_696 : i32 to index
      %swap3A_796 = arith.constant 96 : index
      %swap3A_797 = tpu.vector_load %arg8[%swap3A_795, %swap3A_796] {strides = array<i32>} : memref<160x128xi32, #tpu.memory_space<vmem>>, vector<1x16xi32>,
      %swap3A_798 = vector.shape_cast %swap3A_797 : vector<1x16xi32> to vector<16xi32>
      %swap3A_799 = vector.shape_cast %add3A_794 : vector<16xi32> to vector<1x16xi32>
      tpu.vector_store %arg8[%swap3A_795, %swap3A_796], %swap3A_799 {strides = array<i32>} : memref<160x128xi32, #tpu.memory_space<vmem>>, vector<1x16xi32>,
      %get3A_800 = arith.index_cast %scan3A_696 : i32 to index
      %get3A_801 = arith.constant 112 : index
      %get3A_802 = tpu.vector_load %arg8[%get3A_800, %get3A_801] {strides = array<i32>} : memref<160x128xi32, #tpu.memory_space<vmem>>, vector<1x16xi32>,
      %get3A_803 = vector.shape_cast %get3A_802 : vector<1x16xi32> to vector<16xi32>
      %mul3A_804 = arith.constant 2 : i32
      %mul3A_805 = vector.broadcast %mul3A_804 : i32 to vector<16xi32>
      %mul3A_806 = arith.muli %get3A_803, %mul3A_805 : vector<16xi32>
      %add3A_807 = arith.constant 0 : i32
      %add3A_808 = vector.broadcast %add3A_807 : i32 to vector<16xi32>
      %add3A_809 = arith.addi %mul3A_806, %add3A_808 : vector<16xi32>
      %swap3A_810 = arith.index_cast %scan3A_696 : i32 to index
      %swap3A_811 = arith.constant 112 : index
      %swap3A_812 = tpu.vector_load %arg8[%swap3A_810, %swap3A_811] {strides = array<i32>} : memref<160x128xi32, #tpu.memory_space<vmem>>, vector<1x16xi32>,
      %swap3A_813 = vector.shape_cast %swap3A_812 : vector<1x16xi32> to vector<16xi32>
      %swap3A_814 = vector.shape_cast %add3A_809 : vector<16xi32> to vector<1x16xi32>
      tpu.vector_store %arg8[%swap3A_810, %swap3A_811], %swap3A_814 {strides = array<i32>} : memref<160x128xi32, #tpu.memory_space<vmem>>, vector<1x16xi32>,
    }
    %scan3A_7 = arith.constant 160 : i32
    "tpu.region"() ({
      %run_scoped3A = tpu.sem_alloc : memref<!tpu.dma_semaphore, #tpu.memory_space<semaphore_mem>>
      tpu.enqueue_dma source(%arg5 : memref<128x64xf32, #tpu.memory_space<hbm>>) target(%arg15 : memref<128x64xf32, #tpu.memory_space<vmem>>) target_semaphore(%run_scoped3A : memref<!tpu.dma_semaphore, #tpu.memory_space<semaphore_mem>>)
      tpu.wait_dma2 semaphore(%run_scoped3A : memref<!tpu.dma_semaphore, #tpu.memory_space<semaphore_mem>>) src(%arg5 : memref<128x64xf32, #tpu.memory_space<hbm>>) dst(%arg15 : memref<128x64xf32, #tpu.memory_space<vmem>>)
      tpu.yield
    }) : () -> ()
    %mul3A_8 = arith.constant 640 : i32
    %mul3A_9 = arith.muli %arg1, %mul3A_8 : i32
    %add3A = arith.constant 0 : i32
    %add3A_10 = arith.addi %mul3A_9, %add3A : i32
    "tpu.region"() ({
      %run_scoped3A = tpu.sem_alloc : memref<!tpu.dma_semaphore, #tpu.memory_space<semaphore_mem>>
      %dma_start3A_696 = arith.constant 0 : i32
      %dma_start3A_697 = tpu.memref_slice %arg16[%add3A_10, %dma_start3A_696] : memref<10240x64xf32, #tpu.memory_space<vmem_shared>> -> memref<128x64xf32, #tpu.memory_space<vmem_shared>>
      %dma_start3A_698 = arith.constant 0 : i32
      %dma_start3A_699 = tpu.memref_slice %arg16[%add3A_10, %dma_start3A_698] : memref<10240x64xf32, #tpu.memory_space<vmem_shared>> -> memref<128x64xf32, #tpu.memory_space<vmem_shared>>
      tpu.enqueue_dma source(%arg15 : memref<128x64xf32, #tpu.memory_space<vmem>>) target(%dma_start3A_699 : memref<128x64xf32, #tpu.memory_space<vmem_shared>>) target_semaphore(%run_scoped3A : memref<!tpu.dma_semaphore, #tpu.memory_space<semaphore_mem>>)
      %dma_wait3A_700 = arith.constant 0 : i32
      %dma_wait3A_701 = tpu.memref_slice %arg16[%add3A_10, %dma_wait3A_700] : memref<10240x64xf32, #tpu.memory_space<vmem_shared>> -> memref<128x64xf32, #tpu.memory_space<vmem_shared>>
      %dma_wait3A_702 = arith.constant 0 : i32
      %dma_wait3A_703 = tpu.memref_slice %arg16[%add3A_10, %dma_wait3A_702] : memref<10240x64xf32, #tpu.memory_space<vmem_shared>> -> memref<128x64xf32, #tpu.memory_space<vmem_shared>>
      tpu.wait_dma2 semaphore(%run_scoped3A : memref<!tpu.dma_semaphore, #tpu.memory_space<semaphore_mem>>) src(%arg15 : memref<128x64xf32, #tpu.memory_space<vmem>>) dst(%dma_wait3A_703 : memref<128x64xf32, #tpu.memory_space<vmem_shared>>)
      tpu.yield
    }) : () -> ()
    %mul3A_11 = arith.constant 640 : i32
    %mul3A_12 = arith.muli %arg1, %mul3A_11 : i32
    %add3A_13 = arith.constant 128 : i32
    %add3A_14 = arith.addi %mul3A_12, %add3A_13 : i32
    "tpu.region"() ({
      %run_scoped3A = tpu.sem_alloc : memref<!tpu.dma_semaphore, #tpu.memory_space<semaphore_mem>>
      %dma_start3A_696 = arith.constant 0 : i32
      %dma_start3A_697 = tpu.memref_slice %arg16[%add3A_14, %dma_start3A_696] : memref<10240x64xf32, #tpu.memory_space<vmem_shared>> -> memref<128x64xf32, #tpu.memory_space<vmem_shared>>
      %dma_start3A_698 = arith.constant 0 : i32
      %dma_start3A_699 = tpu.memref_slice %arg16[%add3A_14, %dma_start3A_698] : memref<10240x64xf32, #tpu.memory_space<vmem_shared>> -> memref<128x64xf32, #tpu.memory_space<vmem_shared>>
      tpu.enqueue_dma source(%arg15 : memref<128x64xf32, #tpu.memory_space<vmem>>) target(%dma_start3A_699 : memref<128x64xf32, #tpu.memory_space<vmem_shared>>) target_semaphore(%run_scoped3A : memref<!tpu.dma_semaphore, #tpu.memory_space<semaphore_mem>>)
      %dma_wait3A_700 = arith.constant 0 : i32
      %dma_wait3A_701 = tpu.memref_slice %arg16[%add3A_14, %dma_wait3A_700] : memref<10240x64xf32, #tpu.memory_space<vmem_shared>> -> memref<128x64xf32, #tpu.memory_space<vmem_shared>>
      %dma_wait3A_702 = arith.constant 0 : i32
      %dma_wait3A_703 = tpu.memref_slice %arg16[%add3A_14, %dma_wait3A_702] : memref<10240x64xf32, #tpu.memory_space<vmem_shared>> -> memref<128x64xf32, #tpu.memory_space<vmem_shared>>
      tpu.wait_dma2 semaphore(%run_scoped3A : memref<!tpu.dma_semaphore, #tpu.memory_space<semaphore_mem>>) src(%arg15 : memref<128x64xf32, #tpu.memory_space<vmem>>) dst(%dma_wait3A_703 : memref<128x64xf32, #tpu.memory_space<vmem_shared>>)
      tpu.yield
    }) : () -> ()
    %mul3A_15 = arith.constant 640 : i32
    %mul3A_16 = arith.muli %arg1, %mul3A_15 : i32
    %add3A_17 = arith.constant 256 : i32
    %add3A_18 = arith.addi %mul3A_16, %add3A_17 : i32
    "tpu.region"() ({
      %run_scoped3A = tpu.sem_alloc : memref<!tpu.dma_semaphore, #tpu.memory_space<semaphore_mem>>
      %dma_start3A_696 = arith.constant 0 : i32
      %dma_start3A_697 = tpu.memref_slice %arg16[%add3A_18, %dma_start3A_696] : memref<10240x64xf32, #tpu.memory_space<vmem_shared>> -> memref<128x64xf32, #tpu.memory_space<vmem_shared>>
      %dma_start3A_698 = arith.constant 0 : i32
      %dma_start3A_699 = tpu.memref_slice %arg16[%add3A_18, %dma_start3A_698] : memref<10240x64xf32, #tpu.memory_space<vmem_shared>> -> memref<128x64xf32, #tpu.memory_space<vmem_shared>>
      tpu.enqueue_dma source(%arg15 : memref<128x64xf32, #tpu.memory_space<vmem>>) target(%dma_start3A_699 : memref<128x64xf32, #tpu.memory_space<vmem_shared>>) target_semaphore(%run_scoped3A : memref<!tpu.dma_semaphore, #tpu.memory_space<semaphore_mem>>)
      %dma_wait3A_700 = arith.constant 0 : i32
      %dma_wait3A_701 = tpu.memref_slice %arg16[%add3A_18, %dma_wait3A_700] : memref<10240x64xf32, #tpu.memory_space<vmem_shared>> -> memref<128x64xf32, #tpu.memory_space<vmem_shared>>
      %dma_wait3A_702 = arith.constant 0 : i32
      %dma_wait3A_703 = tpu.memref_slice %arg16[%add3A_18, %dma_wait3A_702] : memref<10240x64xf32, #tpu.memory_space<vmem_shared>> -> memref<128x64xf32, #tpu.memory_space<vmem_shared>>
      tpu.wait_dma2 semaphore(%run_scoped3A : memref<!tpu.dma_semaphore, #tpu.memory_space<semaphore_mem>>) src(%arg15 : memref<128x64xf32, #tpu.memory_space<vmem>>) dst(%dma_wait3A_703 : memref<128x64xf32, #tpu.memory_space<vmem_shared>>)
      tpu.yield
    }) : () -> ()
    %mul3A_19 = arith.constant 640 : i32
    %mul3A_20 = arith.muli %arg1, %mul3A_19 : i32
    %add3A_21 = arith.constant 384 : i32
    %add3A_22 = arith.addi %mul3A_20, %add3A_21 : i32
    "tpu.region"() ({
      %run_scoped3A = tpu.sem_alloc : memref<!tpu.dma_semaphore, #tpu.memory_space<semaphore_mem>>
      %dma_start3A_696 = arith.constant 0 : i32
      %dma_start3A_697 = tpu.memref_slice %arg16[%add3A_22, %dma_start3A_696] : memref<10240x64xf32, #tpu.memory_space<vmem_shared>> -> memref<128x64xf32, #tpu.memory_space<vmem_shared>>
      %dma_start3A_698 = arith.constant 0 : i32
      %dma_start3A_699 = tpu.memref_slice %arg16[%add3A_22, %dma_start3A_698] : memref<10240x64xf32, #tpu.memory_space<vmem_shared>> -> memref<128x64xf32, #tpu.memory_space<vmem_shared>>
      tpu.enqueue_dma source(%arg15 : memref<128x64xf32, #tpu.memory_space<vmem>>) target(%dma_start3A_699 : memref<128x64xf32, #tpu.memory_space<vmem_shared>>) target_semaphore(%run_scoped3A : memref<!tpu.dma_semaphore, #tpu.memory_space<semaphore_mem>>)
      %dma_wait3A_700 = arith.constant 0 : i32
      %dma_wait3A_701 = tpu.memref_slice %arg16[%add3A_22, %dma_wait3A_700] : memref<10240x64xf32, #tpu.memory_space<vmem_shared>> -> memref<128x64xf32, #tpu.memory_space<vmem_shared>>
      %dma_wait3A_702 = arith.constant 0 : i32
      %dma_wait3A_703 = tpu.memref_slice %arg16[%add3A_22, %dma_wait3A_702] : memref<10240x64xf32, #tpu.memory_space<vmem_shared>> -> memref<128x64xf32, #tpu.memory_space<vmem_shared>>
      tpu.wait_dma2 semaphore(%run_scoped3A : memref<!tpu.dma_semaphore, #tpu.memory_space<semaphore_mem>>) src(%arg15 : memref<128x64xf32, #tpu.memory_space<vmem>>) dst(%dma_wait3A_703 : memref<128x64xf32, #tpu.memory_space<vmem_shared>>)
      tpu.yield
    }) : () -> ()
    %mul3A_23 = arith.constant 640 : i32
    %mul3A_24 = arith.muli %arg1, %mul3A_23 : i32
    %add3A_25 = arith.constant 512 : i32
    %add3A_26 = arith.addi %mul3A_24, %add3A_25 : i32
    "tpu.region"() ({
      %run_scoped3A = tpu.sem_alloc : memref<!tpu.dma_semaphore, #tpu.memory_space<semaphore_mem>>
      %dma_start3A_696 = arith.constant 0 : i32
      %dma_start3A_697 = tpu.memref_slice %arg16[%add3A_26, %dma_start3A_696] : memref<10240x64xf32, #tpu.memory_space<vmem_shared>> -> memref<128x64xf32, #tpu.memory_space<vmem_shared>>
      %dma_start3A_698 = arith.constant 0 : i32
      %dma_start3A_699 = tpu.memref_slice %arg16[%add3A_26, %dma_start3A_698] : memref<10240x64xf32, #tpu.memory_space<vmem_shared>> -> memref<128x64xf32, #tpu.memory_space<vmem_shared>>
      tpu.enqueue_dma source(%arg15 : memref<128x64xf32, #tpu.memory_space<vmem>>) target(%dma_start3A_699 : memref<128x64xf32, #tpu.memory_space<vmem_shared>>) target_semaphore(%run_scoped3A : memref<!tpu.dma_semaphore, #tpu.memory_space<semaphore_mem>>)
      %dma_wait3A_700 = arith.constant 0 : i32
      %dma_wait3A_701 = tpu.memref_slice %arg16[%add3A_26, %dma_wait3A_700] : memref<10240x64xf32, #tpu.memory_space<vmem_shared>> -> memref<128x64xf32, #tpu.memory_space<vmem_shared>>
      %dma_wait3A_702 = arith.constant 0 : i32
      %dma_wait3A_703 = tpu.memref_slice %arg16[%add3A_26, %dma_wait3A_702] : memref<10240x64xf32, #tpu.memory_space<vmem_shared>> -> memref<128x64xf32, #tpu.memory_space<vmem_shared>>
      tpu.wait_dma2 semaphore(%run_scoped3A : memref<!tpu.dma_semaphore, #tpu.memory_space<semaphore_mem>>) src(%arg15 : memref<128x64xf32, #tpu.memory_space<vmem>>) dst(%dma_wait3A_703 : memref<128x64xf32, #tpu.memory_space<vmem_shared>>)
      tpu.yield
    }) : () -> ()
    %barrier3A = arith.constant 0 : index
    tpu.barrier barrier_id(%barrier3A)
    %dma_start3A = arith.constant 0 : i32
    %dma_start3A_27 = arith.constant 0 : i32
    %dma_start3A_28 = tpu.memref_slice %arg8[%dma_start3A, %dma_start3A_27] : memref<160x128xi32, #tpu.memory_space<vmem>> -> memref<1x128xi32, #tpu.memory_space<vmem>>
    %dma_start3A_29 = tpu.memref_squeeze %dma_start3A_28 : memref<1x128xi32, #tpu.memory_space<vmem>> -> memref<128xi32, #tpu.memory_space<vmem>>
    %dma_start3A_30 = arith.constant 0 : i32
    %dma_start3A_31 = arith.constant 0 : i32
    %dma_start3A_32 = tpu.memref_slice %arg2[%dma_start3A_30, %dma_start3A_31] : memref<40960x64xf32, #tpu.memory_space<hbm>> -> memref<40960x64xf32, #tpu.memory_space<hbm>>
    tpu.enqueue_indirect_dma source(%dma_start3A_32 : memref<40960x64xf32, #tpu.memory_space<hbm>>) target(%arg10 : memref<128x64xf32, #tpu.memory_space<vmem>>) offsets(%dma_start3A_29 : memref<128xi32, #tpu.memory_space<vmem>>) semaphore(%arg17 : memref<!tpu.dma_semaphore, #tpu.memory_space<semaphore_mem>>)
    %dma_start3A_33 = arith.constant 1 : i32
    %dma_start3A_34 = arith.constant 0 : i32
    %dma_start3A_35 = tpu.memref_slice %arg8[%dma_start3A_33, %dma_start3A_34] : memref<160x128xi32, #tpu.memory_space<vmem>> -> memref<1x128xi32, #tpu.memory_space<vmem>>
    %dma_start3A_36 = tpu.memref_squeeze %dma_start3A_35 : memref<1x128xi32, #tpu.memory_space<vmem>> -> memref<128xi32, #tpu.memory_space<vmem>>
    %dma_start3A_37 = arith.constant 0 : i32
    %dma_start3A_38 = arith.constant 0 : i32
    %dma_start3A_39 = tpu.memref_slice %arg2[%dma_start3A_37, %dma_start3A_38] : memref<40960x64xf32, #tpu.memory_space<hbm>> -> memref<40960x64xf32, #tpu.memory_space<hbm>>
    tpu.enqueue_indirect_dma source(%dma_start3A_39 : memref<40960x64xf32, #tpu.memory_space<hbm>>) target(%arg11 : memref<128x64xf32, #tpu.memory_space<vmem>>) offsets(%dma_start3A_36 : memref<128xi32, #tpu.memory_space<vmem>>) semaphore(%arg18 : memref<!tpu.dma_semaphore, #tpu.memory_space<semaphore_mem>>)
    %dma_start3A_40 = arith.constant 2 : i32
    %dma_start3A_41 = arith.constant 0 : i32
    %dma_start3A_42 = tpu.memref_slice %arg8[%dma_start3A_40, %dma_start3A_41] : memref<160x128xi32, #tpu.memory_space<vmem>> -> memref<1x128xi32, #tpu.memory_space<vmem>>
    %dma_start3A_43 = tpu.memref_squeeze %dma_start3A_42 : memref<1x128xi32, #tpu.memory_space<vmem>> -> memref<128xi32, #tpu.memory_space<vmem>>
    %dma_start3A_44 = arith.constant 0 : i32
    %dma_start3A_45 = arith.constant 0 : i32
    %dma_start3A_46 = tpu.memref_slice %arg2[%dma_start3A_44, %dma_start3A_45] : memref<40960x64xf32, #tpu.memory_space<hbm>> -> memref<40960x64xf32, #tpu.memory_space<hbm>>
    tpu.enqueue_indirect_dma source(%dma_start3A_46 : memref<40960x64xf32, #tpu.memory_space<hbm>>) target(%arg12 : memref<128x64xf32, #tpu.memory_space<vmem>>) offsets(%dma_start3A_43 : memref<128xi32, #tpu.memory_space<vmem>>) semaphore(%arg19 : memref<!tpu.dma_semaphore, #tpu.memory_space<semaphore_mem>>)
    %dma_start3A_47 = arith.constant 3 : i32
    %dma_start3A_48 = arith.constant 0 : i32
    %dma_start3A_49 = tpu.memref_slice %arg8[%dma_start3A_47, %dma_start3A_48] : memref<160x128xi32, #tpu.memory_space<vmem>> -> memref<1x128xi32, #tpu.memory_space<vmem>>
    %dma_start3A_50 = tpu.memref_squeeze %dma_start3A_49 : memref<1x128xi32, #tpu.memory_space<vmem>> -> memref<128xi32, #tpu.memory_space<vmem>>
    %dma_start3A_51 = arith.constant 0 : i32
    %dma_start3A_52 = arith.constant 0 : i32
    %dma_start3A_53 = tpu.memref_slice %arg2[%dma_start3A_51, %dma_start3A_52] : memref<40960x64xf32, #tpu.memory_space<hbm>> -> memref<40960x64xf32, #tpu.memory_space<hbm>>
    tpu.enqueue_indirect_dma source(%dma_start3A_53 : memref<40960x64xf32, #tpu.memory_space<hbm>>) target(%arg13 : memref<128x64xf32, #tpu.memory_space<vmem>>) offsets(%dma_start3A_50 : memref<128xi32, #tpu.memory_space<vmem>>) semaphore(%arg20 : memref<!tpu.dma_semaphore, #tpu.memory_space<semaphore_mem>>)
    %dma_wait3A = arith.constant 0 : i32
    %dma_wait3A_54 = arith.constant 0 : i32
    %dma_wait3A_55 = tpu.memref_slice %arg8[%dma_wait3A, %dma_wait3A_54] : memref<160x128xi32, #tpu.memory_space<vmem>> -> memref<1x128xi32, #tpu.memory_space<vmem>>
    %dma_wait3A_56 = tpu.memref_squeeze %dma_wait3A_55 : memref<1x128xi32, #tpu.memory_space<vmem>> -> memref<128xi32, #tpu.memory_space<vmem>>
    %dma_wait3A_57 = arith.constant 0 : i32
    %dma_wait3A_58 = arith.constant 0 : i32
    %dma_wait3A_59 = tpu.memref_slice %arg2[%dma_wait3A_57, %dma_wait3A_58] : memref<40960x64xf32, #tpu.memory_space<hbm>> -> memref<40960x64xf32, #tpu.memory_space<hbm>>
    tpu.wait_indirect_dma semaphore(%arg17 : memref<!tpu.dma_semaphore, #tpu.memory_space<semaphore_mem>>) src(%dma_wait3A_59 : memref<40960x64xf32, #tpu.memory_space<hbm>>) dst(%arg10 : memref<128x64xf32, #tpu.memory_space<vmem>>)
    %dma_start3A_60 = arith.constant 0 : i32
    %dma_start3A_61 = arith.constant 0 : i32
    %dma_start3A_62 = tpu.memref_slice %arg9[%dma_start3A_60, %dma_start3A_61] : memref<160x128xi32, #tpu.memory_space<vmem>> -> memref<1x128xi32, #tpu.memory_space<vmem>>
    %dma_start3A_63 = tpu.memref_squeeze %dma_start3A_62 : memref<1x128xi32, #tpu.memory_space<vmem>> -> memref<128xi32, #tpu.memory_space<vmem>>
    %dma_start3A_64 = arith.constant 0 : i32
    %dma_start3A_65 = arith.constant 0 : i32
    %dma_start3A_66 = tpu.memref_slice %arg16[%dma_start3A_64, %dma_start3A_65] : memref<10240x64xf32, #tpu.memory_space<vmem_shared>> -> memref<10240x64xf32, #tpu.memory_space<vmem_shared>>
    tpu.enqueue_indirect_dma source(%arg10 : memref<128x64xf32, #tpu.memory_space<vmem>>) target(%dma_start3A_66 : memref<10240x64xf32, #tpu.memory_space<vmem_shared>>) offsets(%dma_start3A_63 : memref<128xi32, #tpu.memory_space<vmem>>) semaphore(%arg23 : memref<!tpu.dma_semaphore, #tpu.memory_space<semaphore_mem>>) {add = true}
    %dma_start3A_67 = arith.constant 4 : i32
    %dma_start3A_68 = arith.constant 0 : i32
    %dma_start3A_69 = tpu.memref_slice %arg8[%dma_start3A_67, %dma_start3A_68] : memref<160x128xi32, #tpu.memory_space<vmem>> -> memref<1x128xi32, #tpu.memory_space<vmem>>
    %dma_start3A_70 = tpu.memref_squeeze %dma_start3A_69 : memref<1x128xi32, #tpu.memory_space<vmem>> -> memref<128xi32, #tpu.memory_space<vmem>>
    %dma_start3A_71 = arith.constant 0 : i32
    %dma_start3A_72 = arith.constant 0 : i32
    %dma_start3A_73 = tpu.memref_slice %arg2[%dma_start3A_71, %dma_start3A_72] : memref<40960x64xf32, #tpu.memory_space<hbm>> -> memref<40960x64xf32, #tpu.memory_space<hbm>>
    tpu.enqueue_indirect_dma source(%dma_start3A_73 : memref<40960x64xf32, #tpu.memory_space<hbm>>) target(%arg14 : memref<128x64xf32, #tpu.memory_space<vmem>>) offsets(%dma_start3A_70 : memref<128xi32, #tpu.memory_space<vmem>>) semaphore(%arg21 : memref<!tpu.dma_semaphore, #tpu.memory_space<semaphore_mem>>)
    %dma_wait3A_74 = arith.constant 1 : i32
    %dma_wait3A_75 = arith.constant 0 : i32
    %dma_wait3A_76 = tpu.memref_slice %arg8[%dma_wait3A_74, %dma_wait3A_75] : memref<160x128xi32, #tpu.memory_space<vmem>> -> memref<1x128xi32, #tpu.memory_space<vmem>>
    %dma_wait3A_77 = tpu.memref_squeeze %dma_wait3A_76 : memref<1x128xi32, #tpu.memory_space<vmem>> -> memref<128xi32, #tpu.memory_space<vmem>>
    %dma_wait3A_78 = arith.constant 0 : i32
    %dma_wait3A_79 = arith.constant 0 : i32
    %dma_wait3A_80 = tpu.memref_slice %arg2[%dma_wait3A_78, %dma_wait3A_79] : memref<40960x64xf32, #tpu.memory_space<hbm>> -> memref<40960x64xf32, #tpu.memory_space<hbm>>
    tpu.wait_indirect_dma semaphore(%arg18 : memref<!tpu.dma_semaphore, #tpu.memory_space<semaphore_mem>>) src(%dma_wait3A_80 : memref<40960x64xf32, #tpu.memory_space<hbm>>) dst(%arg11 : memref<128x64xf32, #tpu.memory_space<vmem>>)
    %dma_start3A_81 = arith.constant 1 : i32
    %dma_start3A_82 = arith.constant 0 : i32
    %dma_start3A_83 = tpu.memref_slice %arg9[%dma_start3A_81, %dma_start3A_82] : memref<160x128xi32, #tpu.memory_space<vmem>> -> memref<1x128xi32, #tpu.memory_space<vmem>>
    %dma_start3A_84 = tpu.memref_squeeze %dma_start3A_83 : memref<1x128xi32, #tpu.memory_space<vmem>> -> memref<128xi32, #tpu.memory_space<vmem>>
    %dma_start3A_85 = arith.constant 0 : i32
    %dma_start3A_86 = arith.constant 0 : i32
    %dma_start3A_87 = tpu.memref_slice %arg16[%dma_start3A_85, %dma_start3A_86] : memref<10240x64xf32, #tpu.memory_space<vmem_shared>> -> memref<10240x64xf32, #tpu.memory_space<vmem_shared>>
    tpu.enqueue_indirect_dma source(%arg11 : memref<128x64xf32, #tpu.memory_space<vmem>>) target(%dma_start3A_87 : memref<10240x64xf32, #tpu.memory_space<vmem_shared>>) offsets(%dma_start3A_84 : memref<128xi32, #tpu.memory_space<vmem>>) semaphore(%arg24 : memref<!tpu.dma_semaphore, #tpu.memory_space<semaphore_mem>>) {add = true}
    %dma_start3A_88 = arith.constant 5 : i32
    %dma_start3A_89 = arith.constant 0 : i32
    %dma_start3A_90 = tpu.memref_slice %arg8[%dma_start3A_88, %dma_start3A_89] : memref<160x128xi32, #tpu.memory_space<vmem>> -> memref<1x128xi32, #tpu.memory_space<vmem>>
    %dma_start3A_91 = tpu.memref_squeeze %dma_start3A_90 : memref<1x128xi32, #tpu.memory_space<vmem>> -> memref<128xi32, #tpu.memory_space<vmem>>
    %dma_start3A_92 = arith.constant 0 : i32
    %dma_start3A_93 = arith.constant 0 : i32
    %dma_start3A_94 = tpu.memref_slice %arg2[%dma_start3A_92, %dma_start3A_93] : memref<40960x64xf32, #tpu.memory_space<hbm>> -> memref<40960x64xf32, #tpu.memory_space<hbm>>
    tpu.enqueue_indirect_dma source(%dma_start3A_94 : memref<40960x64xf32, #tpu.memory_space<hbm>>) target(%arg15 : memref<128x64xf32, #tpu.memory_space<vmem>>) offsets(%dma_start3A_91 : memref<128xi32, #tpu.memory_space<vmem>>) semaphore(%arg22 : memref<!tpu.dma_semaphore, #tpu.memory_space<semaphore_mem>>)
    %dma_wait3A_95 = arith.constant 2 : i32
    %dma_wait3A_96 = arith.constant 0 : i32
    %dma_wait3A_97 = tpu.memref_slice %arg8[%dma_wait3A_95, %dma_wait3A_96] : memref<160x128xi32, #tpu.memory_space<vmem>> -> memref<1x128xi32, #tpu.memory_space<vmem>>
    %dma_wait3A_98 = tpu.memref_squeeze %dma_wait3A_97 : memref<1x128xi32, #tpu.memory_space<vmem>> -> memref<128xi32, #tpu.memory_space<vmem>>
    %dma_wait3A_99 = arith.constant 0 : i32
    %dma_wait3A_100 = arith.constant 0 : i32
    %dma_wait3A_101 = tpu.memref_slice %arg2[%dma_wait3A_99, %dma_wait3A_100] : memref<40960x64xf32, #tpu.memory_space<hbm>> -> memref<40960x64xf32, #tpu.memory_space<hbm>>
    tpu.wait_indirect_dma semaphore(%arg19 : memref<!tpu.dma_semaphore, #tpu.memory_space<semaphore_mem>>) src(%dma_wait3A_101 : memref<40960x64xf32, #tpu.memory_space<hbm>>) dst(%arg12 : memref<128x64xf32, #tpu.memory_space<vmem>>)
    %dma_start3A_102 = arith.constant 2 : i32
    %dma_start3A_103 = arith.constant 0 : i32
    %dma_start3A_104 = tpu.memref_slice %arg9[%dma_start3A_102, %dma_start3A_103] : memref<160x128xi32, #tpu.memory_space<vmem>> -> memref<1x128xi32, #tpu.memory_space<vmem>>
    %dma_start3A_105 = tpu.memref_squeeze %dma_start3A_104 : memref<1x128xi32, #tpu.memory_space<vmem>> -> memref<128xi32, #tpu.memory_space<vmem>>
    %dma_start3A_106 = arith.constant 0 : i32
    %dma_start3A_107 = arith.constant 0 : i32
    %dma_start3A_108 = tpu.memref_slice %arg16[%dma_start3A_106, %dma_start3A_107] : memref<10240x64xf32, #tpu.memory_space<vmem_shared>> -> memref<10240x64xf32, #tpu.memory_space<vmem_shared>>
    tpu.enqueue_indirect_dma source(%arg12 : memref<128x64xf32, #tpu.memory_space<vmem>>) target(%dma_start3A_108 : memref<10240x64xf32, #tpu.memory_space<vmem_shared>>) offsets(%dma_start3A_105 : memref<128xi32, #tpu.memory_space<vmem>>) semaphore(%arg25 : memref<!tpu.dma_semaphore, #tpu.memory_space<semaphore_mem>>) {add = true}
    %dma_wait3A_109 = arith.constant 0 : i32
    %dma_wait3A_110 = arith.constant 0 : i32
    %dma_wait3A_111 = tpu.memref_slice %arg9[%dma_wait3A_109, %dma_wait3A_110] : memref<160x128xi32, #tpu.memory_space<vmem>> -> memref<1x128xi32, #tpu.memory_space<vmem>>
    %dma_wait3A_112 = tpu.memref_squeeze %dma_wait3A_111 : memref<1x128xi32, #tpu.memory_space<vmem>> -> memref<128xi32, #tpu.memory_space<vmem>>
    %dma_wait3A_113 = arith.constant 0 : i32
    %dma_wait3A_114 = arith.constant 0 : i32
    %dma_wait3A_115 = tpu.memref_slice %arg16[%dma_wait3A_113, %dma_wait3A_114] : memref<10240x64xf32, #tpu.memory_space<vmem_shared>> -> memref<10240x64xf32, #tpu.memory_space<vmem_shared>>
    tpu.wait_indirect_dma semaphore(%arg23 : memref<!tpu.dma_semaphore, #tpu.memory_space<semaphore_mem>>) src(%arg10 : memref<128x64xf32, #tpu.memory_space<vmem>>) dst(%dma_wait3A_115 : memref<10240x64xf32, #tpu.memory_space<vmem_shared>>)
    %dma_start3A_116 = arith.constant 6 : i32
    %dma_start3A_117 = arith.constant 0 : i32
    %dma_start3A_118 = tpu.memref_slice %arg8[%dma_start3A_116, %dma_start3A_117] : memref<160x128xi32, #tpu.memory_space<vmem>> -> memref<1x128xi32, #tpu.memory_space<vmem>>
    %dma_start3A_119 = tpu.memref_squeeze %dma_start3A_118 : memref<1x128xi32, #tpu.memory_space<vmem>> -> memref<128xi32, #tpu.memory_space<vmem>>
    %dma_start3A_120 = arith.constant 0 : i32
    %dma_start3A_121 = arith.constant 0 : i32
    %dma_start3A_122 = tpu.memref_slice %arg2[%dma_start3A_120, %dma_start3A_121] : memref<40960x64xf32, #tpu.memory_space<hbm>> -> memref<40960x64xf32, #tpu.memory_space<hbm>>
    tpu.enqueue_indirect_dma source(%dma_start3A_122 : memref<40960x64xf32, #tpu.memory_space<hbm>>) target(%arg10 : memref<128x64xf32, #tpu.memory_space<vmem>>) offsets(%dma_start3A_119 : memref<128xi32, #tpu.memory_space<vmem>>) semaphore(%arg17 : memref<!tpu.dma_semaphore, #tpu.memory_space<semaphore_mem>>)
    %dma_wait3A_123 = arith.constant 3 : i32
    %dma_wait3A_124 = arith.constant 0 : i32
    %dma_wait3A_125 = tpu.memref_slice %arg8[%dma_wait3A_123, %dma_wait3A_124] : memref<160x128xi32, #tpu.memory_space<vmem>> -> memref<1x128xi32, #tpu.memory_space<vmem>>
    %dma_wait3A_126 = tpu.memref_squeeze %dma_wait3A_125 : memref<1x128xi32, #tpu.memory_space<vmem>> -> memref<128xi32, #tpu.memory_space<vmem>>
    %dma_wait3A_127 = arith.constant 0 : i32
    %dma_wait3A_128 = arith.constant 0 : i32
    %dma_wait3A_129 = tpu.memref_slice %arg2[%dma_wait3A_127, %dma_wait3A_128] : memref<40960x64xf32, #tpu.memory_space<hbm>> -> memref<40960x64xf32, #tpu.memory_space<hbm>>
    tpu.wait_indirect_dma semaphore(%arg20 : memref<!tpu.dma_semaphore, #tpu.memory_space<semaphore_mem>>) src(%dma_wait3A_129 : memref<40960x64xf32, #tpu.memory_space<hbm>>) dst(%arg13 : memref<128x64xf32, #tpu.memory_space<vmem>>)
    %dma_start3A_130 = arith.constant 3 : i32
    %dma_start3A_131 = arith.constant 0 : i32
    %dma_start3A_132 = tpu.memref_slice %arg9[%dma_start3A_130, %dma_start3A_131] : memref<160x128xi32, #tpu.memory_space<vmem>> -> memref<1x128xi32, #tpu.memory_space<vmem>>
    %dma_start3A_133 = tpu.memref_squeeze %dma_start3A_132 : memref<1x128xi32, #tpu.memory_space<vmem>> -> memref<128xi32, #tpu.memory_space<vmem>>
    %dma_start3A_134 = arith.constant 0 : i32
    %dma_start3A_135 = arith.constant 0 : i32
    %dma_start3A_136 = tpu.memref_slice %arg16[%dma_start3A_134, %dma_start3A_135] : memref<10240x64xf32, #tpu.memory_space<vmem_shared>> -> memref<10240x64xf32, #tpu.memory_space<vmem_shared>>
    tpu.enqueue_indirect_dma source(%arg13 : memref<128x64xf32, #tpu.memory_space<vmem>>) target(%dma_start3A_136 : memref<10240x64xf32, #tpu.memory_space<vmem_shared>>) offsets(%dma_start3A_133 : memref<128xi32, #tpu.memory_space<vmem>>) semaphore(%arg26 : memref<!tpu.dma_semaphore, #tpu.memory_space<semaphore_mem>>) {add = true}
    %dma_wait3A_137 = arith.constant 0 : i32
    %dma_wait3A_138 = arith.constant 0 : i32
    %dma_wait3A_139 = tpu.memref_slice %arg9[%dma_wait3A_137, %dma_wait3A_138] : memref<160x128xi32, #tpu.memory_space<vmem>> -> memref<1x128xi32, #tpu.memory_space<vmem>>
    %dma_wait3A_140 = tpu.memref_squeeze %dma_wait3A_139 : memref<1x128xi32, #tpu.memory_space<vmem>> -> memref<128xi32, #tpu.memory_space<vmem>>
    %dma_wait3A_141 = arith.constant 0 : i32
    %dma_wait3A_142 = arith.constant 0 : i32
    %dma_wait3A_143 = tpu.memref_slice %arg16[%dma_wait3A_141, %dma_wait3A_142] : memref<10240x64xf32, #tpu.memory_space<vmem_shared>> -> memref<10240x64xf32, #tpu.memory_space<vmem_shared>>
    tpu.wait_indirect_dma semaphore(%arg24 : memref<!tpu.dma_semaphore, #tpu.memory_space<semaphore_mem>>) src(%arg11 : memref<128x64xf32, #tpu.memory_space<vmem>>) dst(%dma_wait3A_143 : memref<10240x64xf32, #tpu.memory_space<vmem_shared>>)
    %dma_start3A_144 = arith.constant 7 : i32
    %dma_start3A_145 = arith.constant 0 : i32
    %dma_start3A_146 = tpu.memref_slice %arg8[%dma_start3A_144, %dma_start3A_145] : memref<160x128xi32, #tpu.memory_space<vmem>> -> memref<1x128xi32, #tpu.memory_space<vmem>>
    %dma_start3A_147 = tpu.memref_squeeze %dma_start3A_146 : memref<1x128xi32, #tpu.memory_space<vmem>> -> memref<128xi32, #tpu.memory_space<vmem>>
    %dma_start3A_148 = arith.constant 0 : i32
    %dma_start3A_149 = arith.constant 0 : i32
    %dma_start3A_150 = tpu.memref_slice %arg2[%dma_start3A_148, %dma_start3A_149] : memref<40960x64xf32, #tpu.memory_space<hbm>> -> memref<40960x64xf32, #tpu.memory_space<hbm>>
    tpu.enqueue_indirect_dma source(%dma_start3A_150 : memref<40960x64xf32, #tpu.memory_space<hbm>>) target(%arg11 : memref<128x64xf32, #tpu.memory_space<vmem>>) offsets(%dma_start3A_147 : memref<128xi32, #tpu.memory_space<vmem>>) semaphore(%arg18 : memref<!tpu.dma_semaphore, #tpu.memory_space<semaphore_mem>>)
    %dma_wait3A_151 = arith.constant 4 : i32
    %dma_wait3A_152 = arith.constant 0 : i32
    %dma_wait3A_153 = tpu.memref_slice %arg8[%dma_wait3A_151, %dma_wait3A_152] : memref<160x128xi32, #tpu.memory_space<vmem>> -> memref<1x128xi32, #tpu.memory_space<vmem>>
    %dma_wait3A_154 = tpu.memref_squeeze %dma_wait3A_153 : memref<1x128xi32, #tpu.memory_space<vmem>> -> memref<128xi32, #tpu.memory_space<vmem>>
    %dma_wait3A_155 = arith.constant 0 : i32
    %dma_wait3A_156 = arith.constant 0 : i32
    %dma_wait3A_157 = tpu.memref_slice %arg2[%dma_wait3A_155, %dma_wait3A_156] : memref<40960x64xf32, #tpu.memory_space<hbm>> -> memref<40960x64xf32, #tpu.memory_space<hbm>>
    tpu.wait_indirect_dma semaphore(%arg21 : memref<!tpu.dma_semaphore, #tpu.memory_space<semaphore_mem>>) src(%dma_wait3A_157 : memref<40960x64xf32, #tpu.memory_space<hbm>>) dst(%arg14 : memref<128x64xf32, #tpu.memory_space<vmem>>)
    %dma_start3A_158 = arith.constant 4 : i32
    %dma_start3A_159 = arith.constant 0 : i32
    %dma_start3A_160 = tpu.memref_slice %arg9[%dma_start3A_158, %dma_start3A_159] : memref<160x128xi32, #tpu.memory_space<vmem>> -> memref<1x128xi32, #tpu.memory_space<vmem>>
    %dma_start3A_161 = tpu.memref_squeeze %dma_start3A_160 : memref<1x128xi32, #tpu.memory_space<vmem>> -> memref<128xi32, #tpu.memory_space<vmem>>
    %dma_start3A_162 = arith.constant 0 : i32
    %dma_start3A_163 = arith.constant 0 : i32
    %dma_start3A_164 = tpu.memref_slice %arg16[%dma_start3A_162, %dma_start3A_163] : memref<10240x64xf32, #tpu.memory_space<vmem_shared>> -> memref<10240x64xf32, #tpu.memory_space<vmem_shared>>
    tpu.enqueue_indirect_dma source(%arg14 : memref<128x64xf32, #tpu.memory_space<vmem>>) target(%dma_start3A_164 : memref<10240x64xf32, #tpu.memory_space<vmem_shared>>) offsets(%dma_start3A_161 : memref<128xi32, #tpu.memory_space<vmem>>) semaphore(%arg27 : memref<!tpu.dma_semaphore, #tpu.memory_space<semaphore_mem>>) {add = true}
    %dma_wait3A_165 = arith.constant 0 : i32
    %dma_wait3A_166 = arith.constant 0 : i32
    %dma_wait3A_167 = tpu.memref_slice %arg9[%dma_wait3A_165, %dma_wait3A_166] : memref<160x128xi32, #tpu.memory_space<vmem>> -> memref<1x128xi32, #tpu.memory_space<vmem>>
    %dma_wait3A_168 = tpu.memref_squeeze %dma_wait3A_167 : memref<1x128xi32, #tpu.memory_space<vmem>> -> memref<128xi32, #tpu.memory_space<vmem>>
    %dma_wait3A_169 = arith.constant 0 : i32
    %dma_wait3A_170 = arith.constant 0 : i32
    %dma_wait3A_171 = tpu.memref_slice %arg16[%dma_wait3A_169, %dma_wait3A_170] : memref<10240x64xf32, #tpu.memory_space<vmem_shared>> -> memref<10240x64xf32, #tpu.memory_space<vmem_shared>>
    tpu.wait_indirect_dma semaphore(%arg25 : memref<!tpu.dma_semaphore, #tpu.memory_space<semaphore_mem>>) src(%arg12 : memref<128x64xf32, #tpu.memory_space<vmem>>) dst(%dma_wait3A_171 : memref<10240x64xf32, #tpu.memory_space<vmem_shared>>)
    %dma_start3A_172 = arith.constant 8 : i32
    %dma_start3A_173 = arith.constant 0 : i32
    %dma_start3A_174 = tpu.memref_slice %arg8[%dma_start3A_172, %dma_start3A_173] : memref<160x128xi32, #tpu.memory_space<vmem>> -> memref<1x128xi32, #tpu.memory_space<vmem>>
    %dma_start3A_175 = tpu.memref_squeeze %dma_start3A_174 : memref<1x128xi32, #tpu.memory_space<vmem>> -> memref<128xi32, #tpu.memory_space<vmem>>
    %dma_start3A_176 = arith.constant 0 : i32
    %dma_start3A_177 = arith.constant 0 : i32
    %dma_start3A_178 = tpu.memref_slice %arg2[%dma_start3A_176, %dma_start3A_177] : memref<40960x64xf32, #tpu.memory_space<hbm>> -> memref<40960x64xf32, #tpu.memory_space<hbm>>
    tpu.enqueue_indirect_dma source(%dma_start3A_178 : memref<40960x64xf32, #tpu.memory_space<hbm>>) target(%arg12 : memref<128x64xf32, #tpu.memory_space<vmem>>) offsets(%dma_start3A_175 : memref<128xi32, #tpu.memory_space<vmem>>) semaphore(%arg19 : memref<!tpu.dma_semaphore, #tpu.memory_space<semaphore_mem>>)
    %dma_wait3A_179 = arith.constant 5 : i32
    %dma_wait3A_180 = arith.constant 0 : i32
    %dma_wait3A_181 = tpu.memref_slice %arg8[%dma_wait3A_179, %dma_wait3A_180] : memref<160x128xi32, #tpu.memory_space<vmem>> -> memref<1x128xi32, #tpu.memory_space<vmem>>
    %dma_wait3A_182 = tpu.memref_squeeze %dma_wait3A_181 : memref<1x128xi32, #tpu.memory_space<vmem>> -> memref<128xi32, #tpu.memory_space<vmem>>
    %dma_wait3A_183 = arith.constant 0 : i32
    %dma_wait3A_184 = arith.constant 0 : i32
    %dma_wait3A_185 = tpu.memref_slice %arg2[%dma_wait3A_183, %dma_wait3A_184] : memref<40960x64xf32, #tpu.memory_space<hbm>> -> memref<40960x64xf32, #tpu.memory_space<hbm>>
    tpu.wait_indirect_dma semaphore(%arg22 : memref<!tpu.dma_semaphore, #tpu.memory_space<semaphore_mem>>) src(%dma_wait3A_185 : memref<40960x64xf32, #tpu.memory_space<hbm>>) dst(%arg15 : memref<128x64xf32, #tpu.memory_space<vmem>>)
    %dma_start3A_186 = arith.constant 5 : i32
    %dma_start3A_187 = arith.constant 0 : i32
    %dma_start3A_188 = tpu.memref_slice %arg9[%dma_start3A_186, %dma_start3A_187] : memref<160x128xi32, #tpu.memory_space<vmem>> -> memref<1x128xi32, #tpu.memory_space<vmem>>
    %dma_start3A_189 = tpu.memref_squeeze %dma_start3A_188 : memref<1x128xi32, #tpu.memory_space<vmem>> -> memref<128xi32, #tpu.memory_space<vmem>>
    %dma_start3A_190 = arith.constant 0 : i32
    %dma_start3A_191 = arith.constant 0 : i32
    %dma_start3A_192 = tpu.memref_slice %arg16[%dma_start3A_190, %dma_start3A_191] : memref<10240x64xf32, #tpu.memory_space<vmem_shared>> -> memref<10240x64xf32, #tpu.memory_space<vmem_shared>>
    tpu.enqueue_indirect_dma source(%arg15 : memref<128x64xf32, #tpu.memory_space<vmem>>) target(%dma_start3A_192 : memref<10240x64xf32, #tpu.memory_space<vmem_shared>>) offsets(%dma_start3A_189 : memref<128xi32, #tpu.memory_space<vmem>>) semaphore(%arg28 : memref<!tpu.dma_semaphore, #tpu.memory_space<semaphore_mem>>) {add = true}
    %dma_wait3A_193 = arith.constant 0 : i32
    %dma_wait3A_194 = arith.constant 0 : i32
    %dma_wait3A_195 = tpu.memref_slice %arg9[%dma_wait3A_193, %dma_wait3A_194] : memref<160x128xi32, #tpu.memory_space<vmem>> -> memref<1x128xi32, #tpu.memory_space<vmem>>
    %dma_wait3A_196 = tpu.memref_squeeze %dma_wait3A_195 : memref<1x128xi32, #tpu.memory_space<vmem>> -> memref<128xi32, #tpu.memory_space<vmem>>
    %dma_wait3A_197 = arith.constant 0 : i32
    %dma_wait3A_198 = arith.constant 0 : i32
    %dma_wait3A_199 = tpu.memref_slice %arg16[%dma_wait3A_197, %dma_wait3A_198] : memref<10240x64xf32, #tpu.memory_space<vmem_shared>> -> memref<10240x64xf32, #tpu.memory_space<vmem_shared>>
    tpu.wait_indirect_dma semaphore(%arg26 : memref<!tpu.dma_semaphore, #tpu.memory_space<semaphore_mem>>) src(%arg13 : memref<128x64xf32, #tpu.memory_space<vmem>>) dst(%dma_wait3A_199 : memref<10240x64xf32, #tpu.memory_space<vmem_shared>>)
    %dma_start3A_200 = arith.constant 9 : i32
    %dma_start3A_201 = arith.constant 0 : i32
    %dma_start3A_202 = tpu.memref_slice %arg8[%dma_start3A_200, %dma_start3A_201] : memref<160x128xi32, #tpu.memory_space<vmem>> -> memref<1x128xi32, #tpu.memory_space<vmem>>
    %dma_start3A_203 = tpu.memref_squeeze %dma_start3A_202 : memref<1x128xi32, #tpu.memory_space<vmem>> -> memref<128xi32, #tpu.memory_space<vmem>>
    %dma_start3A_204 = arith.constant 0 : i32
    %dma_start3A_205 = arith.constant 0 : i32
    %dma_start3A_206 = tpu.memref_slice %arg2[%dma_start3A_204, %dma_start3A_205] : memref<40960x64xf32, #tpu.memory_space<hbm>> -> memref<40960x64xf32, #tpu.memory_space<hbm>>
    tpu.enqueue_indirect_dma source(%dma_start3A_206 : memref<40960x64xf32, #tpu.memory_space<hbm>>) target(%arg13 : memref<128x64xf32, #tpu.memory_space<vmem>>) offsets(%dma_start3A_203 : memref<128xi32, #tpu.memory_space<vmem>>) semaphore(%arg20 : memref<!tpu.dma_semaphore, #tpu.memory_space<semaphore_mem>>)
    %scan3A_207 = arith.constant 0 : i32
    %scan3A_208 = arith.constant 1 : i32
    %scan3A_209 = arith.constant 25 : i32
    %scan3A_210 = arith.addi %scan3A_208, %scan3A_209 : i32
    %scan3A_211 = arith.constant 1 : i32
    scf.for %scan3A_696 = %scan3A_208 to %scan3A_210 step %scan3A_211  : i32 {
      %mul3A_697 = arith.constant 6 : i32
      %mul3A_698 = arith.muli %scan3A_696, %mul3A_697 : i32
      %add3A_699 = arith.constant 0 : i32
      %add3A_700 = arith.addi %mul3A_698, %add3A_699 : i32
      %dma_wait3A_701 = arith.constant 0 : i32
      %dma_wait3A_702 = tpu.memref_slice %arg8[%add3A_700, %dma_wait3A_701] : memref<160x128xi32, #tpu.memory_space<vmem>> -> memref<1x128xi32, #tpu.memory_space<vmem>>
      %dma_wait3A_703 = tpu.memref_squeeze %dma_wait3A_702 : memref<1x128xi32, #tpu.memory_space<vmem>> -> memref<128xi32, #tpu.memory_space<vmem>>
      %dma_wait3A_704 = arith.constant 0 : i32
      %dma_wait3A_705 = arith.constant 0 : i32
      %dma_wait3A_706 = tpu.memref_slice %arg2[%dma_wait3A_704, %dma_wait3A_705] : memref<40960x64xf32, #tpu.memory_space<hbm>> -> memref<40960x64xf32, #tpu.memory_space<hbm>>
      tpu.wait_indirect_dma semaphore(%arg17 : memref<!tpu.dma_semaphore, #tpu.memory_space<semaphore_mem>>) src(%dma_wait3A_706 : memref<40960x64xf32, #tpu.memory_space<hbm>>) dst(%arg10 : memref<128x64xf32, #tpu.memory_space<vmem>>)
      %dma_start3A_707 = arith.constant 0 : i32
      %dma_start3A_708 = tpu.memref_slice %arg9[%add3A_700, %dma_start3A_707] : memref<160x128xi32, #tpu.memory_space<vmem>> -> memref<1x128xi32, #tpu.memory_space<vmem>>
      %dma_start3A_709 = tpu.memref_squeeze %dma_start3A_708 : memref<1x128xi32, #tpu.memory_space<vmem>> -> memref<128xi32, #tpu.memory_space<vmem>>
      %dma_start3A_710 = arith.constant 0 : i32
      %dma_start3A_711 = arith.constant 0 : i32
      %dma_start3A_712 = tpu.memref_slice %arg16[%dma_start3A_710, %dma_start3A_711] : memref<10240x64xf32, #tpu.memory_space<vmem_shared>> -> memref<10240x64xf32, #tpu.memory_space<vmem_shared>>
      tpu.enqueue_indirect_dma source(%arg10 : memref<128x64xf32, #tpu.memory_space<vmem>>) target(%dma_start3A_712 : memref<10240x64xf32, #tpu.memory_space<vmem_shared>>) offsets(%dma_start3A_709 : memref<128xi32, #tpu.memory_space<vmem>>) semaphore(%arg23 : memref<!tpu.dma_semaphore, #tpu.memory_space<semaphore_mem>>) {add = true}
      %dma_wait3A_713 = arith.constant 0 : i32
      %dma_wait3A_714 = arith.constant 0 : i32
      %dma_wait3A_715 = tpu.memref_slice %arg9[%dma_wait3A_713, %dma_wait3A_714] : memref<160x128xi32, #tpu.memory_space<vmem>> -> memref<1x128xi32, #tpu.memory_space<vmem>>
      %dma_wait3A_716 = tpu.memref_squeeze %dma_wait3A_715 : memref<1x128xi32, #tpu.memory_space<vmem>> -> memref<128xi32, #tpu.memory_space<vmem>>
      %dma_wait3A_717 = arith.constant 0 : i32
      %dma_wait3A_718 = arith.constant 0 : i32
      %dma_wait3A_719 = tpu.memref_slice %arg16[%dma_wait3A_717, %dma_wait3A_718] : memref<10240x64xf32, #tpu.memory_space<vmem_shared>> -> memref<10240x64xf32, #tpu.memory_space<vmem_shared>>
      tpu.wait_indirect_dma semaphore(%arg27 : memref<!tpu.dma_semaphore, #tpu.memory_space<semaphore_mem>>) src(%arg14 : memref<128x64xf32, #tpu.memory_space<vmem>>) dst(%dma_wait3A_719 : memref<10240x64xf32, #tpu.memory_space<vmem_shared>>)
      %add3A_720 = arith.constant 6 : i32
      %add3A_721 = arith.addi %add3A_700, %add3A_720 : i32
      %sub3A = arith.constant 2 : i32
      %sub3A_722 = arith.subi %add3A_721, %sub3A : i32
      %dma_start3A_723 = arith.constant 0 : i32
      %dma_start3A_724 = tpu.memref_slice %arg8[%sub3A_722, %dma_start3A_723] : memref<160x128xi32, #tpu.memory_space<vmem>> -> memref<1x128xi32, #tpu.memory_space<vmem>>
      %dma_start3A_725 = tpu.memref_squeeze %dma_start3A_724 : memref<1x128xi32, #tpu.memory_space<vmem>> -> memref<128xi32, #tpu.memory_space<vmem>>
      %dma_start3A_726 = arith.constant 0 : i32
      %dma_start3A_727 = arith.constant 0 : i32
      %dma_start3A_728 = tpu.memref_slice %arg2[%dma_start3A_726, %dma_start3A_727] : memref<40960x64xf32, #tpu.memory_space<hbm>> -> memref<40960x64xf32, #tpu.memory_space<hbm>>
      tpu.enqueue_indirect_dma source(%dma_start3A_728 : memref<40960x64xf32, #tpu.memory_space<hbm>>) target(%arg14 : memref<128x64xf32, #tpu.memory_space<vmem>>) offsets(%dma_start3A_725 : memref<128xi32, #tpu.memory_space<vmem>>) semaphore(%arg21 : memref<!tpu.dma_semaphore, #tpu.memory_space<semaphore_mem>>)
      %mul3A_729 = arith.constant 6 : i32
      %mul3A_730 = arith.muli %scan3A_696, %mul3A_729 : i32
      %add3A_731 = arith.constant 1 : i32
      %add3A_732 = arith.addi %mul3A_730, %add3A_731 : i32
      %dma_wait3A_733 = arith.constant 0 : i32
      %dma_wait3A_734 = tpu.memref_slice %arg8[%add3A_732, %dma_wait3A_733] : memref<160x128xi32, #tpu.memory_space<vmem>> -> memref<1x128xi32, #tpu.memory_space<vmem>>
      %dma_wait3A_735 = tpu.memref_squeeze %dma_wait3A_734 : memref<1x128xi32, #tpu.memory_space<vmem>> -> memref<128xi32, #tpu.memory_space<vmem>>
      %dma_wait3A_736 = arith.constant 0 : i32
      %dma_wait3A_737 = arith.constant 0 : i32
      %dma_wait3A_738 = tpu.memref_slice %arg2[%dma_wait3A_736, %dma_wait3A_737] : memref<40960x64xf32, #tpu.memory_space<hbm>> -> memref<40960x64xf32, #tpu.memory_space<hbm>>
      tpu.wait_indirect_dma semaphore(%arg18 : memref<!tpu.dma_semaphore, #tpu.memory_space<semaphore_mem>>) src(%dma_wait3A_738 : memref<40960x64xf32, #tpu.memory_space<hbm>>) dst(%arg11 : memref<128x64xf32, #tpu.memory_space<vmem>>)
      %dma_start3A_739 = arith.constant 0 : i32
      %dma_start3A_740 = tpu.memref_slice %arg9[%add3A_732, %dma_start3A_739] : memref<160x128xi32, #tpu.memory_space<vmem>> -> memref<1x128xi32, #tpu.memory_space<vmem>>
      %dma_start3A_741 = tpu.memref_squeeze %dma_start3A_740 : memref<1x128xi32, #tpu.memory_space<vmem>> -> memref<128xi32, #tpu.memory_space<vmem>>
      %dma_start3A_742 = arith.constant 0 : i32
      %dma_start3A_743 = arith.constant 0 : i32
      %dma_start3A_744 = tpu.memref_slice %arg16[%dma_start3A_742, %dma_start3A_743] : memref<10240x64xf32, #tpu.memory_space<vmem_shared>> -> memref<10240x64xf32, #tpu.memory_space<vmem_shared>>
      tpu.enqueue_indirect_dma source(%arg11 : memref<128x64xf32, #tpu.memory_space<vmem>>) target(%dma_start3A_744 : memref<10240x64xf32, #tpu.memory_space<vmem_shared>>) offsets(%dma_start3A_741 : memref<128xi32, #tpu.memory_space<vmem>>) semaphore(%arg24 : memref<!tpu.dma_semaphore, #tpu.memory_space<semaphore_mem>>) {add = true}
      %dma_wait3A_745 = arith.constant 0 : i32
      %dma_wait3A_746 = arith.constant 0 : i32
      %dma_wait3A_747 = tpu.memref_slice %arg9[%dma_wait3A_745, %dma_wait3A_746] : memref<160x128xi32, #tpu.memory_space<vmem>> -> memref<1x128xi32, #tpu.memory_space<vmem>>
      %dma_wait3A_748 = tpu.memref_squeeze %dma_wait3A_747 : memref<1x128xi32, #tpu.memory_space<vmem>> -> memref<128xi32, #tpu.memory_space<vmem>>
      %dma_wait3A_749 = arith.constant 0 : i32
      %dma_wait3A_750 = arith.constant 0 : i32
      %dma_wait3A_751 = tpu.memref_slice %arg16[%dma_wait3A_749, %dma_wait3A_750] : memref<10240x64xf32, #tpu.memory_space<vmem_shared>> -> memref<10240x64xf32, #tpu.memory_space<vmem_shared>>
      tpu.wait_indirect_dma semaphore(%arg28 : memref<!tpu.dma_semaphore, #tpu.memory_space<semaphore_mem>>) src(%arg15 : memref<128x64xf32, #tpu.memory_space<vmem>>) dst(%dma_wait3A_751 : memref<10240x64xf32, #tpu.memory_space<vmem_shared>>)
      %add3A_752 = arith.constant 6 : i32
      %add3A_753 = arith.addi %add3A_732, %add3A_752 : i32
      %sub3A_754 = arith.constant 2 : i32
      %sub3A_755 = arith.subi %add3A_753, %sub3A_754 : i32
      %dma_start3A_756 = arith.constant 0 : i32
      %dma_start3A_757 = tpu.memref_slice %arg8[%sub3A_755, %dma_start3A_756] : memref<160x128xi32, #tpu.memory_space<vmem>> -> memref<1x128xi32, #tpu.memory_space<vmem>>
      %dma_start3A_758 = tpu.memref_squeeze %dma_start3A_757 : memref<1x128xi32, #tpu.memory_space<vmem>> -> memref<128xi32, #tpu.memory_space<vmem>>
      %dma_start3A_759 = arith.constant 0 : i32
      %dma_start3A_760 = arith.constant 0 : i32
      %dma_start3A_761 = tpu.memref_slice %arg2[%dma_start3A_759, %dma_start3A_760] : memref<40960x64xf32, #tpu.memory_space<hbm>> -> memref<40960x64xf32, #tpu.memory_space<hbm>>
      tpu.enqueue_indirect_dma source(%dma_start3A_761 : memref<40960x64xf32, #tpu.memory_space<hbm>>) target(%arg15 : memref<128x64xf32, #tpu.memory_space<vmem>>) offsets(%dma_start3A_758 : memref<128xi32, #tpu.memory_space<vmem>>) semaphore(%arg22 : memref<!tpu.dma_semaphore, #tpu.memory_space<semaphore_mem>>)
      %mul3A_762 = arith.constant 6 : i32
      %mul3A_763 = arith.muli %scan3A_696, %mul3A_762 : i32
      %add3A_764 = arith.constant 2 : i32
      %add3A_765 = arith.addi %mul3A_763, %add3A_764 : i32
      %dma_wait3A_766 = arith.constant 0 : i32
      %dma_wait3A_767 = tpu.memref_slice %arg8[%add3A_765, %dma_wait3A_766] : memref<160x128xi32, #tpu.memory_space<vmem>> -> memref<1x128xi32, #tpu.memory_space<vmem>>
      %dma_wait3A_768 = tpu.memref_squeeze %dma_wait3A_767 : memref<1x128xi32, #tpu.memory_space<vmem>> -> memref<128xi32, #tpu.memory_space<vmem>>
      %dma_wait3A_769 = arith.constant 0 : i32
      %dma_wait3A_770 = arith.constant 0 : i32
      %dma_wait3A_771 = tpu.memref_slice %arg2[%dma_wait3A_769, %dma_wait3A_770] : memref<40960x64xf32, #tpu.memory_space<hbm>> -> memref<40960x64xf32, #tpu.memory_space<hbm>>
      tpu.wait_indirect_dma semaphore(%arg19 : memref<!tpu.dma_semaphore, #tpu.memory_space<semaphore_mem>>) src(%dma_wait3A_771 : memref<40960x64xf32, #tpu.memory_space<hbm>>) dst(%arg12 : memref<128x64xf32, #tpu.memory_space<vmem>>)
      %dma_start3A_772 = arith.constant 0 : i32
      %dma_start3A_773 = tpu.memref_slice %arg9[%add3A_765, %dma_start3A_772] : memref<160x128xi32, #tpu.memory_space<vmem>> -> memref<1x128xi32, #tpu.memory_space<vmem>>
      %dma_start3A_774 = tpu.memref_squeeze %dma_start3A_773 : memref<1x128xi32, #tpu.memory_space<vmem>> -> memref<128xi32, #tpu.memory_space<vmem>>
      %dma_start3A_775 = arith.constant 0 : i32
      %dma_start3A_776 = arith.constant 0 : i32
      %dma_start3A_777 = tpu.memref_slice %arg16[%dma_start3A_775, %dma_start3A_776] : memref<10240x64xf32, #tpu.memory_space<vmem_shared>> -> memref<10240x64xf32, #tpu.memory_space<vmem_shared>>
      tpu.enqueue_indirect_dma source(%arg12 : memref<128x64xf32, #tpu.memory_space<vmem>>) target(%dma_start3A_777 : memref<10240x64xf32, #tpu.memory_space<vmem_shared>>) offsets(%dma_start3A_774 : memref<128xi32, #tpu.memory_space<vmem>>) semaphore(%arg25 : memref<!tpu.dma_semaphore, #tpu.memory_space<semaphore_mem>>) {add = true}
      %dma_wait3A_778 = arith.constant 0 : i32
      %dma_wait3A_779 = arith.constant 0 : i32
      %dma_wait3A_780 = tpu.memref_slice %arg9[%dma_wait3A_778, %dma_wait3A_779] : memref<160x128xi32, #tpu.memory_space<vmem>> -> memref<1x128xi32, #tpu.memory_space<vmem>>
      %dma_wait3A_781 = tpu.memref_squeeze %dma_wait3A_780 : memref<1x128xi32, #tpu.memory_space<vmem>> -> memref<128xi32, #tpu.memory_space<vmem>>
      %dma_wait3A_782 = arith.constant 0 : i32
      %dma_wait3A_783 = arith.constant 0 : i32
      %dma_wait3A_784 = tpu.memref_slice %arg16[%dma_wait3A_782, %dma_wait3A_783] : memref<10240x64xf32, #tpu.memory_space<vmem_shared>> -> memref<10240x64xf32, #tpu.memory_space<vmem_shared>>
      tpu.wait_indirect_dma semaphore(%arg23 : memref<!tpu.dma_semaphore, #tpu.memory_space<semaphore_mem>>) src(%arg10 : memref<128x64xf32, #tpu.memory_space<vmem>>) dst(%dma_wait3A_784 : memref<10240x64xf32, #tpu.memory_space<vmem_shared>>)
      %add3A_785 = arith.constant 6 : i32
      %add3A_786 = arith.addi %add3A_765, %add3A_785 : i32
      %sub3A_787 = arith.constant 2 : i32
      %sub3A_788 = arith.subi %add3A_786, %sub3A_787 : i32
      %dma_start3A_789 = arith.constant 0 : i32
      %dma_start3A_790 = tpu.memref_slice %arg8[%sub3A_788, %dma_start3A_789] : memref<160x128xi32, #tpu.memory_space<vmem>> -> memref<1x128xi32, #tpu.memory_space<vmem>>
      %dma_start3A_791 = tpu.memref_squeeze %dma_start3A_790 : memref<1x128xi32, #tpu.memory_space<vmem>> -> memref<128xi32, #tpu.memory_space<vmem>>
      %dma_start3A_792 = arith.constant 0 : i32
      %dma_start3A_793 = arith.constant 0 : i32
      %dma_start3A_794 = tpu.memref_slice %arg2[%dma_start3A_792, %dma_start3A_793] : memref<40960x64xf32, #tpu.memory_space<hbm>> -> memref<40960x64xf32, #tpu.memory_space<hbm>>
      tpu.enqueue_indirect_dma source(%dma_start3A_794 : memref<40960x64xf32, #tpu.memory_space<hbm>>) target(%arg10 : memref<128x64xf32, #tpu.memory_space<vmem>>) offsets(%dma_start3A_791 : memref<128xi32, #tpu.memory_space<vmem>>) semaphore(%arg17 : memref<!tpu.dma_semaphore, #tpu.memory_space<semaphore_mem>>)
      %mul3A_795 = arith.constant 6 : i32
      %mul3A_796 = arith.muli %scan3A_696, %mul3A_795 : i32
      %add3A_797 = arith.constant 3 : i32
      %add3A_798 = arith.addi %mul3A_796, %add3A_797 : i32
      %dma_wait3A_799 = arith.constant 0 : i32
      %dma_wait3A_800 = tpu.memref_slice %arg8[%add3A_798, %dma_wait3A_799] : memref<160x128xi32, #tpu.memory_space<vmem>> -> memref<1x128xi32, #tpu.memory_space<vmem>>
      %dma_wait3A_801 = tpu.memref_squeeze %dma_wait3A_800 : memref<1x128xi32, #tpu.memory_space<vmem>> -> memref<128xi32, #tpu.memory_space<vmem>>
      %dma_wait3A_802 = arith.constant 0 : i32
      %dma_wait3A_803 = arith.constant 0 : i32
      %dma_wait3A_804 = tpu.memref_slice %arg2[%dma_wait3A_802, %dma_wait3A_803] : memref<40960x64xf32, #tpu.memory_space<hbm>> -> memref<40960x64xf32, #tpu.memory_space<hbm>>
      tpu.wait_indirect_dma semaphore(%arg20 : memref<!tpu.dma_semaphore, #tpu.memory_space<semaphore_mem>>) src(%dma_wait3A_804 : memref<40960x64xf32, #tpu.memory_space<hbm>>) dst(%arg13 : memref<128x64xf32, #tpu.memory_space<vmem>>)
      %dma_start3A_805 = arith.constant 0 : i32
      %dma_start3A_806 = tpu.memref_slice %arg9[%add3A_798, %dma_start3A_805] : memref<160x128xi32, #tpu.memory_space<vmem>> -> memref<1x128xi32, #tpu.memory_space<vmem>>
      %dma_start3A_807 = tpu.memref_squeeze %dma_start3A_806 : memref<1x128xi32, #tpu.memory_space<vmem>> -> memref<128xi32, #tpu.memory_space<vmem>>
      %dma_start3A_808 = arith.constant 0 : i32
      %dma_start3A_809 = arith.constant 0 : i32
      %dma_start3A_810 = tpu.memref_slice %arg16[%dma_start3A_808, %dma_start3A_809] : memref<10240x64xf32, #tpu.memory_space<vmem_shared>> -> memref<10240x64xf32, #tpu.memory_space<vmem_shared>>
      tpu.enqueue_indirect_dma source(%arg13 : memref<128x64xf32, #tpu.memory_space<vmem>>) target(%dma_start3A_810 : memref<10240x64xf32, #tpu.memory_space<vmem_shared>>) offsets(%dma_start3A_807 : memref<128xi32, #tpu.memory_space<vmem>>) semaphore(%arg26 : memref<!tpu.dma_semaphore, #tpu.memory_space<semaphore_mem>>) {add = true}
      %dma_wait3A_811 = arith.constant 0 : i32
      %dma_wait3A_812 = arith.constant 0 : i32
      %dma_wait3A_813 = tpu.memref_slice %arg9[%dma_wait3A_811, %dma_wait3A_812] : memref<160x128xi32, #tpu.memory_space<vmem>> -> memref<1x128xi32, #tpu.memory_space<vmem>>
      %dma_wait3A_814 = tpu.memref_squeeze %dma_wait3A_813 : memref<1x128xi32, #tpu.memory_space<vmem>> -> memref<128xi32, #tpu.memory_space<vmem>>
      %dma_wait3A_815 = arith.constant 0 : i32
      %dma_wait3A_816 = arith.constant 0 : i32
      %dma_wait3A_817 = tpu.memref_slice %arg16[%dma_wait3A_815, %dma_wait3A_816] : memref<10240x64xf32, #tpu.memory_space<vmem_shared>> -> memref<10240x64xf32, #tpu.memory_space<vmem_shared>>
      tpu.wait_indirect_dma semaphore(%arg24 : memref<!tpu.dma_semaphore, #tpu.memory_space<semaphore_mem>>) src(%arg11 : memref<128x64xf32, #tpu.memory_space<vmem>>) dst(%dma_wait3A_817 : memref<10240x64xf32, #tpu.memory_space<vmem_shared>>)
      %add3A_818 = arith.constant 6 : i32
      %add3A_819 = arith.addi %add3A_798, %add3A_818 : i32
      %sub3A_820 = arith.constant 2 : i32
      %sub3A_821 = arith.subi %add3A_819, %sub3A_820 : i32
      %dma_start3A_822 = arith.constant 0 : i32
      %dma_start3A_823 = tpu.memref_slice %arg8[%sub3A_821, %dma_start3A_822] : memref<160x128xi32, #tpu.memory_space<vmem>> -> memref<1x128xi32, #tpu.memory_space<vmem>>
      %dma_start3A_824 = tpu.memref_squeeze %dma_start3A_823 : memref<1x128xi32, #tpu.memory_space<vmem>> -> memref<128xi32, #tpu.memory_space<vmem>>
      %dma_start3A_825 = arith.constant 0 : i32
      %dma_start3A_826 = arith.constant 0 : i32
      %dma_start3A_827 = tpu.memref_slice %arg2[%dma_start3A_825, %dma_start3A_826] : memref<40960x64xf32, #tpu.memory_space<hbm>> -> memref<40960x64xf32, #tpu.memory_space<hbm>>
      tpu.enqueue_indirect_dma source(%dma_start3A_827 : memref<40960x64xf32, #tpu.memory_space<hbm>>) target(%arg11 : memref<128x64xf32, #tpu.memory_space<vmem>>) offsets(%dma_start3A_824 : memref<128xi32, #tpu.memory_space<vmem>>) semaphore(%arg18 : memref<!tpu.dma_semaphore, #tpu.memory_space<semaphore_mem>>)
      %mul3A_828 = arith.constant 6 : i32
      %mul3A_829 = arith.muli %scan3A_696, %mul3A_828 : i32
      %add3A_830 = arith.constant 4 : i32
      %add3A_831 = arith.addi %mul3A_829, %add3A_830 : i32
      %dma_wait3A_832 = arith.constant 0 : i32
      %dma_wait3A_833 = tpu.memref_slice %arg8[%add3A_831, %dma_wait3A_832] : memref<160x128xi32, #tpu.memory_space<vmem>> -> memref<1x128xi32, #tpu.memory_space<vmem>>
      %dma_wait3A_834 = tpu.memref_squeeze %dma_wait3A_833 : memref<1x128xi32, #tpu.memory_space<vmem>> -> memref<128xi32, #tpu.memory_space<vmem>>
      %dma_wait3A_835 = arith.constant 0 : i32
      %dma_wait3A_836 = arith.constant 0 : i32
      %dma_wait3A_837 = tpu.memref_slice %arg2[%dma_wait3A_835, %dma_wait3A_836] : memref<40960x64xf32, #tpu.memory_space<hbm>> -> memref<40960x64xf32, #tpu.memory_space<hbm>>
      tpu.wait_indirect_dma semaphore(%arg21 : memref<!tpu.dma_semaphore, #tpu.memory_space<semaphore_mem>>) src(%dma_wait3A_837 : memref<40960x64xf32, #tpu.memory_space<hbm>>) dst(%arg14 : memref<128x64xf32, #tpu.memory_space<vmem>>)
      %dma_start3A_838 = arith.constant 0 : i32
      %dma_start3A_839 = tpu.memref_slice %arg9[%add3A_831, %dma_start3A_838] : memref<160x128xi32, #tpu.memory_space<vmem>> -> memref<1x128xi32, #tpu.memory_space<vmem>>
      %dma_start3A_840 = tpu.memref_squeeze %dma_start3A_839 : memref<1x128xi32, #tpu.memory_space<vmem>> -> memref<128xi32, #tpu.memory_space<vmem>>
      %dma_start3A_841 = arith.constant 0 : i32
      %dma_start3A_842 = arith.constant 0 : i32
      %dma_start3A_843 = tpu.memref_slice %arg16[%dma_start3A_841, %dma_start3A_842] : memref<10240x64xf32, #tpu.memory_space<vmem_shared>> -> memref<10240x64xf32, #tpu.memory_space<vmem_shared>>
      tpu.enqueue_indirect_dma source(%arg14 : memref<128x64xf32, #tpu.memory_space<vmem>>) target(%dma_start3A_843 : memref<10240x64xf32, #tpu.memory_space<vmem_shared>>) offsets(%dma_start3A_840 : memref<128xi32, #tpu.memory_space<vmem>>) semaphore(%arg27 : memref<!tpu.dma_semaphore, #tpu.memory_space<semaphore_mem>>) {add = true}
      %dma_wait3A_844 = arith.constant 0 : i32
      %dma_wait3A_845 = arith.constant 0 : i32
      %dma_wait3A_846 = tpu.memref_slice %arg9[%dma_wait3A_844, %dma_wait3A_845] : memref<160x128xi32, #tpu.memory_space<vmem>> -> memref<1x128xi32, #tpu.memory_space<vmem>>
      %dma_wait3A_847 = tpu.memref_squeeze %dma_wait3A_846 : memref<1x128xi32, #tpu.memory_space<vmem>> -> memref<128xi32, #tpu.memory_space<vmem>>
      %dma_wait3A_848 = arith.constant 0 : i32
      %dma_wait3A_849 = arith.constant 0 : i32
      %dma_wait3A_850 = tpu.memref_slice %arg16[%dma_wait3A_848, %dma_wait3A_849] : memref<10240x64xf32, #tpu.memory_space<vmem_shared>> -> memref<10240x64xf32, #tpu.memory_space<vmem_shared>>
      tpu.wait_indirect_dma semaphore(%arg25 : memref<!tpu.dma_semaphore, #tpu.memory_space<semaphore_mem>>) src(%arg12 : memref<128x64xf32, #tpu.memory_space<vmem>>) dst(%dma_wait3A_850 : memref<10240x64xf32, #tpu.memory_space<vmem_shared>>)
      %add3A_851 = arith.constant 6 : i32
      %add3A_852 = arith.addi %add3A_831, %add3A_851 : i32
      %sub3A_853 = arith.constant 2 : i32
      %sub3A_854 = arith.subi %add3A_852, %sub3A_853 : i32
      %dma_start3A_855 = arith.constant 0 : i32
      %dma_start3A_856 = tpu.memref_slice %arg8[%sub3A_854, %dma_start3A_855] : memref<160x128xi32, #tpu.memory_space<vmem>> -> memref<1x128xi32, #tpu.memory_space<vmem>>
      %dma_start3A_857 = tpu.memref_squeeze %dma_start3A_856 : memref<1x128xi32, #tpu.memory_space<vmem>> -> memref<128xi32, #tpu.memory_space<vmem>>
      %dma_start3A_858 = arith.constant 0 : i32
      %dma_start3A_859 = arith.constant 0 : i32
      %dma_start3A_860 = tpu.memref_slice %arg2[%dma_start3A_858, %dma_start3A_859] : memref<40960x64xf32, #tpu.memory_space<hbm>> -> memref<40960x64xf32, #tpu.memory_space<hbm>>
      tpu.enqueue_indirect_dma source(%dma_start3A_860 : memref<40960x64xf32, #tpu.memory_space<hbm>>) target(%arg12 : memref<128x64xf32, #tpu.memory_space<vmem>>) offsets(%dma_start3A_857 : memref<128xi32, #tpu.memory_space<vmem>>) semaphore(%arg19 : memref<!tpu.dma_semaphore, #tpu.memory_space<semaphore_mem>>)
      %mul3A_861 = arith.constant 6 : i32
      %mul3A_862 = arith.muli %scan3A_696, %mul3A_861 : i32
      %add3A_863 = arith.constant 5 : i32
      %add3A_864 = arith.addi %mul3A_862, %add3A_863 : i32
      %dma_wait3A_865 = arith.constant 0 : i32
      %dma_wait3A_866 = tpu.memref_slice %arg8[%add3A_864, %dma_wait3A_865] : memref<160x128xi32, #tpu.memory_space<vmem>> -> memref<1x128xi32, #tpu.memory_space<vmem>>
      %dma_wait3A_867 = tpu.memref_squeeze %dma_wait3A_866 : memref<1x128xi32, #tpu.memory_space<vmem>> -> memref<128xi32, #tpu.memory_space<vmem>>
      %dma_wait3A_868 = arith.constant 0 : i32
      %dma_wait3A_869 = arith.constant 0 : i32
      %dma_wait3A_870 = tpu.memref_slice %arg2[%dma_wait3A_868, %dma_wait3A_869] : memref<40960x64xf32, #tpu.memory_space<hbm>> -> memref<40960x64xf32, #tpu.memory_space<hbm>>
      tpu.wait_indirect_dma semaphore(%arg22 : memref<!tpu.dma_semaphore, #tpu.memory_space<semaphore_mem>>) src(%dma_wait3A_870 : memref<40960x64xf32, #tpu.memory_space<hbm>>) dst(%arg15 : memref<128x64xf32, #tpu.memory_space<vmem>>)
      %dma_start3A_871 = arith.constant 0 : i32
      %dma_start3A_872 = tpu.memref_slice %arg9[%add3A_864, %dma_start3A_871] : memref<160x128xi32, #tpu.memory_space<vmem>> -> memref<1x128xi32, #tpu.memory_space<vmem>>
      %dma_start3A_873 = tpu.memref_squeeze %dma_start3A_872 : memref<1x128xi32, #tpu.memory_space<vmem>> -> memref<128xi32, #tpu.memory_space<vmem>>
      %dma_start3A_874 = arith.constant 0 : i32
      %dma_start3A_875 = arith.constant 0 : i32
      %dma_start3A_876 = tpu.memref_slice %arg16[%dma_start3A_874, %dma_start3A_875] : memref<10240x64xf32, #tpu.memory_space<vmem_shared>> -> memref<10240x64xf32, #tpu.memory_space<vmem_shared>>
      tpu.enqueue_indirect_dma source(%arg15 : memref<128x64xf32, #tpu.memory_space<vmem>>) target(%dma_start3A_876 : memref<10240x64xf32, #tpu.memory_space<vmem_shared>>) offsets(%dma_start3A_873 : memref<128xi32, #tpu.memory_space<vmem>>) semaphore(%arg28 : memref<!tpu.dma_semaphore, #tpu.memory_space<semaphore_mem>>) {add = true}
      %dma_wait3A_877 = arith.constant 0 : i32
      %dma_wait3A_878 = arith.constant 0 : i32
      %dma_wait3A_879 = tpu.memref_slice %arg9[%dma_wait3A_877, %dma_wait3A_878] : memref<160x128xi32, #tpu.memory_space<vmem>> -> memref<1x128xi32, #tpu.memory_space<vmem>>
      %dma_wait3A_880 = tpu.memref_squeeze %dma_wait3A_879 : memref<1x128xi32, #tpu.memory_space<vmem>> -> memref<128xi32, #tpu.memory_space<vmem>>
      %dma_wait3A_881 = arith.constant 0 : i32
      %dma_wait3A_882 = arith.constant 0 : i32
      %dma_wait3A_883 = tpu.memref_slice %arg16[%dma_wait3A_881, %dma_wait3A_882] : memref<10240x64xf32, #tpu.memory_space<vmem_shared>> -> memref<10240x64xf32, #tpu.memory_space<vmem_shared>>
      tpu.wait_indirect_dma semaphore(%arg26 : memref<!tpu.dma_semaphore, #tpu.memory_space<semaphore_mem>>) src(%arg13 : memref<128x64xf32, #tpu.memory_space<vmem>>) dst(%dma_wait3A_883 : memref<10240x64xf32, #tpu.memory_space<vmem_shared>>)
      %add3A_884 = arith.constant 6 : i32
      %add3A_885 = arith.addi %add3A_864, %add3A_884 : i32
      %sub3A_886 = arith.constant 2 : i32
      %sub3A_887 = arith.subi %add3A_885, %sub3A_886 : i32
      %dma_start3A_888 = arith.constant 0 : i32
      %dma_start3A_889 = tpu.memref_slice %arg8[%sub3A_887, %dma_start3A_888] : memref<160x128xi32, #tpu.memory_space<vmem>> -> memref<1x128xi32, #tpu.memory_space<vmem>>
      %dma_start3A_890 = tpu.memref_squeeze %dma_start3A_889 : memref<1x128xi32, #tpu.memory_space<vmem>> -> memref<128xi32, #tpu.memory_space<vmem>>
      %dma_start3A_891 = arith.constant 0 : i32
      %dma_start3A_892 = arith.constant 0 : i32
      %dma_start3A_893 = tpu.memref_slice %arg2[%dma_start3A_891, %dma_start3A_892] : memref<40960x64xf32, #tpu.memory_space<hbm>> -> memref<40960x64xf32, #tpu.memory_space<hbm>>
      tpu.enqueue_indirect_dma source(%dma_start3A_893 : memref<40960x64xf32, #tpu.memory_space<hbm>>) target(%arg13 : memref<128x64xf32, #tpu.memory_space<vmem>>) offsets(%dma_start3A_890 : memref<128xi32, #tpu.memory_space<vmem>>) semaphore(%arg20 : memref<!tpu.dma_semaphore, #tpu.memory_space<semaphore_mem>>)
    }
    %scan3A_212 = arith.constant 25 : i32
    %dma_wait3A_213 = arith.constant 156 : i32
    %dma_wait3A_214 = arith.constant 0 : i32
    %dma_wait3A_215 = tpu.memref_slice %arg8[%dma_wait3A_213, %dma_wait3A_214] : memref<160x128xi32, #tpu.memory_space<vmem>> -> memref<1x128xi32, #tpu.memory_space<vmem>>
    %dma_wait3A_216 = tpu.memref_squeeze %dma_wait3A_215 : memref<1x128xi32, #tpu.memory_space<vmem>> -> memref<128xi32, #tpu.memory_space<vmem>>
    %dma_wait3A_217 = arith.constant 0 : i32
    %dma_wait3A_218 = arith.constant 0 : i32
    %dma_wait3A_219 = tpu.memref_slice %arg2[%dma_wait3A_217, %dma_wait3A_218] : memref<40960x64xf32, #tpu.memory_space<hbm>> -> memref<40960x64xf32, #tpu.memory_space<hbm>>
    tpu.wait_indirect_dma semaphore(%arg17 : memref<!tpu.dma_semaphore, #tpu.memory_space<semaphore_mem>>) src(%dma_wait3A_219 : memref<40960x64xf32, #tpu.memory_space<hbm>>) dst(%arg10 : memref<128x64xf32, #tpu.memory_space<vmem>>)
    %dma_start3A_220 = arith.constant 156 : i32
    %dma_start3A_221 = arith.constant 0 : i32
    %dma_start3A_222 = tpu.memref_slice %arg9[%dma_start3A_220, %dma_start3A_221] : memref<160x128xi32, #tpu.memory_space<vmem>> -> memref<1x128xi32, #tpu.memory_space<vmem>>
    %dma_start3A_223 = tpu.memref_squeeze %dma_start3A_222 : memref<1x128xi32, #tpu.memory_space<vmem>> -> memref<128xi32, #tpu.memory_space<vmem>>
    %dma_start3A_224 = arith.constant 0 : i32
    %dma_start3A_225 = arith.constant 0 : i32
    %dma_start3A_226 = tpu.memref_slice %arg16[%dma_start3A_224, %dma_start3A_225] : memref<10240x64xf32, #tpu.memory_space<vmem_shared>> -> memref<10240x64xf32, #tpu.memory_space<vmem_shared>>
    tpu.enqueue_indirect_dma source(%arg10 : memref<128x64xf32, #tpu.memory_space<vmem>>) target(%dma_start3A_226 : memref<10240x64xf32, #tpu.memory_space<vmem_shared>>) offsets(%dma_start3A_223 : memref<128xi32, #tpu.memory_space<vmem>>) semaphore(%arg23 : memref<!tpu.dma_semaphore, #tpu.memory_space<semaphore_mem>>) {add = true}
    %dma_wait3A_227 = arith.constant 0 : i32
    %dma_wait3A_228 = arith.constant 0 : i32
    %dma_wait3A_229 = tpu.memref_slice %arg9[%dma_wait3A_227, %dma_wait3A_228] : memref<160x128xi32, #tpu.memory_space<vmem>> -> memref<1x128xi32, #tpu.memory_space<vmem>>
    %dma_wait3A_230 = tpu.memref_squeeze %dma_wait3A_229 : memref<1x128xi32, #tpu.memory_space<vmem>> -> memref<128xi32, #tpu.memory_space<vmem>>
    %dma_wait3A_231 = arith.constant 0 : i32
    %dma_wait3A_232 = arith.constant 0 : i32
    %dma_wait3A_233 = tpu.memref_slice %arg16[%dma_wait3A_231, %dma_wait3A_232] : memref<10240x64xf32, #tpu.memory_space<vmem_shared>> -> memref<10240x64xf32, #tpu.memory_space<vmem_shared>>
    tpu.wait_indirect_dma semaphore(%arg27 : memref<!tpu.dma_semaphore, #tpu.memory_space<semaphore_mem>>) src(%arg14 : memref<128x64xf32, #tpu.memory_space<vmem>>) dst(%dma_wait3A_233 : memref<10240x64xf32, #tpu.memory_space<vmem_shared>>)
    %dma_wait3A_234 = arith.constant 157 : i32
    %dma_wait3A_235 = arith.constant 0 : i32
    %dma_wait3A_236 = tpu.memref_slice %arg8[%dma_wait3A_234, %dma_wait3A_235] : memref<160x128xi32, #tpu.memory_space<vmem>> -> memref<1x128xi32, #tpu.memory_space<vmem>>
    %dma_wait3A_237 = tpu.memref_squeeze %dma_wait3A_236 : memref<1x128xi32, #tpu.memory_space<vmem>> -> memref<128xi32, #tpu.memory_space<vmem>>
    %dma_wait3A_238 = arith.constant 0 : i32
    %dma_wait3A_239 = arith.constant 0 : i32
    %dma_wait3A_240 = tpu.memref_slice %arg2[%dma_wait3A_238, %dma_wait3A_239] : memref<40960x64xf32, #tpu.memory_space<hbm>> -> memref<40960x64xf32, #tpu.memory_space<hbm>>
    tpu.wait_indirect_dma semaphore(%arg18 : memref<!tpu.dma_semaphore, #tpu.memory_space<semaphore_mem>>) src(%dma_wait3A_240 : memref<40960x64xf32, #tpu.memory_space<hbm>>) dst(%arg11 : memref<128x64xf32, #tpu.memory_space<vmem>>)
    %dma_start3A_241 = arith.constant 157 : i32
    %dma_start3A_242 = arith.constant 0 : i32
    %dma_start3A_243 = tpu.memref_slice %arg9[%dma_start3A_241, %dma_start3A_242] : memref<160x128xi32, #tpu.memory_space<vmem>> -> memref<1x128xi32, #tpu.memory_space<vmem>>
    %dma_start3A_244 = tpu.memref_squeeze %dma_start3A_243 : memref<1x128xi32, #tpu.memory_space<vmem>> -> memref<128xi32, #tpu.memory_space<vmem>>
    %dma_start3A_245 = arith.constant 0 : i32
    %dma_start3A_246 = arith.constant 0 : i32
    %dma_start3A_247 = tpu.memref_slice %arg16[%dma_start3A_245, %dma_start3A_246] : memref<10240x64xf32, #tpu.memory_space<vmem_shared>> -> memref<10240x64xf32, #tpu.memory_space<vmem_shared>>
    tpu.enqueue_indirect_dma source(%arg11 : memref<128x64xf32, #tpu.memory_space<vmem>>) target(%dma_start3A_247 : memref<10240x64xf32, #tpu.memory_space<vmem_shared>>) offsets(%dma_start3A_244 : memref<128xi32, #tpu.memory_space<vmem>>) semaphore(%arg24 : memref<!tpu.dma_semaphore, #tpu.memory_space<semaphore_mem>>) {add = true}
    %dma_wait3A_248 = arith.constant 0 : i32
    %dma_wait3A_249 = arith.constant 0 : i32
    %dma_wait3A_250 = tpu.memref_slice %arg9[%dma_wait3A_248, %dma_wait3A_249] : memref<160x128xi32, #tpu.memory_space<vmem>> -> memref<1x128xi32, #tpu.memory_space<vmem>>
    %dma_wait3A_251 = tpu.memref_squeeze %dma_wait3A_250 : memref<1x128xi32, #tpu.memory_space<vmem>> -> memref<128xi32, #tpu.memory_space<vmem>>
    %dma_wait3A_252 = arith.constant 0 : i32
    %dma_wait3A_253 = arith.constant 0 : i32
    %dma_wait3A_254 = tpu.memref_slice %arg16[%dma_wait3A_252, %dma_wait3A_253] : memref<10240x64xf32, #tpu.memory_space<vmem_shared>> -> memref<10240x64xf32, #tpu.memory_space<vmem_shared>>
    tpu.wait_indirect_dma semaphore(%arg28 : memref<!tpu.dma_semaphore, #tpu.memory_space<semaphore_mem>>) src(%arg15 : memref<128x64xf32, #tpu.memory_space<vmem>>) dst(%dma_wait3A_254 : memref<10240x64xf32, #tpu.memory_space<vmem_shared>>)
    %dma_wait3A_255 = arith.constant 158 : i32
    %dma_wait3A_256 = arith.constant 0 : i32
    %dma_wait3A_257 = tpu.memref_slice %arg8[%dma_wait3A_255, %dma_wait3A_256] : memref<160x128xi32, #tpu.memory_space<vmem>> -> memref<1x128xi32, #tpu.memory_space<vmem>>
    %dma_wait3A_258 = tpu.memref_squeeze %dma_wait3A_257 : memref<1x128xi32, #tpu.memory_space<vmem>> -> memref<128xi32, #tpu.memory_space<vmem>>
    %dma_wait3A_259 = arith.constant 0 : i32
    %dma_wait3A_260 = arith.constant 0 : i32
    %dma_wait3A_261 = tpu.memref_slice %arg2[%dma_wait3A_259, %dma_wait3A_260] : memref<40960x64xf32, #tpu.memory_space<hbm>> -> memref<40960x64xf32, #tpu.memory_space<hbm>>
    tpu.wait_indirect_dma semaphore(%arg19 : memref<!tpu.dma_semaphore, #tpu.memory_space<semaphore_mem>>) src(%dma_wait3A_261 : memref<40960x64xf32, #tpu.memory_space<hbm>>) dst(%arg12 : memref<128x64xf32, #tpu.memory_space<vmem>>)
    %dma_start3A_262 = arith.constant 158 : i32
    %dma_start3A_263 = arith.constant 0 : i32
    %dma_start3A_264 = tpu.memref_slice %arg9[%dma_start3A_262, %dma_start3A_263] : memref<160x128xi32, #tpu.memory_space<vmem>> -> memref<1x128xi32, #tpu.memory_space<vmem>>
    %dma_start3A_265 = tpu.memref_squeeze %dma_start3A_264 : memref<1x128xi32, #tpu.memory_space<vmem>> -> memref<128xi32, #tpu.memory_space<vmem>>
    %dma_start3A_266 = arith.constant 0 : i32
    %dma_start3A_267 = arith.constant 0 : i32
    %dma_start3A_268 = tpu.memref_slice %arg16[%dma_start3A_266, %dma_start3A_267] : memref<10240x64xf32, #tpu.memory_space<vmem_shared>> -> memref<10240x64xf32, #tpu.memory_space<vmem_shared>>
    tpu.enqueue_indirect_dma source(%arg12 : memref<128x64xf32, #tpu.memory_space<vmem>>) target(%dma_start3A_268 : memref<10240x64xf32, #tpu.memory_space<vmem_shared>>) offsets(%dma_start3A_265 : memref<128xi32, #tpu.memory_space<vmem>>) semaphore(%arg25 : memref<!tpu.dma_semaphore, #tpu.memory_space<semaphore_mem>>) {add = true}
    %dma_wait3A_269 = arith.constant 0 : i32
    %dma_wait3A_270 = arith.constant 0 : i32
    %dma_wait3A_271 = tpu.memref_slice %arg9[%dma_wait3A_269, %dma_wait3A_270] : memref<160x128xi32, #tpu.memory_space<vmem>> -> memref<1x128xi32, #tpu.memory_space<vmem>>
    %dma_wait3A_272 = tpu.memref_squeeze %dma_wait3A_271 : memref<1x128xi32, #tpu.memory_space<vmem>> -> memref<128xi32, #tpu.memory_space<vmem>>
    %dma_wait3A_273 = arith.constant 0 : i32
    %dma_wait3A_274 = arith.constant 0 : i32
    %dma_wait3A_275 = tpu.memref_slice %arg16[%dma_wait3A_273, %dma_wait3A_274] : memref<10240x64xf32, #tpu.memory_space<vmem_shared>> -> memref<10240x64xf32, #tpu.memory_space<vmem_shared>>
    tpu.wait_indirect_dma semaphore(%arg23 : memref<!tpu.dma_semaphore, #tpu.memory_space<semaphore_mem>>) src(%arg10 : memref<128x64xf32, #tpu.memory_space<vmem>>) dst(%dma_wait3A_275 : memref<10240x64xf32, #tpu.memory_space<vmem_shared>>)
    %dma_wait3A_276 = arith.constant 159 : i32
    %dma_wait3A_277 = arith.constant 0 : i32
    %dma_wait3A_278 = tpu.memref_slice %arg8[%dma_wait3A_276, %dma_wait3A_277] : memref<160x128xi32, #tpu.memory_space<vmem>> -> memref<1x128xi32, #tpu.memory_space<vmem>>
    %dma_wait3A_279 = tpu.memref_squeeze %dma_wait3A_278 : memref<1x128xi32, #tpu.memory_space<vmem>> -> memref<128xi32, #tpu.memory_space<vmem>>
    %dma_wait3A_280 = arith.constant 0 : i32
    %dma_wait3A_281 = arith.constant 0 : i32
    %dma_wait3A_282 = tpu.memref_slice %arg2[%dma_wait3A_280, %dma_wait3A_281] : memref<40960x64xf32, #tpu.memory_space<hbm>> -> memref<40960x64xf32, #tpu.memory_space<hbm>>
    tpu.wait_indirect_dma semaphore(%arg20 : memref<!tpu.dma_semaphore, #tpu.memory_space<semaphore_mem>>) src(%dma_wait3A_282 : memref<40960x64xf32, #tpu.memory_space<hbm>>) dst(%arg13 : memref<128x64xf32, #tpu.memory_space<vmem>>)
    %dma_start3A_283 = arith.constant 159 : i32
    %dma_start3A_284 = arith.constant 0 : i32
    %dma_start3A_285 = tpu.memref_slice %arg9[%dma_start3A_283, %dma_start3A_284] : memref<160x128xi32, #tpu.memory_space<vmem>> -> memref<1x128xi32, #tpu.memory_space<vmem>>
    %dma_start3A_286 = tpu.memref_squeeze %dma_start3A_285 : memref<1x128xi32, #tpu.memory_space<vmem>> -> memref<128xi32, #tpu.memory_space<vmem>>
    %dma_start3A_287 = arith.constant 0 : i32
    %dma_start3A_288 = arith.constant 0 : i32
    %dma_start3A_289 = tpu.memref_slice %arg16[%dma_start3A_287, %dma_start3A_288] : memref<10240x64xf32, #tpu.memory_space<vmem_shared>> -> memref<10240x64xf32, #tpu.memory_space<vmem_shared>>
    tpu.enqueue_indirect_dma source(%arg13 : memref<128x64xf32, #tpu.memory_space<vmem>>) target(%dma_start3A_289 : memref<10240x64xf32, #tpu.memory_space<vmem_shared>>) offsets(%dma_start3A_286 : memref<128xi32, #tpu.memory_space<vmem>>) semaphore(%arg26 : memref<!tpu.dma_semaphore, #tpu.memory_space<semaphore_mem>>) {add = true}
    %dma_wait3A_290 = arith.constant 0 : i32
    %dma_wait3A_291 = arith.constant 0 : i32
    %dma_wait3A_292 = tpu.memref_slice %arg9[%dma_wait3A_290, %dma_wait3A_291] : memref<160x128xi32, #tpu.memory_space<vmem>> -> memref<1x128xi32, #tpu.memory_space<vmem>>
    %dma_wait3A_293 = tpu.memref_squeeze %dma_wait3A_292 : memref<1x128xi32, #tpu.memory_space<vmem>> -> memref<128xi32, #tpu.memory_space<vmem>>
    %dma_wait3A_294 = arith.constant 0 : i32
    %dma_wait3A_295 = arith.constant 0 : i32
    %dma_wait3A_296 = tpu.memref_slice %arg16[%dma_wait3A_294, %dma_wait3A_295] : memref<10240x64xf32, #tpu.memory_space<vmem_shared>> -> memref<10240x64xf32, #tpu.memory_space<vmem_shared>>
    tpu.wait_indirect_dma semaphore(%arg24 : memref<!tpu.dma_semaphore, #tpu.memory_space<semaphore_mem>>) src(%arg11 : memref<128x64xf32, #tpu.memory_space<vmem>>) dst(%dma_wait3A_296 : memref<10240x64xf32, #tpu.memory_space<vmem_shared>>)
    %dma_wait3A_297 = arith.constant 0 : i32
    %dma_wait3A_298 = arith.constant 0 : i32
    %dma_wait3A_299 = tpu.memref_slice %arg9[%dma_wait3A_297, %dma_wait3A_298] : memref<160x128xi32, #tpu.memory_space<vmem>> -> memref<1x128xi32, #tpu.memory_space<vmem>>
    %dma_wait3A_300 = tpu.memref_squeeze %dma_wait3A_299 : memref<1x128xi32, #tpu.memory_space<vmem>> -> memref<128xi32, #tpu.memory_space<vmem>>
    %dma_wait3A_301 = arith.constant 0 : i32
    %dma_wait3A_302 = arith.constant 0 : i32
    %dma_wait3A_303 = tpu.memref_slice %arg16[%dma_wait3A_301, %dma_wait3A_302] : memref<10240x64xf32, #tpu.memory_space<vmem_shared>> -> memref<10240x64xf32, #tpu.memory_space<vmem_shared>>
    tpu.wait_indirect_dma semaphore(%arg25 : memref<!tpu.dma_semaphore, #tpu.memory_space<semaphore_mem>>) src(%arg12 : memref<128x64xf32, #tpu.memory_space<vmem>>) dst(%dma_wait3A_303 : memref<10240x64xf32, #tpu.memory_space<vmem_shared>>)
    %dma_wait3A_304 = arith.constant 0 : i32
    %dma_wait3A_305 = arith.constant 0 : i32
    %dma_wait3A_306 = tpu.memref_slice %arg9[%dma_wait3A_304, %dma_wait3A_305] : memref<160x128xi32, #tpu.memory_space<vmem>> -> memref<1x128xi32, #tpu.memory_space<vmem>>
    %dma_wait3A_307 = tpu.memref_squeeze %dma_wait3A_306 : memref<1x128xi32, #tpu.memory_space<vmem>> -> memref<128xi32, #tpu.memory_space<vmem>>
    %dma_wait3A_308 = arith.constant 0 : i32
    %dma_wait3A_309 = arith.constant 0 : i32
    %dma_wait3A_310 = tpu.memref_slice %arg16[%dma_wait3A_308, %dma_wait3A_309] : memref<10240x64xf32, #tpu.memory_space<vmem_shared>> -> memref<10240x64xf32, #tpu.memory_space<vmem_shared>>
    tpu.wait_indirect_dma semaphore(%arg26 : memref<!tpu.dma_semaphore, #tpu.memory_space<semaphore_mem>>) src(%arg13 : memref<128x64xf32, #tpu.memory_space<vmem>>) dst(%dma_wait3A_310 : memref<10240x64xf32, #tpu.memory_space<vmem_shared>>)
    %barrier3A_311 = arith.constant 0 : index
    tpu.barrier barrier_id(%barrier3A_311)
    %mul3A_312 = arith.constant 640 : i32
    %mul3A_313 = arith.muli %arg1, %mul3A_312 : i32
    %add3A_314 = arith.constant 0 : i32
    %add3A_315 = arith.addi %mul3A_313, %add3A_314 : i32
    %mul3A_316 = arith.constant 10240 : i32
    %mul3A_317 = arith.muli %arg0, %mul3A_316 : i32
    %add3A_318 = arith.addi %mul3A_317, %add3A_315 : i32
    "tpu.region"() ({
      %run_scoped3A = tpu.sem_alloc : memref<!tpu.dma_semaphore, #tpu.memory_space<semaphore_mem>>
      %dma_start3A_696 = arith.constant 0 : i32
      %dma_start3A_697 = tpu.memref_slice %arg6[%add3A_318, %dma_start3A_696] : memref<20480x64xf32, #tpu.memory_space<hbm>> -> memref<128x64xf32, #tpu.memory_space<hbm>>
      %dma_start3A_698 = arith.constant 0 : i32
      %dma_start3A_699 = tpu.memref_slice %arg16[%add3A_315, %dma_start3A_698] : memref<10240x64xf32, #tpu.memory_space<vmem_shared>> -> memref<128x64xf32, #tpu.memory_space<vmem_shared>>
      tpu.enqueue_dma source(%dma_start3A_699 : memref<128x64xf32, #tpu.memory_space<vmem_shared>>) target(%dma_start3A_697 : memref<128x64xf32, #tpu.memory_space<hbm>>) target_semaphore(%run_scoped3A : memref<!tpu.dma_semaphore, #tpu.memory_space<semaphore_mem>>)
      %dma_wait3A_700 = arith.constant 0 : i32
      %dma_wait3A_701 = tpu.memref_slice %arg6[%add3A_318, %dma_wait3A_700] : memref<20480x64xf32, #tpu.memory_space<hbm>> -> memref<128x64xf32, #tpu.memory_space<hbm>>
      %dma_wait3A_702 = arith.constant 0 : i32
      %dma_wait3A_703 = tpu.memref_slice %arg16[%add3A_315, %dma_wait3A_702] : memref<10240x64xf32, #tpu.memory_space<vmem_shared>> -> memref<128x64xf32, #tpu.memory_space<vmem_shared>>
      tpu.wait_dma2 semaphore(%run_scoped3A : memref<!tpu.dma_semaphore, #tpu.memory_space<semaphore_mem>>) src(%dma_wait3A_703 : memref<128x64xf32, #tpu.memory_space<vmem_shared>>) dst(%dma_wait3A_701 : memref<128x64xf32, #tpu.memory_space<hbm>>)
      tpu.yield
    }) : () -> ()
    %mul3A_319 = arith.constant 640 : i32
    %mul3A_320 = arith.muli %arg1, %mul3A_319 : i32
    %add3A_321 = arith.constant 128 : i32
    %add3A_322 = arith.addi %mul3A_320, %add3A_321 : i32
    %mul3A_323 = arith.constant 10240 : i32
    %mul3A_324 = arith.muli %arg0, %mul3A_323 : i32
    %add3A_325 = arith.addi %mul3A_324, %add3A_322 : i32
    "tpu.region"() ({
      %run_scoped3A = tpu.sem_alloc : memref<!tpu.dma_semaphore, #tpu.memory_space<semaphore_mem>>
      %dma_start3A_696 = arith.constant 0 : i32
      %dma_start3A_697 = tpu.memref_slice %arg6[%add3A_325, %dma_start3A_696] : memref<20480x64xf32, #tpu.memory_space<hbm>> -> memref<128x64xf32, #tpu.memory_space<hbm>>
      %dma_start3A_698 = arith.constant 0 : i32
      %dma_start3A_699 = tpu.memref_slice %arg16[%add3A_322, %dma_start3A_698] : memref<10240x64xf32, #tpu.memory_space<vmem_shared>> -> memref<128x64xf32, #tpu.memory_space<vmem_shared>>
      tpu.enqueue_dma source(%dma_start3A_699 : memref<128x64xf32, #tpu.memory_space<vmem_shared>>) target(%dma_start3A_697 : memref<128x64xf32, #tpu.memory_space<hbm>>) target_semaphore(%run_scoped3A : memref<!tpu.dma_semaphore, #tpu.memory_space<semaphore_mem>>)
      %dma_wait3A_700 = arith.constant 0 : i32
      %dma_wait3A_701 = tpu.memref_slice %arg6[%add3A_325, %dma_wait3A_700] : memref<20480x64xf32, #tpu.memory_space<hbm>> -> memref<128x64xf32, #tpu.memory_space<hbm>>
      %dma_wait3A_702 = arith.constant 0 : i32
      %dma_wait3A_703 = tpu.memref_slice %arg16[%add3A_322, %dma_wait3A_702] : memref<10240x64xf32, #tpu.memory_space<vmem_shared>> -> memref<128x64xf32, #tpu.memory_space<vmem_shared>>
      tpu.wait_dma2 semaphore(%run_scoped3A : memref<!tpu.dma_semaphore, #tpu.memory_space<semaphore_mem>>) src(%dma_wait3A_703 : memref<128x64xf32, #tpu.memory_space<vmem_shared>>) dst(%dma_wait3A_701 : memref<128x64xf32, #tpu.memory_space<hbm>>)
      tpu.yield
    }) : () -> ()
    %mul3A_326 = arith.constant 640 : i32
    %mul3A_327 = arith.muli %arg1, %mul3A_326 : i32
    %add3A_328 = arith.constant 256 : i32
    %add3A_329 = arith.addi %mul3A_327, %add3A_328 : i32
    %mul3A_330 = arith.constant 10240 : i32
    %mul3A_331 = arith.muli %arg0, %mul3A_330 : i32
    %add3A_332 = arith.addi %mul3A_331, %add3A_329 : i32
    "tpu.region"() ({
      %run_scoped3A = tpu.sem_alloc : memref<!tpu.dma_semaphore, #tpu.memory_space<semaphore_mem>>
      %dma_start3A_696 = arith.constant 0 : i32
      %dma_start3A_697 = tpu.memref_slice %arg6[%add3A_332, %dma_start3A_696] : memref<20480x64xf32, #tpu.memory_space<hbm>> -> memref<128x64xf32, #tpu.memory_space<hbm>>
      %dma_start3A_698 = arith.constant 0 : i32
      %dma_start3A_699 = tpu.memref_slice %arg16[%add3A_329, %dma_start3A_698] : memref<10240x64xf32, #tpu.memory_space<vmem_shared>> -> memref<128x64xf32, #tpu.memory_space<vmem_shared>>
      tpu.enqueue_dma source(%dma_start3A_699 : memref<128x64xf32, #tpu.memory_space<vmem_shared>>) target(%dma_start3A_697 : memref<128x64xf32, #tpu.memory_space<hbm>>) target_semaphore(%run_scoped3A : memref<!tpu.dma_semaphore, #tpu.memory_space<semaphore_mem>>)
      %dma_wait3A_700 = arith.constant 0 : i32
      %dma_wait3A_701 = tpu.memref_slice %arg6[%add3A_332, %dma_wait3A_700] : memref<20480x64xf32, #tpu.memory_space<hbm>> -> memref<128x64xf32, #tpu.memory_space<hbm>>
      %dma_wait3A_702 = arith.constant 0 : i32
      %dma_wait3A_703 = tpu.memref_slice %arg16[%add3A_329, %dma_wait3A_702] : memref<10240x64xf32, #tpu.memory_space<vmem_shared>> -> memref<128x64xf32, #tpu.memory_space<vmem_shared>>
      tpu.wait_dma2 semaphore(%run_scoped3A : memref<!tpu.dma_semaphore, #tpu.memory_space<semaphore_mem>>) src(%dma_wait3A_703 : memref<128x64xf32, #tpu.memory_space<vmem_shared>>) dst(%dma_wait3A_701 : memref<128x64xf32, #tpu.memory_space<hbm>>)
      tpu.yield
    }) : () -> ()
    %mul3A_333 = arith.constant 640 : i32
    %mul3A_334 = arith.muli %arg1, %mul3A_333 : i32
    %add3A_335 = arith.constant 384 : i32
    %add3A_336 = arith.addi %mul3A_334, %add3A_335 : i32
    %mul3A_337 = arith.constant 10240 : i32
    %mul3A_338 = arith.muli %arg0, %mul3A_337 : i32
    %add3A_339 = arith.addi %mul3A_338, %add3A_336 : i32
    "tpu.region"() ({
      %run_scoped3A = tpu.sem_alloc : memref<!tpu.dma_semaphore, #tpu.memory_space<semaphore_mem>>
      %dma_start3A_696 = arith.constant 0 : i32
      %dma_start3A_697 = tpu.memref_slice %arg6[%add3A_339, %dma_start3A_696] : memref<20480x64xf32, #tpu.memory_space<hbm>> -> memref<128x64xf32, #tpu.memory_space<hbm>>
      %dma_start3A_698 = arith.constant 0 : i32
      %dma_start3A_699 = tpu.memref_slice %arg16[%add3A_336, %dma_start3A_698] : memref<10240x64xf32, #tpu.memory_space<vmem_shared>> -> memref<128x64xf32, #tpu.memory_space<vmem_shared>>
      tpu.enqueue_dma source(%dma_start3A_699 : memref<128x64xf32, #tpu.memory_space<vmem_shared>>) target(%dma_start3A_697 : memref<128x64xf32, #tpu.memory_space<hbm>>) target_semaphore(%run_scoped3A : memref<!tpu.dma_semaphore, #tpu.memory_space<semaphore_mem>>)
      %dma_wait3A_700 = arith.constant 0 : i32
      %dma_wait3A_701 = tpu.memref_slice %arg6[%add3A_339, %dma_wait3A_700] : memref<20480x64xf32, #tpu.memory_space<hbm>> -> memref<128x64xf32, #tpu.memory_space<hbm>>
      %dma_wait3A_702 = arith.constant 0 : i32
      %dma_wait3A_703 = tpu.memref_slice %arg16[%add3A_336, %dma_wait3A_702] : memref<10240x64xf32, #tpu.memory_space<vmem_shared>> -> memref<128x64xf32, #tpu.memory_space<vmem_shared>>
      tpu.wait_dma2 semaphore(%run_scoped3A : memref<!tpu.dma_semaphore, #tpu.memory_space<semaphore_mem>>) src(%dma_wait3A_703 : memref<128x64xf32, #tpu.memory_space<vmem_shared>>) dst(%dma_wait3A_701 : memref<128x64xf32, #tpu.memory_space<hbm>>)
      tpu.yield
    }) : () -> ()
    %mul3A_340 = arith.constant 640 : i32
    %mul3A_341 = arith.muli %arg1, %mul3A_340 : i32
    %add3A_342 = arith.constant 512 : i32
    %add3A_343 = arith.addi %mul3A_341, %add3A_342 : i32
    %mul3A_344 = arith.constant 10240 : i32
    %mul3A_345 = arith.muli %arg0, %mul3A_344 : i32
    %add3A_346 = arith.addi %mul3A_345, %add3A_343 : i32
    "tpu.region"() ({
      %run_scoped3A = tpu.sem_alloc : memref<!tpu.dma_semaphore, #tpu.memory_space<semaphore_mem>>
      %dma_start3A_696 = arith.constant 0 : i32
      %dma_start3A_697 = tpu.memref_slice %arg6[%add3A_346, %dma_start3A_696] : memref<20480x64xf32, #tpu.memory_space<hbm>> -> memref<128x64xf32, #tpu.memory_space<hbm>>
      %dma_start3A_698 = arith.constant 0 : i32
      %dma_start3A_699 = tpu.memref_slice %arg16[%add3A_343, %dma_start3A_698] : memref<10240x64xf32, #tpu.memory_space<vmem_shared>> -> memref<128x64xf32, #tpu.memory_space<vmem_shared>>
      tpu.enqueue_dma source(%dma_start3A_699 : memref<128x64xf32, #tpu.memory_space<vmem_shared>>) target(%dma_start3A_697 : memref<128x64xf32, #tpu.memory_space<hbm>>) target_semaphore(%run_scoped3A : memref<!tpu.dma_semaphore, #tpu.memory_space<semaphore_mem>>)
      %dma_wait3A_700 = arith.constant 0 : i32
      %dma_wait3A_701 = tpu.memref_slice %arg6[%add3A_346, %dma_wait3A_700] : memref<20480x64xf32, #tpu.memory_space<hbm>> -> memref<128x64xf32, #tpu.memory_space<hbm>>
      %dma_wait3A_702 = arith.constant 0 : i32
      %dma_wait3A_703 = tpu.memref_slice %arg16[%add3A_343, %dma_wait3A_702] : memref<10240x64xf32, #tpu.memory_space<vmem_shared>> -> memref<128x64xf32, #tpu.memory_space<vmem_shared>>
      tpu.wait_dma2 semaphore(%run_scoped3A : memref<!tpu.dma_semaphore, #tpu.memory_space<semaphore_mem>>) src(%dma_wait3A_703 : memref<128x64xf32, #tpu.memory_space<vmem_shared>>) dst(%dma_wait3A_701 : memref<128x64xf32, #tpu.memory_space<hbm>>)
      tpu.yield
    }) : () -> ()
    %scan3A_347 = arith.constant 0 : i32
    %scan3A_348 = arith.constant 0 : i32
    %scan3A_349 = arith.constant 160 : i32
    %scan3A_350 = arith.addi %scan3A_348, %scan3A_349 : i32
    %scan3A_351 = arith.constant 1 : i32
    scf.for %scan3A_696 = %scan3A_348 to %scan3A_350 step %scan3A_351  : i32 {
      %get3A = arith.index_cast %scan3A_696 : i32 to index
      %get3A_697 = arith.constant 0 : index
      %get3A_698 = tpu.vector_load %arg8[%get3A, %get3A_697] {strides = array<i32>} : memref<160x128xi32, #tpu.memory_space<vmem>>, vector<1x16xi32>,
      %get3A_699 = vector.shape_cast %get3A_698 : vector<1x16xi32> to vector<16xi32>
      %mul3A_700 = arith.constant 1 : i32
      %mul3A_701 = vector.broadcast %mul3A_700 : i32 to vector<16xi32>
      %mul3A_702 = arith.muli %get3A_699, %mul3A_701 : vector<16xi32>
      %add3A_703 = arith.constant 1 : i32
      %add3A_704 = vector.broadcast %add3A_703 : i32 to vector<16xi32>
      %add3A_705 = arith.addi %mul3A_702, %add3A_704 : vector<16xi32>
      %swap3A = arith.index_cast %scan3A_696 : i32 to index
      %swap3A_706 = arith.constant 0 : index
      %swap3A_707 = tpu.vector_load %arg8[%swap3A, %swap3A_706] {strides = array<i32>} : memref<160x128xi32, #tpu.memory_space<vmem>>, vector<1x16xi32>,
      %swap3A_708 = vector.shape_cast %swap3A_707 : vector<1x16xi32> to vector<16xi32>
      %swap3A_709 = vector.shape_cast %add3A_705 : vector<16xi32> to vector<1x16xi32>
      tpu.vector_store %arg8[%swap3A, %swap3A_706], %swap3A_709 {strides = array<i32>} : memref<160x128xi32, #tpu.memory_space<vmem>>, vector<1x16xi32>,
      %get3A_710 = arith.index_cast %scan3A_696 : i32 to index
      %get3A_711 = arith.constant 16 : index
      %get3A_712 = tpu.vector_load %arg8[%get3A_710, %get3A_711] {strides = array<i32>} : memref<160x128xi32, #tpu.memory_space<vmem>>, vector<1x16xi32>,
      %get3A_713 = vector.shape_cast %get3A_712 : vector<1x16xi32> to vector<16xi32>
      %mul3A_714 = arith.constant 1 : i32
      %mul3A_715 = vector.broadcast %mul3A_714 : i32 to vector<16xi32>
      %mul3A_716 = arith.muli %get3A_713, %mul3A_715 : vector<16xi32>
      %add3A_717 = arith.constant 1 : i32
      %add3A_718 = vector.broadcast %add3A_717 : i32 to vector<16xi32>
      %add3A_719 = arith.addi %mul3A_716, %add3A_718 : vector<16xi32>
      %swap3A_720 = arith.index_cast %scan3A_696 : i32 to index
      %swap3A_721 = arith.constant 16 : index
      %swap3A_722 = tpu.vector_load %arg8[%swap3A_720, %swap3A_721] {strides = array<i32>} : memref<160x128xi32, #tpu.memory_space<vmem>>, vector<1x16xi32>,
      %swap3A_723 = vector.shape_cast %swap3A_722 : vector<1x16xi32> to vector<16xi32>
      %swap3A_724 = vector.shape_cast %add3A_719 : vector<16xi32> to vector<1x16xi32>
      tpu.vector_store %arg8[%swap3A_720, %swap3A_721], %swap3A_724 {strides = array<i32>} : memref<160x128xi32, #tpu.memory_space<vmem>>, vector<1x16xi32>,
      %get3A_725 = arith.index_cast %scan3A_696 : i32 to index
      %get3A_726 = arith.constant 32 : index
      %get3A_727 = tpu.vector_load %arg8[%get3A_725, %get3A_726] {strides = array<i32>} : memref<160x128xi32, #tpu.memory_space<vmem>>, vector<1x16xi32>,
      %get3A_728 = vector.shape_cast %get3A_727 : vector<1x16xi32> to vector<16xi32>
      %mul3A_729 = arith.constant 1 : i32
      %mul3A_730 = vector.broadcast %mul3A_729 : i32 to vector<16xi32>
      %mul3A_731 = arith.muli %get3A_728, %mul3A_730 : vector<16xi32>
      %add3A_732 = arith.constant 1 : i32
      %add3A_733 = vector.broadcast %add3A_732 : i32 to vector<16xi32>
      %add3A_734 = arith.addi %mul3A_731, %add3A_733 : vector<16xi32>
      %swap3A_735 = arith.index_cast %scan3A_696 : i32 to index
      %swap3A_736 = arith.constant 32 : index
      %swap3A_737 = tpu.vector_load %arg8[%swap3A_735, %swap3A_736] {strides = array<i32>} : memref<160x128xi32, #tpu.memory_space<vmem>>, vector<1x16xi32>,
      %swap3A_738 = vector.shape_cast %swap3A_737 : vector<1x16xi32> to vector<16xi32>
      %swap3A_739 = vector.shape_cast %add3A_734 : vector<16xi32> to vector<1x16xi32>
      tpu.vector_store %arg8[%swap3A_735, %swap3A_736], %swap3A_739 {strides = array<i32>} : memref<160x128xi32, #tpu.memory_space<vmem>>, vector<1x16xi32>,
      %get3A_740 = arith.index_cast %scan3A_696 : i32 to index
      %get3A_741 = arith.constant 48 : index
      %get3A_742 = tpu.vector_load %arg8[%get3A_740, %get3A_741] {strides = array<i32>} : memref<160x128xi32, #tpu.memory_space<vmem>>, vector<1x16xi32>,
      %get3A_743 = vector.shape_cast %get3A_742 : vector<1x16xi32> to vector<16xi32>
      %mul3A_744 = arith.constant 1 : i32
      %mul3A_745 = vector.broadcast %mul3A_744 : i32 to vector<16xi32>
      %mul3A_746 = arith.muli %get3A_743, %mul3A_745 : vector<16xi32>
      %add3A_747 = arith.constant 1 : i32
      %add3A_748 = vector.broadcast %add3A_747 : i32 to vector<16xi32>
      %add3A_749 = arith.addi %mul3A_746, %add3A_748 : vector<16xi32>
      %swap3A_750 = arith.index_cast %scan3A_696 : i32 to index
      %swap3A_751 = arith.constant 48 : index
      %swap3A_752 = tpu.vector_load %arg8[%swap3A_750, %swap3A_751] {strides = array<i32>} : memref<160x128xi32, #tpu.memory_space<vmem>>, vector<1x16xi32>,
      %swap3A_753 = vector.shape_cast %swap3A_752 : vector<1x16xi32> to vector<16xi32>
      %swap3A_754 = vector.shape_cast %add3A_749 : vector<16xi32> to vector<1x16xi32>
      tpu.vector_store %arg8[%swap3A_750, %swap3A_751], %swap3A_754 {strides = array<i32>} : memref<160x128xi32, #tpu.memory_space<vmem>>, vector<1x16xi32>,
      %get3A_755 = arith.index_cast %scan3A_696 : i32 to index
      %get3A_756 = arith.constant 64 : index
      %get3A_757 = tpu.vector_load %arg8[%get3A_755, %get3A_756] {strides = array<i32>} : memref<160x128xi32, #tpu.memory_space<vmem>>, vector<1x16xi32>,
      %get3A_758 = vector.shape_cast %get3A_757 : vector<1x16xi32> to vector<16xi32>
      %mul3A_759 = arith.constant 1 : i32
      %mul3A_760 = vector.broadcast %mul3A_759 : i32 to vector<16xi32>
      %mul3A_761 = arith.muli %get3A_758, %mul3A_760 : vector<16xi32>
      %add3A_762 = arith.constant 1 : i32
      %add3A_763 = vector.broadcast %add3A_762 : i32 to vector<16xi32>
      %add3A_764 = arith.addi %mul3A_761, %add3A_763 : vector<16xi32>
      %swap3A_765 = arith.index_cast %scan3A_696 : i32 to index
      %swap3A_766 = arith.constant 64 : index
      %swap3A_767 = tpu.vector_load %arg8[%swap3A_765, %swap3A_766] {strides = array<i32>} : memref<160x128xi32, #tpu.memory_space<vmem>>, vector<1x16xi32>,
      %swap3A_768 = vector.shape_cast %swap3A_767 : vector<1x16xi32> to vector<16xi32>
      %swap3A_769 = vector.shape_cast %add3A_764 : vector<16xi32> to vector<1x16xi32>
      tpu.vector_store %arg8[%swap3A_765, %swap3A_766], %swap3A_769 {strides = array<i32>} : memref<160x128xi32, #tpu.memory_space<vmem>>, vector<1x16xi32>,
      %get3A_770 = arith.index_cast %scan3A_696 : i32 to index
      %get3A_771 = arith.constant 80 : index
      %get3A_772 = tpu.vector_load %arg8[%get3A_770, %get3A_771] {strides = array<i32>} : memref<160x128xi32, #tpu.memory_space<vmem>>, vector<1x16xi32>,
      %get3A_773 = vector.shape_cast %get3A_772 : vector<1x16xi32> to vector<16xi32>
      %mul3A_774 = arith.constant 1 : i32
      %mul3A_775 = vector.broadcast %mul3A_774 : i32 to vector<16xi32>
      %mul3A_776 = arith.muli %get3A_773, %mul3A_775 : vector<16xi32>
      %add3A_777 = arith.constant 1 : i32
      %add3A_778 = vector.broadcast %add3A_777 : i32 to vector<16xi32>
      %add3A_779 = arith.addi %mul3A_776, %add3A_778 : vector<16xi32>
      %swap3A_780 = arith.index_cast %scan3A_696 : i32 to index
      %swap3A_781 = arith.constant 80 : index
      %swap3A_782 = tpu.vector_load %arg8[%swap3A_780, %swap3A_781] {strides = array<i32>} : memref<160x128xi32, #tpu.memory_space<vmem>>, vector<1x16xi32>,
      %swap3A_783 = vector.shape_cast %swap3A_782 : vector<1x16xi32> to vector<16xi32>
      %swap3A_784 = vector.shape_cast %add3A_779 : vector<16xi32> to vector<1x16xi32>
      tpu.vector_store %arg8[%swap3A_780, %swap3A_781], %swap3A_784 {strides = array<i32>} : memref<160x128xi32, #tpu.memory_space<vmem>>, vector<1x16xi32>,
      %get3A_785 = arith.index_cast %scan3A_696 : i32 to index
      %get3A_786 = arith.constant 96 : index
      %get3A_787 = tpu.vector_load %arg8[%get3A_785, %get3A_786] {strides = array<i32>} : memref<160x128xi32, #tpu.memory_space<vmem>>, vector<1x16xi32>,
      %get3A_788 = vector.shape_cast %get3A_787 : vector<1x16xi32> to vector<16xi32>
      %mul3A_789 = arith.constant 1 : i32
      %mul3A_790 = vector.broadcast %mul3A_789 : i32 to vector<16xi32>
      %mul3A_791 = arith.muli %get3A_788, %mul3A_790 : vector<16xi32>
      %add3A_792 = arith.constant 1 : i32
      %add3A_793 = vector.broadcast %add3A_792 : i32 to vector<16xi32>
      %add3A_794 = arith.addi %mul3A_791, %add3A_793 : vector<16xi32>
      %swap3A_795 = arith.index_cast %scan3A_696 : i32 to index
      %swap3A_796 = arith.constant 96 : index
      %swap3A_797 = tpu.vector_load %arg8[%swap3A_795, %swap3A_796] {strides = array<i32>} : memref<160x128xi32, #tpu.memory_space<vmem>>, vector<1x16xi32>,
      %swap3A_798 = vector.shape_cast %swap3A_797 : vector<1x16xi32> to vector<16xi32>
      %swap3A_799 = vector.shape_cast %add3A_794 : vector<16xi32> to vector<1x16xi32>
      tpu.vector_store %arg8[%swap3A_795, %swap3A_796], %swap3A_799 {strides = array<i32>} : memref<160x128xi32, #tpu.memory_space<vmem>>, vector<1x16xi32>,
      %get3A_800 = arith.index_cast %scan3A_696 : i32 to index
      %get3A_801 = arith.constant 112 : index
      %get3A_802 = tpu.vector_load %arg8[%get3A_800, %get3A_801] {strides = array<i32>} : memref<160x128xi32, #tpu.memory_space<vmem>>, vector<1x16xi32>,
      %get3A_803 = vector.shape_cast %get3A_802 : vector<1x16xi32> to vector<16xi32>
      %mul3A_804 = arith.constant 1 : i32
      %mul3A_805 = vector.broadcast %mul3A_804 : i32 to vector<16xi32>
      %mul3A_806 = arith.muli %get3A_803, %mul3A_805 : vector<16xi32>
      %add3A_807 = arith.constant 1 : i32
      %add3A_808 = vector.broadcast %add3A_807 : i32 to vector<16xi32>
      %add3A_809 = arith.addi %mul3A_806, %add3A_808 : vector<16xi32>
      %swap3A_810 = arith.index_cast %scan3A_696 : i32 to index
      %swap3A_811 = arith.constant 112 : index
      %swap3A_812 = tpu.vector_load %arg8[%swap3A_810, %swap3A_811] {strides = array<i32>} : memref<160x128xi32, #tpu.memory_space<vmem>>, vector<1x16xi32>,
      %swap3A_813 = vector.shape_cast %swap3A_812 : vector<1x16xi32> to vector<16xi32>
      %swap3A_814 = vector.shape_cast %add3A_809 : vector<16xi32> to vector<1x16xi32>
      tpu.vector_store %arg8[%swap3A_810, %swap3A_811], %swap3A_814 {strides = array<i32>} : memref<160x128xi32, #tpu.memory_space<vmem>>, vector<1x16xi32>,
    }
    %scan3A_352 = arith.constant 160 : i32
    "tpu.region"() ({
      %run_scoped3A = tpu.sem_alloc : memref<!tpu.dma_semaphore, #tpu.memory_space<semaphore_mem>>
      tpu.enqueue_dma source(%arg5 : memref<128x64xf32, #tpu.memory_space<hbm>>) target(%arg15 : memref<128x64xf32, #tpu.memory_space<vmem>>) target_semaphore(%run_scoped3A : memref<!tpu.dma_semaphore, #tpu.memory_space<semaphore_mem>>)
      tpu.wait_dma2 semaphore(%run_scoped3A : memref<!tpu.dma_semaphore, #tpu.memory_space<semaphore_mem>>) src(%arg5 : memref<128x64xf32, #tpu.memory_space<hbm>>) dst(%arg15 : memref<128x64xf32, #tpu.memory_space<vmem>>)
      tpu.yield
    }) : () -> ()
    %mul3A_353 = arith.constant 640 : i32
    %mul3A_354 = arith.muli %arg1, %mul3A_353 : i32
    %add3A_355 = arith.constant 0 : i32
    %add3A_356 = arith.addi %mul3A_354, %add3A_355 : i32
    "tpu.region"() ({
      %run_scoped3A = tpu.sem_alloc : memref<!tpu.dma_semaphore, #tpu.memory_space<semaphore_mem>>
      %dma_start3A_696 = arith.constant 0 : i32
      %dma_start3A_697 = tpu.memref_slice %arg16[%add3A_356, %dma_start3A_696] : memref<10240x64xf32, #tpu.memory_space<vmem_shared>> -> memref<128x64xf32, #tpu.memory_space<vmem_shared>>
      %dma_start3A_698 = arith.constant 0 : i32
      %dma_start3A_699 = tpu.memref_slice %arg16[%add3A_356, %dma_start3A_698] : memref<10240x64xf32, #tpu.memory_space<vmem_shared>> -> memref<128x64xf32, #tpu.memory_space<vmem_shared>>
      tpu.enqueue_dma source(%arg15 : memref<128x64xf32, #tpu.memory_space<vmem>>) target(%dma_start3A_699 : memref<128x64xf32, #tpu.memory_space<vmem_shared>>) target_semaphore(%run_scoped3A : memref<!tpu.dma_semaphore, #tpu.memory_space<semaphore_mem>>)
      %dma_wait3A_700 = arith.constant 0 : i32
      %dma_wait3A_701 = tpu.memref_slice %arg16[%add3A_356, %dma_wait3A_700] : memref<10240x64xf32, #tpu.memory_space<vmem_shared>> -> memref<128x64xf32, #tpu.memory_space<vmem_shared>>
      %dma_wait3A_702 = arith.constant 0 : i32
      %dma_wait3A_703 = tpu.memref_slice %arg16[%add3A_356, %dma_wait3A_702] : memref<10240x64xf32, #tpu.memory_space<vmem_shared>> -> memref<128x64xf32, #tpu.memory_space<vmem_shared>>
      tpu.wait_dma2 semaphore(%run_scoped3A : memref<!tpu.dma_semaphore, #tpu.memory_space<semaphore_mem>>) src(%arg15 : memref<128x64xf32, #tpu.memory_space<vmem>>) dst(%dma_wait3A_703 : memref<128x64xf32, #tpu.memory_space<vmem_shared>>)
      tpu.yield
    }) : () -> ()
    %mul3A_357 = arith.constant 640 : i32
    %mul3A_358 = arith.muli %arg1, %mul3A_357 : i32
    %add3A_359 = arith.constant 128 : i32
    %add3A_360 = arith.addi %mul3A_358, %add3A_359 : i32
    "tpu.region"() ({
      %run_scoped3A = tpu.sem_alloc : memref<!tpu.dma_semaphore, #tpu.memory_space<semaphore_mem>>
      %dma_start3A_696 = arith.constant 0 : i32
      %dma_start3A_697 = tpu.memref_slice %arg16[%add3A_360, %dma_start3A_696] : memref<10240x64xf32, #tpu.memory_space<vmem_shared>> -> memref<128x64xf32, #tpu.memory_space<vmem_shared>>
      %dma_start3A_698 = arith.constant 0 : i32
      %dma_start3A_699 = tpu.memref_slice %arg16[%add3A_360, %dma_start3A_698] : memref<10240x64xf32, #tpu.memory_space<vmem_shared>> -> memref<128x64xf32, #tpu.memory_space<vmem_shared>>
      tpu.enqueue_dma source(%arg15 : memref<128x64xf32, #tpu.memory_space<vmem>>) target(%dma_start3A_699 : memref<128x64xf32, #tpu.memory_space<vmem_shared>>) target_semaphore(%run_scoped3A : memref<!tpu.dma_semaphore, #tpu.memory_space<semaphore_mem>>)
      %dma_wait3A_700 = arith.constant 0 : i32
      %dma_wait3A_701 = tpu.memref_slice %arg16[%add3A_360, %dma_wait3A_700] : memref<10240x64xf32, #tpu.memory_space<vmem_shared>> -> memref<128x64xf32, #tpu.memory_space<vmem_shared>>
      %dma_wait3A_702 = arith.constant 0 : i32
      %dma_wait3A_703 = tpu.memref_slice %arg16[%add3A_360, %dma_wait3A_702] : memref<10240x64xf32, #tpu.memory_space<vmem_shared>> -> memref<128x64xf32, #tpu.memory_space<vmem_shared>>
      tpu.wait_dma2 semaphore(%run_scoped3A : memref<!tpu.dma_semaphore, #tpu.memory_space<semaphore_mem>>) src(%arg15 : memref<128x64xf32, #tpu.memory_space<vmem>>) dst(%dma_wait3A_703 : memref<128x64xf32, #tpu.memory_space<vmem_shared>>)
      tpu.yield
    }) : () -> ()
    %mul3A_361 = arith.constant 640 : i32
    %mul3A_362 = arith.muli %arg1, %mul3A_361 : i32
    %add3A_363 = arith.constant 256 : i32
    %add3A_364 = arith.addi %mul3A_362, %add3A_363 : i32
    "tpu.region"() ({
      %run_scoped3A = tpu.sem_alloc : memref<!tpu.dma_semaphore, #tpu.memory_space<semaphore_mem>>
      %dma_start3A_696 = arith.constant 0 : i32
      %dma_start3A_697 = tpu.memref_slice %arg16[%add3A_364, %dma_start3A_696] : memref<10240x64xf32, #tpu.memory_space<vmem_shared>> -> memref<128x64xf32, #tpu.memory_space<vmem_shared>>
      %dma_start3A_698 = arith.constant 0 : i32
      %dma_start3A_699 = tpu.memref_slice %arg16[%add3A_364, %dma_start3A_698] : memref<10240x64xf32, #tpu.memory_space<vmem_shared>> -> memref<128x64xf32, #tpu.memory_space<vmem_shared>>
      tpu.enqueue_dma source(%arg15 : memref<128x64xf32, #tpu.memory_space<vmem>>) target(%dma_start3A_699 : memref<128x64xf32, #tpu.memory_space<vmem_shared>>) target_semaphore(%run_scoped3A : memref<!tpu.dma_semaphore, #tpu.memory_space<semaphore_mem>>)
      %dma_wait3A_700 = arith.constant 0 : i32
      %dma_wait3A_701 = tpu.memref_slice %arg16[%add3A_364, %dma_wait3A_700] : memref<10240x64xf32, #tpu.memory_space<vmem_shared>> -> memref<128x64xf32, #tpu.memory_space<vmem_shared>>
      %dma_wait3A_702 = arith.constant 0 : i32
      %dma_wait3A_703 = tpu.memref_slice %arg16[%add3A_364, %dma_wait3A_702] : memref<10240x64xf32, #tpu.memory_space<vmem_shared>> -> memref<128x64xf32, #tpu.memory_space<vmem_shared>>
      tpu.wait_dma2 semaphore(%run_scoped3A : memref<!tpu.dma_semaphore, #tpu.memory_space<semaphore_mem>>) src(%arg15 : memref<128x64xf32, #tpu.memory_space<vmem>>) dst(%dma_wait3A_703 : memref<128x64xf32, #tpu.memory_space<vmem_shared>>)
      tpu.yield
    }) : () -> ()
    %mul3A_365 = arith.constant 640 : i32
    %mul3A_366 = arith.muli %arg1, %mul3A_365 : i32
    %add3A_367 = arith.constant 384 : i32
    %add3A_368 = arith.addi %mul3A_366, %add3A_367 : i32
    "tpu.region"() ({
      %run_scoped3A = tpu.sem_alloc : memref<!tpu.dma_semaphore, #tpu.memory_space<semaphore_mem>>
      %dma_start3A_696 = arith.constant 0 : i32
      %dma_start3A_697 = tpu.memref_slice %arg16[%add3A_368, %dma_start3A_696] : memref<10240x64xf32, #tpu.memory_space<vmem_shared>> -> memref<128x64xf32, #tpu.memory_space<vmem_shared>>
      %dma_start3A_698 = arith.constant 0 : i32
      %dma_start3A_699 = tpu.memref_slice %arg16[%add3A_368, %dma_start3A_698] : memref<10240x64xf32, #tpu.memory_space<vmem_shared>> -> memref<128x64xf32, #tpu.memory_space<vmem_shared>>
      tpu.enqueue_dma source(%arg15 : memref<128x64xf32, #tpu.memory_space<vmem>>) target(%dma_start3A_699 : memref<128x64xf32, #tpu.memory_space<vmem_shared>>) target_semaphore(%run_scoped3A : memref<!tpu.dma_semaphore, #tpu.memory_space<semaphore_mem>>)
      %dma_wait3A_700 = arith.constant 0 : i32
      %dma_wait3A_701 = tpu.memref_slice %arg16[%add3A_368, %dma_wait3A_700] : memref<10240x64xf32, #tpu.memory_space<vmem_shared>> -> memref<128x64xf32, #tpu.memory_space<vmem_shared>>
      %dma_wait3A_702 = arith.constant 0 : i32
      %dma_wait3A_703 = tpu.memref_slice %arg16[%add3A_368, %dma_wait3A_702] : memref<10240x64xf32, #tpu.memory_space<vmem_shared>> -> memref<128x64xf32, #tpu.memory_space<vmem_shared>>
      tpu.wait_dma2 semaphore(%run_scoped3A : memref<!tpu.dma_semaphore, #tpu.memory_space<semaphore_mem>>) src(%arg15 : memref<128x64xf32, #tpu.memory_space<vmem>>) dst(%dma_wait3A_703 : memref<128x64xf32, #tpu.memory_space<vmem_shared>>)
      tpu.yield
    }) : () -> ()
    %mul3A_369 = arith.constant 640 : i32
    %mul3A_370 = arith.muli %arg1, %mul3A_369 : i32
    %add3A_371 = arith.constant 512 : i32
    %add3A_372 = arith.addi %mul3A_370, %add3A_371 : i32
    "tpu.region"() ({
      %run_scoped3A = tpu.sem_alloc : memref<!tpu.dma_semaphore, #tpu.memory_space<semaphore_mem>>
      %dma_start3A_696 = arith.constant 0 : i32
      %dma_start3A_697 = tpu.memref_slice %arg16[%add3A_372, %dma_start3A_696] : memref<10240x64xf32, #tpu.memory_space<vmem_shared>> -> memref<128x64xf32, #tpu.memory_space<vmem_shared>>
      %dma_start3A_698 = arith.constant 0 : i32
      %dma_start3A_699 = tpu.memref_slice %arg16[%add3A_372, %dma_start3A_698] : memref<10240x64xf32, #tpu.memory_space<vmem_shared>> -> memref<128x64xf32, #tpu.memory_space<vmem_shared>>
      tpu.enqueue_dma source(%arg15 : memref<128x64xf32, #tpu.memory_space<vmem>>) target(%dma_start3A_699 : memref<128x64xf32, #tpu.memory_space<vmem_shared>>) target_semaphore(%run_scoped3A : memref<!tpu.dma_semaphore, #tpu.memory_space<semaphore_mem>>)
      %dma_wait3A_700 = arith.constant 0 : i32
      %dma_wait3A_701 = tpu.memref_slice %arg16[%add3A_372, %dma_wait3A_700] : memref<10240x64xf32, #tpu.memory_space<vmem_shared>> -> memref<128x64xf32, #tpu.memory_space<vmem_shared>>
      %dma_wait3A_702 = arith.constant 0 : i32
      %dma_wait3A_703 = tpu.memref_slice %arg16[%add3A_372, %dma_wait3A_702] : memref<10240x64xf32, #tpu.memory_space<vmem_shared>> -> memref<128x64xf32, #tpu.memory_space<vmem_shared>>
      tpu.wait_dma2 semaphore(%run_scoped3A : memref<!tpu.dma_semaphore, #tpu.memory_space<semaphore_mem>>) src(%arg15 : memref<128x64xf32, #tpu.memory_space<vmem>>) dst(%dma_wait3A_703 : memref<128x64xf32, #tpu.memory_space<vmem_shared>>)
      tpu.yield
    }) : () -> ()
    %barrier3A_373 = arith.constant 0 : index
    tpu.barrier barrier_id(%barrier3A_373)
    %dma_start3A_374 = arith.constant 0 : i32
    %dma_start3A_375 = arith.constant 0 : i32
    %dma_start3A_376 = tpu.memref_slice %arg8[%dma_start3A_374, %dma_start3A_375] : memref<160x128xi32, #tpu.memory_space<vmem>> -> memref<1x128xi32, #tpu.memory_space<vmem>>
    %dma_start3A_377 = tpu.memref_squeeze %dma_start3A_376 : memref<1x128xi32, #tpu.memory_space<vmem>> -> memref<128xi32, #tpu.memory_space<vmem>>
    %dma_start3A_378 = arith.constant 0 : i32
    %dma_start3A_379 = arith.constant 0 : i32
    %dma_start3A_380 = tpu.memref_slice %arg2[%dma_start3A_378, %dma_start3A_379] : memref<40960x64xf32, #tpu.memory_space<hbm>> -> memref<40960x64xf32, #tpu.memory_space<hbm>>
    tpu.enqueue_indirect_dma source(%dma_start3A_380 : memref<40960x64xf32, #tpu.memory_space<hbm>>) target(%arg10 : memref<128x64xf32, #tpu.memory_space<vmem>>) offsets(%dma_start3A_377 : memref<128xi32, #tpu.memory_space<vmem>>) semaphore(%arg17 : memref<!tpu.dma_semaphore, #tpu.memory_space<semaphore_mem>>)
    %dma_start3A_381 = arith.constant 1 : i32
    %dma_start3A_382 = arith.constant 0 : i32
    %dma_start3A_383 = tpu.memref_slice %arg8[%dma_start3A_381, %dma_start3A_382] : memref<160x128xi32, #tpu.memory_space<vmem>> -> memref<1x128xi32, #tpu.memory_space<vmem>>
    %dma_start3A_384 = tpu.memref_squeeze %dma_start3A_383 : memref<1x128xi32, #tpu.memory_space<vmem>> -> memref<128xi32, #tpu.memory_space<vmem>>
    %dma_start3A_385 = arith.constant 0 : i32
    %dma_start3A_386 = arith.constant 0 : i32
    %dma_start3A_387 = tpu.memref_slice %arg2[%dma_start3A_385, %dma_start3A_386] : memref<40960x64xf32, #tpu.memory_space<hbm>> -> memref<40960x64xf32, #tpu.memory_space<hbm>>
    tpu.enqueue_indirect_dma source(%dma_start3A_387 : memref<40960x64xf32, #tpu.memory_space<hbm>>) target(%arg11 : memref<128x64xf32, #tpu.memory_space<vmem>>) offsets(%dma_start3A_384 : memref<128xi32, #tpu.memory_space<vmem>>) semaphore(%arg18 : memref<!tpu.dma_semaphore, #tpu.memory_space<semaphore_mem>>)
    %dma_start3A_388 = arith.constant 2 : i32
    %dma_start3A_389 = arith.constant 0 : i32
    %dma_start3A_390 = tpu.memref_slice %arg8[%dma_start3A_388, %dma_start3A_389] : memref<160x128xi32, #tpu.memory_space<vmem>> -> memref<1x128xi32, #tpu.memory_space<vmem>>
    %dma_start3A_391 = tpu.memref_squeeze %dma_start3A_390 : memref<1x128xi32, #tpu.memory_space<vmem>> -> memref<128xi32, #tpu.memory_space<vmem>>
    %dma_start3A_392 = arith.constant 0 : i32
    %dma_start3A_393 = arith.constant 0 : i32
    %dma_start3A_394 = tpu.memref_slice %arg2[%dma_start3A_392, %dma_start3A_393] : memref<40960x64xf32, #tpu.memory_space<hbm>> -> memref<40960x64xf32, #tpu.memory_space<hbm>>
    tpu.enqueue_indirect_dma source(%dma_start3A_394 : memref<40960x64xf32, #tpu.memory_space<hbm>>) target(%arg12 : memref<128x64xf32, #tpu.memory_space<vmem>>) offsets(%dma_start3A_391 : memref<128xi32, #tpu.memory_space<vmem>>) semaphore(%arg19 : memref<!tpu.dma_semaphore, #tpu.memory_space<semaphore_mem>>)
    %dma_start3A_395 = arith.constant 3 : i32
    %dma_start3A_396 = arith.constant 0 : i32
    %dma_start3A_397 = tpu.memref_slice %arg8[%dma_start3A_395, %dma_start3A_396] : memref<160x128xi32, #tpu.memory_space<vmem>> -> memref<1x128xi32, #tpu.memory_space<vmem>>
    %dma_start3A_398 = tpu.memref_squeeze %dma_start3A_397 : memref<1x128xi32, #tpu.memory_space<vmem>> -> memref<128xi32, #tpu.memory_space<vmem>>
    %dma_start3A_399 = arith.constant 0 : i32
    %dma_start3A_400 = arith.constant 0 : i32
    %dma_start3A_401 = tpu.memref_slice %arg2[%dma_start3A_399, %dma_start3A_400] : memref<40960x64xf32, #tpu.memory_space<hbm>> -> memref<40960x64xf32, #tpu.memory_space<hbm>>
    tpu.enqueue_indirect_dma source(%dma_start3A_401 : memref<40960x64xf32, #tpu.memory_space<hbm>>) target(%arg13 : memref<128x64xf32, #tpu.memory_space<vmem>>) offsets(%dma_start3A_398 : memref<128xi32, #tpu.memory_space<vmem>>) semaphore(%arg20 : memref<!tpu.dma_semaphore, #tpu.memory_space<semaphore_mem>>)
    %dma_wait3A_402 = arith.constant 0 : i32
    %dma_wait3A_403 = arith.constant 0 : i32
    %dma_wait3A_404 = tpu.memref_slice %arg8[%dma_wait3A_402, %dma_wait3A_403] : memref<160x128xi32, #tpu.memory_space<vmem>> -> memref<1x128xi32, #tpu.memory_space<vmem>>
    %dma_wait3A_405 = tpu.memref_squeeze %dma_wait3A_404 : memref<1x128xi32, #tpu.memory_space<vmem>> -> memref<128xi32, #tpu.memory_space<vmem>>
    %dma_wait3A_406 = arith.constant 0 : i32
    %dma_wait3A_407 = arith.constant 0 : i32
    %dma_wait3A_408 = tpu.memref_slice %arg2[%dma_wait3A_406, %dma_wait3A_407] : memref<40960x64xf32, #tpu.memory_space<hbm>> -> memref<40960x64xf32, #tpu.memory_space<hbm>>
    tpu.wait_indirect_dma semaphore(%arg17 : memref<!tpu.dma_semaphore, #tpu.memory_space<semaphore_mem>>) src(%dma_wait3A_408 : memref<40960x64xf32, #tpu.memory_space<hbm>>) dst(%arg10 : memref<128x64xf32, #tpu.memory_space<vmem>>)
    %dma_start3A_409 = arith.constant 0 : i32
    %dma_start3A_410 = arith.constant 0 : i32
    %dma_start3A_411 = tpu.memref_slice %arg9[%dma_start3A_409, %dma_start3A_410] : memref<160x128xi32, #tpu.memory_space<vmem>> -> memref<1x128xi32, #tpu.memory_space<vmem>>
    %dma_start3A_412 = tpu.memref_squeeze %dma_start3A_411 : memref<1x128xi32, #tpu.memory_space<vmem>> -> memref<128xi32, #tpu.memory_space<vmem>>
    %dma_start3A_413 = arith.constant 0 : i32
    %dma_start3A_414 = arith.constant 0 : i32
    %dma_start3A_415 = tpu.memref_slice %arg16[%dma_start3A_413, %dma_start3A_414] : memref<10240x64xf32, #tpu.memory_space<vmem_shared>> -> memref<10240x64xf32, #tpu.memory_space<vmem_shared>>
    tpu.enqueue_indirect_dma source(%arg10 : memref<128x64xf32, #tpu.memory_space<vmem>>) target(%dma_start3A_415 : memref<10240x64xf32, #tpu.memory_space<vmem_shared>>) offsets(%dma_start3A_412 : memref<128xi32, #tpu.memory_space<vmem>>) semaphore(%arg23 : memref<!tpu.dma_semaphore, #tpu.memory_space<semaphore_mem>>) {add = true}
    %dma_start3A_416 = arith.constant 4 : i32
    %dma_start3A_417 = arith.constant 0 : i32
    %dma_start3A_418 = tpu.memref_slice %arg8[%dma_start3A_416, %dma_start3A_417] : memref<160x128xi32, #tpu.memory_space<vmem>> -> memref<1x128xi32, #tpu.memory_space<vmem>>
    %dma_start3A_419 = tpu.memref_squeeze %dma_start3A_418 : memref<1x128xi32, #tpu.memory_space<vmem>> -> memref<128xi32, #tpu.memory_space<vmem>>
    %dma_start3A_420 = arith.constant 0 : i32
    %dma_start3A_421 = arith.constant 0 : i32
    %dma_start3A_422 = tpu.memref_slice %arg2[%dma_start3A_420, %dma_start3A_421] : memref<40960x64xf32, #tpu.memory_space<hbm>> -> memref<40960x64xf32, #tpu.memory_space<hbm>>
    tpu.enqueue_indirect_dma source(%dma_start3A_422 : memref<40960x64xf32, #tpu.memory_space<hbm>>) target(%arg14 : memref<128x64xf32, #tpu.memory_space<vmem>>) offsets(%dma_start3A_419 : memref<128xi32, #tpu.memory_space<vmem>>) semaphore(%arg21 : memref<!tpu.dma_semaphore, #tpu.memory_space<semaphore_mem>>)
    %dma_wait3A_423 = arith.constant 1 : i32
    %dma_wait3A_424 = arith.constant 0 : i32
    %dma_wait3A_425 = tpu.memref_slice %arg8[%dma_wait3A_423, %dma_wait3A_424] : memref<160x128xi32, #tpu.memory_space<vmem>> -> memref<1x128xi32, #tpu.memory_space<vmem>>
    %dma_wait3A_426 = tpu.memref_squeeze %dma_wait3A_425 : memref<1x128xi32, #tpu.memory_space<vmem>> -> memref<128xi32, #tpu.memory_space<vmem>>
    %dma_wait3A_427 = arith.constant 0 : i32
    %dma_wait3A_428 = arith.constant 0 : i32
    %dma_wait3A_429 = tpu.memref_slice %arg2[%dma_wait3A_427, %dma_wait3A_428] : memref<40960x64xf32, #tpu.memory_space<hbm>> -> memref<40960x64xf32, #tpu.memory_space<hbm>>
    tpu.wait_indirect_dma semaphore(%arg18 : memref<!tpu.dma_semaphore, #tpu.memory_space<semaphore_mem>>) src(%dma_wait3A_429 : memref<40960x64xf32, #tpu.memory_space<hbm>>) dst(%arg11 : memref<128x64xf32, #tpu.memory_space<vmem>>)
    %dma_start3A_430 = arith.constant 1 : i32
    %dma_start3A_431 = arith.constant 0 : i32
    %dma_start3A_432 = tpu.memref_slice %arg9[%dma_start3A_430, %dma_start3A_431] : memref<160x128xi32, #tpu.memory_space<vmem>> -> memref<1x128xi32, #tpu.memory_space<vmem>>
    %dma_start3A_433 = tpu.memref_squeeze %dma_start3A_432 : memref<1x128xi32, #tpu.memory_space<vmem>> -> memref<128xi32, #tpu.memory_space<vmem>>
    %dma_start3A_434 = arith.constant 0 : i32
    %dma_start3A_435 = arith.constant 0 : i32
    %dma_start3A_436 = tpu.memref_slice %arg16[%dma_start3A_434, %dma_start3A_435] : memref<10240x64xf32, #tpu.memory_space<vmem_shared>> -> memref<10240x64xf32, #tpu.memory_space<vmem_shared>>
    tpu.enqueue_indirect_dma source(%arg11 : memref<128x64xf32, #tpu.memory_space<vmem>>) target(%dma_start3A_436 : memref<10240x64xf32, #tpu.memory_space<vmem_shared>>) offsets(%dma_start3A_433 : memref<128xi32, #tpu.memory_space<vmem>>) semaphore(%arg24 : memref<!tpu.dma_semaphore, #tpu.memory_space<semaphore_mem>>) {add = true}
    %dma_start3A_437 = arith.constant 5 : i32
    %dma_start3A_438 = arith.constant 0 : i32
    %dma_start3A_439 = tpu.memref_slice %arg8[%dma_start3A_437, %dma_start3A_438] : memref<160x128xi32, #tpu.memory_space<vmem>> -> memref<1x128xi32, #tpu.memory_space<vmem>>
    %dma_start3A_440 = tpu.memref_squeeze %dma_start3A_439 : memref<1x128xi32, #tpu.memory_space<vmem>> -> memref<128xi32, #tpu.memory_space<vmem>>
    %dma_start3A_441 = arith.constant 0 : i32
    %dma_start3A_442 = arith.constant 0 : i32
    %dma_start3A_443 = tpu.memref_slice %arg2[%dma_start3A_441, %dma_start3A_442] : memref<40960x64xf32, #tpu.memory_space<hbm>> -> memref<40960x64xf32, #tpu.memory_space<hbm>>
    tpu.enqueue_indirect_dma source(%dma_start3A_443 : memref<40960x64xf32, #tpu.memory_space<hbm>>) target(%arg15 : memref<128x64xf32, #tpu.memory_space<vmem>>) offsets(%dma_start3A_440 : memref<128xi32, #tpu.memory_space<vmem>>) semaphore(%arg22 : memref<!tpu.dma_semaphore, #tpu.memory_space<semaphore_mem>>)
    %dma_wait3A_444 = arith.constant 2 : i32
    %dma_wait3A_445 = arith.constant 0 : i32
    %dma_wait3A_446 = tpu.memref_slice %arg8[%dma_wait3A_444, %dma_wait3A_445] : memref<160x128xi32, #tpu.memory_space<vmem>> -> memref<1x128xi32, #tpu.memory_space<vmem>>
    %dma_wait3A_447 = tpu.memref_squeeze %dma_wait3A_446 : memref<1x128xi32, #tpu.memory_space<vmem>> -> memref<128xi32, #tpu.memory_space<vmem>>
    %dma_wait3A_448 = arith.constant 0 : i32
    %dma_wait3A_449 = arith.constant 0 : i32
    %dma_wait3A_450 = tpu.memref_slice %arg2[%dma_wait3A_448, %dma_wait3A_449] : memref<40960x64xf32, #tpu.memory_space<hbm>> -> memref<40960x64xf32, #tpu.memory_space<hbm>>
    tpu.wait_indirect_dma semaphore(%arg19 : memref<!tpu.dma_semaphore, #tpu.memory_space<semaphore_mem>>) src(%dma_wait3A_450 : memref<40960x64xf32, #tpu.memory_space<hbm>>) dst(%arg12 : memref<128x64xf32, #tpu.memory_space<vmem>>)
    %dma_start3A_451 = arith.constant 2 : i32
    %dma_start3A_452 = arith.constant 0 : i32
    %dma_start3A_453 = tpu.memref_slice %arg9[%dma_start3A_451, %dma_start3A_452] : memref<160x128xi32, #tpu.memory_space<vmem>> -> memref<1x128xi32, #tpu.memory_space<vmem>>
    %dma_start3A_454 = tpu.memref_squeeze %dma_start3A_453 : memref<1x128xi32, #tpu.memory_space<vmem>> -> memref<128xi32, #tpu.memory_space<vmem>>
    %dma_start3A_455 = arith.constant 0 : i32
    %dma_start3A_456 = arith.constant 0 : i32
    %dma_start3A_457 = tpu.memref_slice %arg16[%dma_start3A_455, %dma_start3A_456] : memref<10240x64xf32, #tpu.memory_space<vmem_shared>> -> memref<10240x64xf32, #tpu.memory_space<vmem_shared>>
    tpu.enqueue_indirect_dma source(%arg12 : memref<128x64xf32, #tpu.memory_space<vmem>>) target(%dma_start3A_457 : memref<10240x64xf32, #tpu.memory_space<vmem_shared>>) offsets(%dma_start3A_454 : memref<128xi32, #tpu.memory_space<vmem>>) semaphore(%arg25 : memref<!tpu.dma_semaphore, #tpu.memory_space<semaphore_mem>>) {add = true}
    %dma_wait3A_458 = arith.constant 0 : i32
    %dma_wait3A_459 = arith.constant 0 : i32
    %dma_wait3A_460 = tpu.memref_slice %arg9[%dma_wait3A_458, %dma_wait3A_459] : memref<160x128xi32, #tpu.memory_space<vmem>> -> memref<1x128xi32, #tpu.memory_space<vmem>>
    %dma_wait3A_461 = tpu.memref_squeeze %dma_wait3A_460 : memref<1x128xi32, #tpu.memory_space<vmem>> -> memref<128xi32, #tpu.memory_space<vmem>>
    %dma_wait3A_462 = arith.constant 0 : i32
    %dma_wait3A_463 = arith.constant 0 : i32
    %dma_wait3A_464 = tpu.memref_slice %arg16[%dma_wait3A_462, %dma_wait3A_463] : memref<10240x64xf32, #tpu.memory_space<vmem_shared>> -> memref<10240x64xf32, #tpu.memory_space<vmem_shared>>
    tpu.wait_indirect_dma semaphore(%arg23 : memref<!tpu.dma_semaphore, #tpu.memory_space<semaphore_mem>>) src(%arg10 : memref<128x64xf32, #tpu.memory_space<vmem>>) dst(%dma_wait3A_464 : memref<10240x64xf32, #tpu.memory_space<vmem_shared>>)
    %dma_start3A_465 = arith.constant 6 : i32
    %dma_start3A_466 = arith.constant 0 : i32
    %dma_start3A_467 = tpu.memref_slice %arg8[%dma_start3A_465, %dma_start3A_466] : memref<160x128xi32, #tpu.memory_space<vmem>> -> memref<1x128xi32, #tpu.memory_space<vmem>>
    %dma_start3A_468 = tpu.memref_squeeze %dma_start3A_467 : memref<1x128xi32, #tpu.memory_space<vmem>> -> memref<128xi32, #tpu.memory_space<vmem>>
    %dma_start3A_469 = arith.constant 0 : i32
    %dma_start3A_470 = arith.constant 0 : i32
    %dma_start3A_471 = tpu.memref_slice %arg2[%dma_start3A_469, %dma_start3A_470] : memref<40960x64xf32, #tpu.memory_space<hbm>> -> memref<40960x64xf32, #tpu.memory_space<hbm>>
    tpu.enqueue_indirect_dma source(%dma_start3A_471 : memref<40960x64xf32, #tpu.memory_space<hbm>>) target(%arg10 : memref<128x64xf32, #tpu.memory_space<vmem>>) offsets(%dma_start3A_468 : memref<128xi32, #tpu.memory_space<vmem>>) semaphore(%arg17 : memref<!tpu.dma_semaphore, #tpu.memory_space<semaphore_mem>>)
    %dma_wait3A_472 = arith.constant 3 : i32
    %dma_wait3A_473 = arith.constant 0 : i32
    %dma_wait3A_474 = tpu.memref_slice %arg8[%dma_wait3A_472, %dma_wait3A_473] : memref<160x128xi32, #tpu.memory_space<vmem>> -> memref<1x128xi32, #tpu.memory_space<vmem>>
    %dma_wait3A_475 = tpu.memref_squeeze %dma_wait3A_474 : memref<1x128xi32, #tpu.memory_space<vmem>> -> memref<128xi32, #tpu.memory_space<vmem>>
    %dma_wait3A_476 = arith.constant 0 : i32
    %dma_wait3A_477 = arith.constant 0 : i32
    %dma_wait3A_478 = tpu.memref_slice %arg2[%dma_wait3A_476, %dma_wait3A_477] : memref<40960x64xf32, #tpu.memory_space<hbm>> -> memref<40960x64xf32, #tpu.memory_space<hbm>>
    tpu.wait_indirect_dma semaphore(%arg20 : memref<!tpu.dma_semaphore, #tpu.memory_space<semaphore_mem>>) src(%dma_wait3A_478 : memref<40960x64xf32, #tpu.memory_space<hbm>>) dst(%arg13 : memref<128x64xf32, #tpu.memory_space<vmem>>)
    %dma_start3A_479 = arith.constant 3 : i32
    %dma_start3A_480 = arith.constant 0 : i32
    %dma_start3A_481 = tpu.memref_slice %arg9[%dma_start3A_479, %dma_start3A_480] : memref<160x128xi32, #tpu.memory_space<vmem>> -> memref<1x128xi32, #tpu.memory_space<vmem>>
    %dma_start3A_482 = tpu.memref_squeeze %dma_start3A_481 : memref<1x128xi32, #tpu.memory_space<vmem>> -> memref<128xi32, #tpu.memory_space<vmem>>
    %dma_start3A_483 = arith.constant 0 : i32
    %dma_start3A_484 = arith.constant 0 : i32
    %dma_start3A_485 = tpu.memref_slice %arg16[%dma_start3A_483, %dma_start3A_484] : memref<10240x64xf32, #tpu.memory_space<vmem_shared>> -> memref<10240x64xf32, #tpu.memory_space<vmem_shared>>
    tpu.enqueue_indirect_dma source(%arg13 : memref<128x64xf32, #tpu.memory_space<vmem>>) target(%dma_start3A_485 : memref<10240x64xf32, #tpu.memory_space<vmem_shared>>) offsets(%dma_start3A_482 : memref<128xi32, #tpu.memory_space<vmem>>) semaphore(%arg26 : memref<!tpu.dma_semaphore, #tpu.memory_space<semaphore_mem>>) {add = true}
    %dma_wait3A_486 = arith.constant 0 : i32
    %dma_wait3A_487 = arith.constant 0 : i32
    %dma_wait3A_488 = tpu.memref_slice %arg9[%dma_wait3A_486, %dma_wait3A_487] : memref<160x128xi32, #tpu.memory_space<vmem>> -> memref<1x128xi32, #tpu.memory_space<vmem>>
    %dma_wait3A_489 = tpu.memref_squeeze %dma_wait3A_488 : memref<1x128xi32, #tpu.memory_space<vmem>> -> memref<128xi32, #tpu.memory_space<vmem>>
    %dma_wait3A_490 = arith.constant 0 : i32
    %dma_wait3A_491 = arith.constant 0 : i32
    %dma_wait3A_492 = tpu.memref_slice %arg16[%dma_wait3A_490, %dma_wait3A_491] : memref<10240x64xf32, #tpu.memory_space<vmem_shared>> -> memref<10240x64xf32, #tpu.memory_space<vmem_shared>>
    tpu.wait_indirect_dma semaphore(%arg24 : memref<!tpu.dma_semaphore, #tpu.memory_space<semaphore_mem>>) src(%arg11 : memref<128x64xf32, #tpu.memory_space<vmem>>) dst(%dma_wait3A_492 : memref<10240x64xf32, #tpu.memory_space<vmem_shared>>)
    %dma_start3A_493 = arith.constant 7 : i32
    %dma_start3A_494 = arith.constant 0 : i32
    %dma_start3A_495 = tpu.memref_slice %arg8[%dma_start3A_493, %dma_start3A_494] : memref<160x128xi32, #tpu.memory_space<vmem>> -> memref<1x128xi32, #tpu.memory_space<vmem>>
    %dma_start3A_496 = tpu.memref_squeeze %dma_start3A_495 : memref<1x128xi32, #tpu.memory_space<vmem>> -> memref<128xi32, #tpu.memory_space<vmem>>
    %dma_start3A_497 = arith.constant 0 : i32
    %dma_start3A_498 = arith.constant 0 : i32
    %dma_start3A_499 = tpu.memref_slice %arg2[%dma_start3A_497, %dma_start3A_498] : memref<40960x64xf32, #tpu.memory_space<hbm>> -> memref<40960x64xf32, #tpu.memory_space<hbm>>
    tpu.enqueue_indirect_dma source(%dma_start3A_499 : memref<40960x64xf32, #tpu.memory_space<hbm>>) target(%arg11 : memref<128x64xf32, #tpu.memory_space<vmem>>) offsets(%dma_start3A_496 : memref<128xi32, #tpu.memory_space<vmem>>) semaphore(%arg18 : memref<!tpu.dma_semaphore, #tpu.memory_space<semaphore_mem>>)
    %dma_wait3A_500 = arith.constant 4 : i32
    %dma_wait3A_501 = arith.constant 0 : i32
    %dma_wait3A_502 = tpu.memref_slice %arg8[%dma_wait3A_500, %dma_wait3A_501] : memref<160x128xi32, #tpu.memory_space<vmem>> -> memref<1x128xi32, #tpu.memory_space<vmem>>
    %dma_wait3A_503 = tpu.memref_squeeze %dma_wait3A_502 : memref<1x128xi32, #tpu.memory_space<vmem>> -> memref<128xi32, #tpu.memory_space<vmem>>
    %dma_wait3A_504 = arith.constant 0 : i32
    %dma_wait3A_505 = arith.constant 0 : i32
    %dma_wait3A_506 = tpu.memref_slice %arg2[%dma_wait3A_504, %dma_wait3A_505] : memref<40960x64xf32, #tpu.memory_space<hbm>> -> memref<40960x64xf32, #tpu.memory_space<hbm>>
    tpu.wait_indirect_dma semaphore(%arg21 : memref<!tpu.dma_semaphore, #tpu.memory_space<semaphore_mem>>) src(%dma_wait3A_506 : memref<40960x64xf32, #tpu.memory_space<hbm>>) dst(%arg14 : memref<128x64xf32, #tpu.memory_space<vmem>>)
    %dma_start3A_507 = arith.constant 4 : i32
    %dma_start3A_508 = arith.constant 0 : i32
    %dma_start3A_509 = tpu.memref_slice %arg9[%dma_start3A_507, %dma_start3A_508] : memref<160x128xi32, #tpu.memory_space<vmem>> -> memref<1x128xi32, #tpu.memory_space<vmem>>
    %dma_start3A_510 = tpu.memref_squeeze %dma_start3A_509 : memref<1x128xi32, #tpu.memory_space<vmem>> -> memref<128xi32, #tpu.memory_space<vmem>>
    %dma_start3A_511 = arith.constant 0 : i32
    %dma_start3A_512 = arith.constant 0 : i32
    %dma_start3A_513 = tpu.memref_slice %arg16[%dma_start3A_511, %dma_start3A_512] : memref<10240x64xf32, #tpu.memory_space<vmem_shared>> -> memref<10240x64xf32, #tpu.memory_space<vmem_shared>>
    tpu.enqueue_indirect_dma source(%arg14 : memref<128x64xf32, #tpu.memory_space<vmem>>) target(%dma_start3A_513 : memref<10240x64xf32, #tpu.memory_space<vmem_shared>>) offsets(%dma_start3A_510 : memref<128xi32, #tpu.memory_space<vmem>>) semaphore(%arg27 : memref<!tpu.dma_semaphore, #tpu.memory_space<semaphore_mem>>) {add = true}
    %dma_wait3A_514 = arith.constant 0 : i32
    %dma_wait3A_515 = arith.constant 0 : i32
    %dma_wait3A_516 = tpu.memref_slice %arg9[%dma_wait3A_514, %dma_wait3A_515] : memref<160x128xi32, #tpu.memory_space<vmem>> -> memref<1x128xi32, #tpu.memory_space<vmem>>
    %dma_wait3A_517 = tpu.memref_squeeze %dma_wait3A_516 : memref<1x128xi32, #tpu.memory_space<vmem>> -> memref<128xi32, #tpu.memory_space<vmem>>
    %dma_wait3A_518 = arith.constant 0 : i32
    %dma_wait3A_519 = arith.constant 0 : i32
    %dma_wait3A_520 = tpu.memref_slice %arg16[%dma_wait3A_518, %dma_wait3A_519] : memref<10240x64xf32, #tpu.memory_space<vmem_shared>> -> memref<10240x64xf32, #tpu.memory_space<vmem_shared>>
    tpu.wait_indirect_dma semaphore(%arg25 : memref<!tpu.dma_semaphore, #tpu.memory_space<semaphore_mem>>) src(%arg12 : memref<128x64xf32, #tpu.memory_space<vmem>>) dst(%dma_wait3A_520 : memref<10240x64xf32, #tpu.memory_space<vmem_shared>>)
    %dma_start3A_521 = arith.constant 8 : i32
    %dma_start3A_522 = arith.constant 0 : i32
    %dma_start3A_523 = tpu.memref_slice %arg8[%dma_start3A_521, %dma_start3A_522] : memref<160x128xi32, #tpu.memory_space<vmem>> -> memref<1x128xi32, #tpu.memory_space<vmem>>
    %dma_start3A_524 = tpu.memref_squeeze %dma_start3A_523 : memref<1x128xi32, #tpu.memory_space<vmem>> -> memref<128xi32, #tpu.memory_space<vmem>>
    %dma_start3A_525 = arith.constant 0 : i32
    %dma_start3A_526 = arith.constant 0 : i32
    %dma_start3A_527 = tpu.memref_slice %arg2[%dma_start3A_525, %dma_start3A_526] : memref<40960x64xf32, #tpu.memory_space<hbm>> -> memref<40960x64xf32, #tpu.memory_space<hbm>>
    tpu.enqueue_indirect_dma source(%dma_start3A_527 : memref<40960x64xf32, #tpu.memory_space<hbm>>) target(%arg12 : memref<128x64xf32, #tpu.memory_space<vmem>>) offsets(%dma_start3A_524 : memref<128xi32, #tpu.memory_space<vmem>>) semaphore(%arg19 : memref<!tpu.dma_semaphore, #tpu.memory_space<semaphore_mem>>)
    %dma_wait3A_528 = arith.constant 5 : i32
    %dma_wait3A_529 = arith.constant 0 : i32
    %dma_wait3A_530 = tpu.memref_slice %arg8[%dma_wait3A_528, %dma_wait3A_529] : memref<160x128xi32, #tpu.memory_space<vmem>> -> memref<1x128xi32, #tpu.memory_space<vmem>>
    %dma_wait3A_531 = tpu.memref_squeeze %dma_wait3A_530 : memref<1x128xi32, #tpu.memory_space<vmem>> -> memref<128xi32, #tpu.memory_space<vmem>>
    %dma_wait3A_532 = arith.constant 0 : i32
    %dma_wait3A_533 = arith.constant 0 : i32
    %dma_wait3A_534 = tpu.memref_slice %arg2[%dma_wait3A_532, %dma_wait3A_533] : memref<40960x64xf32, #tpu.memory_space<hbm>> -> memref<40960x64xf32, #tpu.memory_space<hbm>>
    tpu.wait_indirect_dma semaphore(%arg22 : memref<!tpu.dma_semaphore, #tpu.memory_space<semaphore_mem>>) src(%dma_wait3A_534 : memref<40960x64xf32, #tpu.memory_space<hbm>>) dst(%arg15 : memref<128x64xf32, #tpu.memory_space<vmem>>)
    %dma_start3A_535 = arith.constant 5 : i32
    %dma_start3A_536 = arith.constant 0 : i32
    %dma_start3A_537 = tpu.memref_slice %arg9[%dma_start3A_535, %dma_start3A_536] : memref<160x128xi32, #tpu.memory_space<vmem>> -> memref<1x128xi32, #tpu.memory_space<vmem>>
    %dma_start3A_538 = tpu.memref_squeeze %dma_start3A_537 : memref<1x128xi32, #tpu.memory_space<vmem>> -> memref<128xi32, #tpu.memory_space<vmem>>
    %dma_start3A_539 = arith.constant 0 : i32
    %dma_start3A_540 = arith.constant 0 : i32
    %dma_start3A_541 = tpu.memref_slice %arg16[%dma_start3A_539, %dma_start3A_540] : memref<10240x64xf32, #tpu.memory_space<vmem_shared>> -> memref<10240x64xf32, #tpu.memory_space<vmem_shared>>
    tpu.enqueue_indirect_dma source(%arg15 : memref<128x64xf32, #tpu.memory_space<vmem>>) target(%dma_start3A_541 : memref<10240x64xf32, #tpu.memory_space<vmem_shared>>) offsets(%dma_start3A_538 : memref<128xi32, #tpu.memory_space<vmem>>) semaphore(%arg28 : memref<!tpu.dma_semaphore, #tpu.memory_space<semaphore_mem>>) {add = true}
    %dma_wait3A_542 = arith.constant 0 : i32
    %dma_wait3A_543 = arith.constant 0 : i32
    %dma_wait3A_544 = tpu.memref_slice %arg9[%dma_wait3A_542, %dma_wait3A_543] : memref<160x128xi32, #tpu.memory_space<vmem>> -> memref<1x128xi32, #tpu.memory_space<vmem>>
    %dma_wait3A_545 = tpu.memref_squeeze %dma_wait3A_544 : memref<1x128xi32, #tpu.memory_space<vmem>> -> memref<128xi32, #tpu.memory_space<vmem>>
    %dma_wait3A_546 = arith.constant 0 : i32
    %dma_wait3A_547 = arith.constant 0 : i32
    %dma_wait3A_548 = tpu.memref_slice %arg16[%dma_wait3A_546, %dma_wait3A_547] : memref<10240x64xf32, #tpu.memory_space<vmem_shared>> -> memref<10240x64xf32, #tpu.memory_space<vmem_shared>>
    tpu.wait_indirect_dma semaphore(%arg26 : memref<!tpu.dma_semaphore, #tpu.memory_space<semaphore_mem>>) src(%arg13 : memref<128x64xf32, #tpu.memory_space<vmem>>) dst(%dma_wait3A_548 : memref<10240x64xf32, #tpu.memory_space<vmem_shared>>)
    %dma_start3A_549 = arith.constant 9 : i32
    %dma_start3A_550 = arith.constant 0 : i32
    %dma_start3A_551 = tpu.memref_slice %arg8[%dma_start3A_549, %dma_start3A_550] : memref<160x128xi32, #tpu.memory_space<vmem>> -> memref<1x128xi32, #tpu.memory_space<vmem>>
    %dma_start3A_552 = tpu.memref_squeeze %dma_start3A_551 : memref<1x128xi32, #tpu.memory_space<vmem>> -> memref<128xi32, #tpu.memory_space<vmem>>
    %dma_start3A_553 = arith.constant 0 : i32
    %dma_start3A_554 = arith.constant 0 : i32
    %dma_start3A_555 = tpu.memref_slice %arg2[%dma_start3A_553, %dma_start3A_554] : memref<40960x64xf32, #tpu.memory_space<hbm>> -> memref<40960x64xf32, #tpu.memory_space<hbm>>
    tpu.enqueue_indirect_dma source(%dma_start3A_555 : memref<40960x64xf32, #tpu.memory_space<hbm>>) target(%arg13 : memref<128x64xf32, #tpu.memory_space<vmem>>) offsets(%dma_start3A_552 : memref<128xi32, #tpu.memory_space<vmem>>) semaphore(%arg20 : memref<!tpu.dma_semaphore, #tpu.memory_space<semaphore_mem>>)
    %scan3A_556 = arith.constant 0 : i32
    %scan3A_557 = arith.constant 1 : i32
    %scan3A_558 = arith.constant 25 : i32
    %scan3A_559 = arith.addi %scan3A_557, %scan3A_558 : i32
    %scan3A_560 = arith.constant 1 : i32
    scf.for %scan3A_696 = %scan3A_557 to %scan3A_559 step %scan3A_560  : i32 {
      %mul3A_697 = arith.constant 6 : i32
      %mul3A_698 = arith.muli %scan3A_696, %mul3A_697 : i32
      %add3A_699 = arith.constant 0 : i32
      %add3A_700 = arith.addi %mul3A_698, %add3A_699 : i32
      %dma_wait3A_701 = arith.constant 0 : i32
      %dma_wait3A_702 = tpu.memref_slice %arg8[%add3A_700, %dma_wait3A_701] : memref<160x128xi32, #tpu.memory_space<vmem>> -> memref<1x128xi32, #tpu.memory_space<vmem>>
      %dma_wait3A_703 = tpu.memref_squeeze %dma_wait3A_702 : memref<1x128xi32, #tpu.memory_space<vmem>> -> memref<128xi32, #tpu.memory_space<vmem>>
      %dma_wait3A_704 = arith.constant 0 : i32
      %dma_wait3A_705 = arith.constant 0 : i32
      %dma_wait3A_706 = tpu.memref_slice %arg2[%dma_wait3A_704, %dma_wait3A_705] : memref<40960x64xf32, #tpu.memory_space<hbm>> -> memref<40960x64xf32, #tpu.memory_space<hbm>>
      tpu.wait_indirect_dma semaphore(%arg17 : memref<!tpu.dma_semaphore, #tpu.memory_space<semaphore_mem>>) src(%dma_wait3A_706 : memref<40960x64xf32, #tpu.memory_space<hbm>>) dst(%arg10 : memref<128x64xf32, #tpu.memory_space<vmem>>)
      %dma_start3A_707 = arith.constant 0 : i32
      %dma_start3A_708 = tpu.memref_slice %arg9[%add3A_700, %dma_start3A_707] : memref<160x128xi32, #tpu.memory_space<vmem>> -> memref<1x128xi32, #tpu.memory_space<vmem>>
      %dma_start3A_709 = tpu.memref_squeeze %dma_start3A_708 : memref<1x128xi32, #tpu.memory_space<vmem>> -> memref<128xi32, #tpu.memory_space<vmem>>
      %dma_start3A_710 = arith.constant 0 : i32
      %dma_start3A_711 = arith.constant 0 : i32
      %dma_start3A_712 = tpu.memref_slice %arg16[%dma_start3A_710, %dma_start3A_711] : memref<10240x64xf32, #tpu.memory_space<vmem_shared>> -> memref<10240x64xf32, #tpu.memory_space<vmem_shared>>
      tpu.enqueue_indirect_dma source(%arg10 : memref<128x64xf32, #tpu.memory_space<vmem>>) target(%dma_start3A_712 : memref<10240x64xf32, #tpu.memory_space<vmem_shared>>) offsets(%dma_start3A_709 : memref<128xi32, #tpu.memory_space<vmem>>) semaphore(%arg23 : memref<!tpu.dma_semaphore, #tpu.memory_space<semaphore_mem>>) {add = true}
      %dma_wait3A_713 = arith.constant 0 : i32
      %dma_wait3A_714 = arith.constant 0 : i32
      %dma_wait3A_715 = tpu.memref_slice %arg9[%dma_wait3A_713, %dma_wait3A_714] : memref<160x128xi32, #tpu.memory_space<vmem>> -> memref<1x128xi32, #tpu.memory_space<vmem>>
      %dma_wait3A_716 = tpu.memref_squeeze %dma_wait3A_715 : memref<1x128xi32, #tpu.memory_space<vmem>> -> memref<128xi32, #tpu.memory_space<vmem>>
      %dma_wait3A_717 = arith.constant 0 : i32
      %dma_wait3A_718 = arith.constant 0 : i32
      %dma_wait3A_719 = tpu.memref_slice %arg16[%dma_wait3A_717, %dma_wait3A_718] : memref<10240x64xf32, #tpu.memory_space<vmem_shared>> -> memref<10240x64xf32, #tpu.memory_space<vmem_shared>>
      tpu.wait_indirect_dma semaphore(%arg27 : memref<!tpu.dma_semaphore, #tpu.memory_space<semaphore_mem>>) src(%arg14 : memref<128x64xf32, #tpu.memory_space<vmem>>) dst(%dma_wait3A_719 : memref<10240x64xf32, #tpu.memory_space<vmem_shared>>)
      %add3A_720 = arith.constant 6 : i32
      %add3A_721 = arith.addi %add3A_700, %add3A_720 : i32
      %sub3A = arith.constant 2 : i32
      %sub3A_722 = arith.subi %add3A_721, %sub3A : i32
      %dma_start3A_723 = arith.constant 0 : i32
      %dma_start3A_724 = tpu.memref_slice %arg8[%sub3A_722, %dma_start3A_723] : memref<160x128xi32, #tpu.memory_space<vmem>> -> memref<1x128xi32, #tpu.memory_space<vmem>>
      %dma_start3A_725 = tpu.memref_squeeze %dma_start3A_724 : memref<1x128xi32, #tpu.memory_space<vmem>> -> memref<128xi32, #tpu.memory_space<vmem>>
      %dma_start3A_726 = arith.constant 0 : i32
      %dma_start3A_727 = arith.constant 0 : i32
      %dma_start3A_728 = tpu.memref_slice %arg2[%dma_start3A_726, %dma_start3A_727] : memref<40960x64xf32, #tpu.memory_space<hbm>> -> memref<40960x64xf32, #tpu.memory_space<hbm>>
      tpu.enqueue_indirect_dma source(%dma_start3A_728 : memref<40960x64xf32, #tpu.memory_space<hbm>>) target(%arg14 : memref<128x64xf32, #tpu.memory_space<vmem>>) offsets(%dma_start3A_725 : memref<128xi32, #tpu.memory_space<vmem>>) semaphore(%arg21 : memref<!tpu.dma_semaphore, #tpu.memory_space<semaphore_mem>>)
      %mul3A_729 = arith.constant 6 : i32
      %mul3A_730 = arith.muli %scan3A_696, %mul3A_729 : i32
      %add3A_731 = arith.constant 1 : i32
      %add3A_732 = arith.addi %mul3A_730, %add3A_731 : i32
      %dma_wait3A_733 = arith.constant 0 : i32
      %dma_wait3A_734 = tpu.memref_slice %arg8[%add3A_732, %dma_wait3A_733] : memref<160x128xi32, #tpu.memory_space<vmem>> -> memref<1x128xi32, #tpu.memory_space<vmem>>
      %dma_wait3A_735 = tpu.memref_squeeze %dma_wait3A_734 : memref<1x128xi32, #tpu.memory_space<vmem>> -> memref<128xi32, #tpu.memory_space<vmem>>
      %dma_wait3A_736 = arith.constant 0 : i32
      %dma_wait3A_737 = arith.constant 0 : i32
      %dma_wait3A_738 = tpu.memref_slice %arg2[%dma_wait3A_736, %dma_wait3A_737] : memref<40960x64xf32, #tpu.memory_space<hbm>> -> memref<40960x64xf32, #tpu.memory_space<hbm>>
      tpu.wait_indirect_dma semaphore(%arg18 : memref<!tpu.dma_semaphore, #tpu.memory_space<semaphore_mem>>) src(%dma_wait3A_738 : memref<40960x64xf32, #tpu.memory_space<hbm>>) dst(%arg11 : memref<128x64xf32, #tpu.memory_space<vmem>>)
      %dma_start3A_739 = arith.constant 0 : i32
      %dma_start3A_740 = tpu.memref_slice %arg9[%add3A_732, %dma_start3A_739] : memref<160x128xi32, #tpu.memory_space<vmem>> -> memref<1x128xi32, #tpu.memory_space<vmem>>
      %dma_start3A_741 = tpu.memref_squeeze %dma_start3A_740 : memref<1x128xi32, #tpu.memory_space<vmem>> -> memref<128xi32, #tpu.memory_space<vmem>>
      %dma_start3A_742 = arith.constant 0 : i32
      %dma_start3A_743 = arith.constant 0 : i32
      %dma_start3A_744 = tpu.memref_slice %arg16[%dma_start3A_742, %dma_start3A_743] : memref<10240x64xf32, #tpu.memory_space<vmem_shared>> -> memref<10240x64xf32, #tpu.memory_space<vmem_shared>>
      tpu.enqueue_indirect_dma source(%arg11 : memref<128x64xf32, #tpu.memory_space<vmem>>) target(%dma_start3A_744 : memref<10240x64xf32, #tpu.memory_space<vmem_shared>>) offsets(%dma_start3A_741 : memref<128xi32, #tpu.memory_space<vmem>>) semaphore(%arg24 : memref<!tpu.dma_semaphore, #tpu.memory_space<semaphore_mem>>) {add = true}
      %dma_wait3A_745 = arith.constant 0 : i32
      %dma_wait3A_746 = arith.constant 0 : i32
      %dma_wait3A_747 = tpu.memref_slice %arg9[%dma_wait3A_745, %dma_wait3A_746] : memref<160x128xi32, #tpu.memory_space<vmem>> -> memref<1x128xi32, #tpu.memory_space<vmem>>
      %dma_wait3A_748 = tpu.memref_squeeze %dma_wait3A_747 : memref<1x128xi32, #tpu.memory_space<vmem>> -> memref<128xi32, #tpu.memory_space<vmem>>
      %dma_wait3A_749 = arith.constant 0 : i32
      %dma_wait3A_750 = arith.constant 0 : i32
      %dma_wait3A_751 = tpu.memref_slice %arg16[%dma_wait3A_749, %dma_wait3A_750] : memref<10240x64xf32, #tpu.memory_space<vmem_shared>> -> memref<10240x64xf32, #tpu.memory_space<vmem_shared>>
      tpu.wait_indirect_dma semaphore(%arg28 : memref<!tpu.dma_semaphore, #tpu.memory_space<semaphore_mem>>) src(%arg15 : memref<128x64xf32, #tpu.memory_space<vmem>>) dst(%dma_wait3A_751 : memref<10240x64xf32, #tpu.memory_space<vmem_shared>>)
      %add3A_752 = arith.constant 6 : i32
      %add3A_753 = arith.addi %add3A_732, %add3A_752 : i32
      %sub3A_754 = arith.constant 2 : i32
      %sub3A_755 = arith.subi %add3A_753, %sub3A_754 : i32
      %dma_start3A_756 = arith.constant 0 : i32
      %dma_start3A_757 = tpu.memref_slice %arg8[%sub3A_755, %dma_start3A_756] : memref<160x128xi32, #tpu.memory_space<vmem>> -> memref<1x128xi32, #tpu.memory_space<vmem>>
      %dma_start3A_758 = tpu.memref_squeeze %dma_start3A_757 : memref<1x128xi32, #tpu.memory_space<vmem>> -> memref<128xi32, #tpu.memory_space<vmem>>
      %dma_start3A_759 = arith.constant 0 : i32
      %dma_start3A_760 = arith.constant 0 : i32
      %dma_start3A_761 = tpu.memref_slice %arg2[%dma_start3A_759, %dma_start3A_760] : memref<40960x64xf32, #tpu.memory_space<hbm>> -> memref<40960x64xf32, #tpu.memory_space<hbm>>
      tpu.enqueue_indirect_dma source(%dma_start3A_761 : memref<40960x64xf32, #tpu.memory_space<hbm>>) target(%arg15 : memref<128x64xf32, #tpu.memory_space<vmem>>) offsets(%dma_start3A_758 : memref<128xi32, #tpu.memory_space<vmem>>) semaphore(%arg22 : memref<!tpu.dma_semaphore, #tpu.memory_space<semaphore_mem>>)
      %mul3A_762 = arith.constant 6 : i32
      %mul3A_763 = arith.muli %scan3A_696, %mul3A_762 : i32
      %add3A_764 = arith.constant 2 : i32
      %add3A_765 = arith.addi %mul3A_763, %add3A_764 : i32
      %dma_wait3A_766 = arith.constant 0 : i32
      %dma_wait3A_767 = tpu.memref_slice %arg8[%add3A_765, %dma_wait3A_766] : memref<160x128xi32, #tpu.memory_space<vmem>> -> memref<1x128xi32, #tpu.memory_space<vmem>>
      %dma_wait3A_768 = tpu.memref_squeeze %dma_wait3A_767 : memref<1x128xi32, #tpu.memory_space<vmem>> -> memref<128xi32, #tpu.memory_space<vmem>>
      %dma_wait3A_769 = arith.constant 0 : i32
      %dma_wait3A_770 = arith.constant 0 : i32
      %dma_wait3A_771 = tpu.memref_slice %arg2[%dma_wait3A_769, %dma_wait3A_770] : memref<40960x64xf32, #tpu.memory_space<hbm>> -> memref<40960x64xf32, #tpu.memory_space<hbm>>
      tpu.wait_indirect_dma semaphore(%arg19 : memref<!tpu.dma_semaphore, #tpu.memory_space<semaphore_mem>>) src(%dma_wait3A_771 : memref<40960x64xf32, #tpu.memory_space<hbm>>) dst(%arg12 : memref<128x64xf32, #tpu.memory_space<vmem>>)
      %dma_start3A_772 = arith.constant 0 : i32
      %dma_start3A_773 = tpu.memref_slice %arg9[%add3A_765, %dma_start3A_772] : memref<160x128xi32, #tpu.memory_space<vmem>> -> memref<1x128xi32, #tpu.memory_space<vmem>>
      %dma_start3A_774 = tpu.memref_squeeze %dma_start3A_773 : memref<1x128xi32, #tpu.memory_space<vmem>> -> memref<128xi32, #tpu.memory_space<vmem>>
      %dma_start3A_775 = arith.constant 0 : i32
      %dma_start3A_776 = arith.constant 0 : i32
      %dma_start3A_777 = tpu.memref_slice %arg16[%dma_start3A_775, %dma_start3A_776] : memref<10240x64xf32, #tpu.memory_space<vmem_shared>> -> memref<10240x64xf32, #tpu.memory_space<vmem_shared>>
      tpu.enqueue_indirect_dma source(%arg12 : memref<128x64xf32, #tpu.memory_space<vmem>>) target(%dma_start3A_777 : memref<10240x64xf32, #tpu.memory_space<vmem_shared>>) offsets(%dma_start3A_774 : memref<128xi32, #tpu.memory_space<vmem>>) semaphore(%arg25 : memref<!tpu.dma_semaphore, #tpu.memory_space<semaphore_mem>>) {add = true}
      %dma_wait3A_778 = arith.constant 0 : i32
      %dma_wait3A_779 = arith.constant 0 : i32
      %dma_wait3A_780 = tpu.memref_slice %arg9[%dma_wait3A_778, %dma_wait3A_779] : memref<160x128xi32, #tpu.memory_space<vmem>> -> memref<1x128xi32, #tpu.memory_space<vmem>>
      %dma_wait3A_781 = tpu.memref_squeeze %dma_wait3A_780 : memref<1x128xi32, #tpu.memory_space<vmem>> -> memref<128xi32, #tpu.memory_space<vmem>>
      %dma_wait3A_782 = arith.constant 0 : i32
      %dma_wait3A_783 = arith.constant 0 : i32
      %dma_wait3A_784 = tpu.memref_slice %arg16[%dma_wait3A_782, %dma_wait3A_783] : memref<10240x64xf32, #tpu.memory_space<vmem_shared>> -> memref<10240x64xf32, #tpu.memory_space<vmem_shared>>
      tpu.wait_indirect_dma semaphore(%arg23 : memref<!tpu.dma_semaphore, #tpu.memory_space<semaphore_mem>>) src(%arg10 : memref<128x64xf32, #tpu.memory_space<vmem>>) dst(%dma_wait3A_784 : memref<10240x64xf32, #tpu.memory_space<vmem_shared>>)
      %add3A_785 = arith.constant 6 : i32
      %add3A_786 = arith.addi %add3A_765, %add3A_785 : i32
      %sub3A_787 = arith.constant 2 : i32
      %sub3A_788 = arith.subi %add3A_786, %sub3A_787 : i32
      %dma_start3A_789 = arith.constant 0 : i32
      %dma_start3A_790 = tpu.memref_slice %arg8[%sub3A_788, %dma_start3A_789] : memref<160x128xi32, #tpu.memory_space<vmem>> -> memref<1x128xi32, #tpu.memory_space<vmem>>
      %dma_start3A_791 = tpu.memref_squeeze %dma_start3A_790 : memref<1x128xi32, #tpu.memory_space<vmem>> -> memref<128xi32, #tpu.memory_space<vmem>>
      %dma_start3A_792 = arith.constant 0 : i32
      %dma_start3A_793 = arith.constant 0 : i32
      %dma_start3A_794 = tpu.memref_slice %arg2[%dma_start3A_792, %dma_start3A_793] : memref<40960x64xf32, #tpu.memory_space<hbm>> -> memref<40960x64xf32, #tpu.memory_space<hbm>>
      tpu.enqueue_indirect_dma source(%dma_start3A_794 : memref<40960x64xf32, #tpu.memory_space<hbm>>) target(%arg10 : memref<128x64xf32, #tpu.memory_space<vmem>>) offsets(%dma_start3A_791 : memref<128xi32, #tpu.memory_space<vmem>>) semaphore(%arg17 : memref<!tpu.dma_semaphore, #tpu.memory_space<semaphore_mem>>)
      %mul3A_795 = arith.constant 6 : i32
      %mul3A_796 = arith.muli %scan3A_696, %mul3A_795 : i32
      %add3A_797 = arith.constant 3 : i32
      %add3A_798 = arith.addi %mul3A_796, %add3A_797 : i32
      %dma_wait3A_799 = arith.constant 0 : i32
      %dma_wait3A_800 = tpu.memref_slice %arg8[%add3A_798, %dma_wait3A_799] : memref<160x128xi32, #tpu.memory_space<vmem>> -> memref<1x128xi32, #tpu.memory_space<vmem>>
      %dma_wait3A_801 = tpu.memref_squeeze %dma_wait3A_800 : memref<1x128xi32, #tpu.memory_space<vmem>> -> memref<128xi32, #tpu.memory_space<vmem>>
      %dma_wait3A_802 = arith.constant 0 : i32
      %dma_wait3A_803 = arith.constant 0 : i32
      %dma_wait3A_804 = tpu.memref_slice %arg2[%dma_wait3A_802, %dma_wait3A_803] : memref<40960x64xf32, #tpu.memory_space<hbm>> -> memref<40960x64xf32, #tpu.memory_space<hbm>>
      tpu.wait_indirect_dma semaphore(%arg20 : memref<!tpu.dma_semaphore, #tpu.memory_space<semaphore_mem>>) src(%dma_wait3A_804 : memref<40960x64xf32, #tpu.memory_space<hbm>>) dst(%arg13 : memref<128x64xf32, #tpu.memory_space<vmem>>)
      %dma_start3A_805 = arith.constant 0 : i32
      %dma_start3A_806 = tpu.memref_slice %arg9[%add3A_798, %dma_start3A_805] : memref<160x128xi32, #tpu.memory_space<vmem>> -> memref<1x128xi32, #tpu.memory_space<vmem>>
      %dma_start3A_807 = tpu.memref_squeeze %dma_start3A_806 : memref<1x128xi32, #tpu.memory_space<vmem>> -> memref<128xi32, #tpu.memory_space<vmem>>
      %dma_start3A_808 = arith.constant 0 : i32
      %dma_start3A_809 = arith.constant 0 : i32
      %dma_start3A_810 = tpu.memref_slice %arg16[%dma_start3A_808, %dma_start3A_809] : memref<10240x64xf32, #tpu.memory_space<vmem_shared>> -> memref<10240x64xf32, #tpu.memory_space<vmem_shared>>
      tpu.enqueue_indirect_dma source(%arg13 : memref<128x64xf32, #tpu.memory_space<vmem>>) target(%dma_start3A_810 : memref<10240x64xf32, #tpu.memory_space<vmem_shared>>) offsets(%dma_start3A_807 : memref<128xi32, #tpu.memory_space<vmem>>) semaphore(%arg26 : memref<!tpu.dma_semaphore, #tpu.memory_space<semaphore_mem>>) {add = true}
      %dma_wait3A_811 = arith.constant 0 : i32
      %dma_wait3A_812 = arith.constant 0 : i32
      %dma_wait3A_813 = tpu.memref_slice %arg9[%dma_wait3A_811, %dma_wait3A_812] : memref<160x128xi32, #tpu.memory_space<vmem>> -> memref<1x128xi32, #tpu.memory_space<vmem>>
      %dma_wait3A_814 = tpu.memref_squeeze %dma_wait3A_813 : memref<1x128xi32, #tpu.memory_space<vmem>> -> memref<128xi32, #tpu.memory_space<vmem>>
      %dma_wait3A_815 = arith.constant 0 : i32
      %dma_wait3A_816 = arith.constant 0 : i32
      %dma_wait3A_817 = tpu.memref_slice %arg16[%dma_wait3A_815, %dma_wait3A_816] : memref<10240x64xf32, #tpu.memory_space<vmem_shared>> -> memref<10240x64xf32, #tpu.memory_space<vmem_shared>>
      tpu.wait_indirect_dma semaphore(%arg24 : memref<!tpu.dma_semaphore, #tpu.memory_space<semaphore_mem>>) src(%arg11 : memref<128x64xf32, #tpu.memory_space<vmem>>) dst(%dma_wait3A_817 : memref<10240x64xf32, #tpu.memory_space<vmem_shared>>)
      %add3A_818 = arith.constant 6 : i32
      %add3A_819 = arith.addi %add3A_798, %add3A_818 : i32
      %sub3A_820 = arith.constant 2 : i32
      %sub3A_821 = arith.subi %add3A_819, %sub3A_820 : i32
      %dma_start3A_822 = arith.constant 0 : i32
      %dma_start3A_823 = tpu.memref_slice %arg8[%sub3A_821, %dma_start3A_822] : memref<160x128xi32, #tpu.memory_space<vmem>> -> memref<1x128xi32, #tpu.memory_space<vmem>>
      %dma_start3A_824 = tpu.memref_squeeze %dma_start3A_823 : memref<1x128xi32, #tpu.memory_space<vmem>> -> memref<128xi32, #tpu.memory_space<vmem>>
      %dma_start3A_825 = arith.constant 0 : i32
      %dma_start3A_826 = arith.constant 0 : i32
      %dma_start3A_827 = tpu.memref_slice %arg2[%dma_start3A_825, %dma_start3A_826] : memref<40960x64xf32, #tpu.memory_space<hbm>> -> memref<40960x64xf32, #tpu.memory_space<hbm>>
      tpu.enqueue_indirect_dma source(%dma_start3A_827 : memref<40960x64xf32, #tpu.memory_space<hbm>>) target(%arg11 : memref<128x64xf32, #tpu.memory_space<vmem>>) offsets(%dma_start3A_824 : memref<128xi32, #tpu.memory_space<vmem>>) semaphore(%arg18 : memref<!tpu.dma_semaphore, #tpu.memory_space<semaphore_mem>>)
      %mul3A_828 = arith.constant 6 : i32
      %mul3A_829 = arith.muli %scan3A_696, %mul3A_828 : i32
      %add3A_830 = arith.constant 4 : i32
      %add3A_831 = arith.addi %mul3A_829, %add3A_830 : i32
      %dma_wait3A_832 = arith.constant 0 : i32
      %dma_wait3A_833 = tpu.memref_slice %arg8[%add3A_831, %dma_wait3A_832] : memref<160x128xi32, #tpu.memory_space<vmem>> -> memref<1x128xi32, #tpu.memory_space<vmem>>
      %dma_wait3A_834 = tpu.memref_squeeze %dma_wait3A_833 : memref<1x128xi32, #tpu.memory_space<vmem>> -> memref<128xi32, #tpu.memory_space<vmem>>
      %dma_wait3A_835 = arith.constant 0 : i32
      %dma_wait3A_836 = arith.constant 0 : i32
      %dma_wait3A_837 = tpu.memref_slice %arg2[%dma_wait3A_835, %dma_wait3A_836] : memref<40960x64xf32, #tpu.memory_space<hbm>> -> memref<40960x64xf32, #tpu.memory_space<hbm>>
      tpu.wait_indirect_dma semaphore(%arg21 : memref<!tpu.dma_semaphore, #tpu.memory_space<semaphore_mem>>) src(%dma_wait3A_837 : memref<40960x64xf32, #tpu.memory_space<hbm>>) dst(%arg14 : memref<128x64xf32, #tpu.memory_space<vmem>>)
      %dma_start3A_838 = arith.constant 0 : i32
      %dma_start3A_839 = tpu.memref_slice %arg9[%add3A_831, %dma_start3A_838] : memref<160x128xi32, #tpu.memory_space<vmem>> -> memref<1x128xi32, #tpu.memory_space<vmem>>
      %dma_start3A_840 = tpu.memref_squeeze %dma_start3A_839 : memref<1x128xi32, #tpu.memory_space<vmem>> -> memref<128xi32, #tpu.memory_space<vmem>>
      %dma_start3A_841 = arith.constant 0 : i32
      %dma_start3A_842 = arith.constant 0 : i32
      %dma_start3A_843 = tpu.memref_slice %arg16[%dma_start3A_841, %dma_start3A_842] : memref<10240x64xf32, #tpu.memory_space<vmem_shared>> -> memref<10240x64xf32, #tpu.memory_space<vmem_shared>>
      tpu.enqueue_indirect_dma source(%arg14 : memref<128x64xf32, #tpu.memory_space<vmem>>) target(%dma_start3A_843 : memref<10240x64xf32, #tpu.memory_space<vmem_shared>>) offsets(%dma_start3A_840 : memref<128xi32, #tpu.memory_space<vmem>>) semaphore(%arg27 : memref<!tpu.dma_semaphore, #tpu.memory_space<semaphore_mem>>) {add = true}
      %dma_wait3A_844 = arith.constant 0 : i32
      %dma_wait3A_845 = arith.constant 0 : i32
      %dma_wait3A_846 = tpu.memref_slice %arg9[%dma_wait3A_844, %dma_wait3A_845] : memref<160x128xi32, #tpu.memory_space<vmem>> -> memref<1x128xi32, #tpu.memory_space<vmem>>
      %dma_wait3A_847 = tpu.memref_squeeze %dma_wait3A_846 : memref<1x128xi32, #tpu.memory_space<vmem>> -> memref<128xi32, #tpu.memory_space<vmem>>
      %dma_wait3A_848 = arith.constant 0 : i32
      %dma_wait3A_849 = arith.constant 0 : i32
      %dma_wait3A_850 = tpu.memref_slice %arg16[%dma_wait3A_848, %dma_wait3A_849] : memref<10240x64xf32, #tpu.memory_space<vmem_shared>> -> memref<10240x64xf32, #tpu.memory_space<vmem_shared>>
      tpu.wait_indirect_dma semaphore(%arg25 : memref<!tpu.dma_semaphore, #tpu.memory_space<semaphore_mem>>) src(%arg12 : memref<128x64xf32, #tpu.memory_space<vmem>>) dst(%dma_wait3A_850 : memref<10240x64xf32, #tpu.memory_space<vmem_shared>>)
      %add3A_851 = arith.constant 6 : i32
      %add3A_852 = arith.addi %add3A_831, %add3A_851 : i32
      %sub3A_853 = arith.constant 2 : i32
      %sub3A_854 = arith.subi %add3A_852, %sub3A_853 : i32
      %dma_start3A_855 = arith.constant 0 : i32
      %dma_start3A_856 = tpu.memref_slice %arg8[%sub3A_854, %dma_start3A_855] : memref<160x128xi32, #tpu.memory_space<vmem>> -> memref<1x128xi32, #tpu.memory_space<vmem>>
      %dma_start3A_857 = tpu.memref_squeeze %dma_start3A_856 : memref<1x128xi32, #tpu.memory_space<vmem>> -> memref<128xi32, #tpu.memory_space<vmem>>
      %dma_start3A_858 = arith.constant 0 : i32
      %dma_start3A_859 = arith.constant 0 : i32
      %dma_start3A_860 = tpu.memref_slice %arg2[%dma_start3A_858, %dma_start3A_859] : memref<40960x64xf32, #tpu.memory_space<hbm>> -> memref<40960x64xf32, #tpu.memory_space<hbm>>
      tpu.enqueue_indirect_dma source(%dma_start3A_860 : memref<40960x64xf32, #tpu.memory_space<hbm>>) target(%arg12 : memref<128x64xf32, #tpu.memory_space<vmem>>) offsets(%dma_start3A_857 : memref<128xi32, #tpu.memory_space<vmem>>) semaphore(%arg19 : memref<!tpu.dma_semaphore, #tpu.memory_space<semaphore_mem>>)
      %mul3A_861 = arith.constant 6 : i32
      %mul3A_862 = arith.muli %scan3A_696, %mul3A_861 : i32
      %add3A_863 = arith.constant 5 : i32
      %add3A_864 = arith.addi %mul3A_862, %add3A_863 : i32
      %dma_wait3A_865 = arith.constant 0 : i32
      %dma_wait3A_866 = tpu.memref_slice %arg8[%add3A_864, %dma_wait3A_865] : memref<160x128xi32, #tpu.memory_space<vmem>> -> memref<1x128xi32, #tpu.memory_space<vmem>>
      %dma_wait3A_867 = tpu.memref_squeeze %dma_wait3A_866 : memref<1x128xi32, #tpu.memory_space<vmem>> -> memref<128xi32, #tpu.memory_space<vmem>>
      %dma_wait3A_868 = arith.constant 0 : i32
      %dma_wait3A_869 = arith.constant 0 : i32
      %dma_wait3A_870 = tpu.memref_slice %arg2[%dma_wait3A_868, %dma_wait3A_869] : memref<40960x64xf32, #tpu.memory_space<hbm>> -> memref<40960x64xf32, #tpu.memory_space<hbm>>
      tpu.wait_indirect_dma semaphore(%arg22 : memref<!tpu.dma_semaphore, #tpu.memory_space<semaphore_mem>>) src(%dma_wait3A_870 : memref<40960x64xf32, #tpu.memory_space<hbm>>) dst(%arg15 : memref<128x64xf32, #tpu.memory_space<vmem>>)
      %dma_start3A_871 = arith.constant 0 : i32
      %dma_start3A_872 = tpu.memref_slice %arg9[%add3A_864, %dma_start3A_871] : memref<160x128xi32, #tpu.memory_space<vmem>> -> memref<1x128xi32, #tpu.memory_space<vmem>>
      %dma_start3A_873 = tpu.memref_squeeze %dma_start3A_872 : memref<1x128xi32, #tpu.memory_space<vmem>> -> memref<128xi32, #tpu.memory_space<vmem>>
      %dma_start3A_874 = arith.constant 0 : i32
      %dma_start3A_875 = arith.constant 0 : i32
      %dma_start3A_876 = tpu.memref_slice %arg16[%dma_start3A_874, %dma_start3A_875] : memref<10240x64xf32, #tpu.memory_space<vmem_shared>> -> memref<10240x64xf32, #tpu.memory_space<vmem_shared>>
      tpu.enqueue_indirect_dma source(%arg15 : memref<128x64xf32, #tpu.memory_space<vmem>>) target(%dma_start3A_876 : memref<10240x64xf32, #tpu.memory_space<vmem_shared>>) offsets(%dma_start3A_873 : memref<128xi32, #tpu.memory_space<vmem>>) semaphore(%arg28 : memref<!tpu.dma_semaphore, #tpu.memory_space<semaphore_mem>>) {add = true}
      %dma_wait3A_877 = arith.constant 0 : i32
      %dma_wait3A_878 = arith.constant 0 : i32
      %dma_wait3A_879 = tpu.memref_slice %arg9[%dma_wait3A_877, %dma_wait3A_878] : memref<160x128xi32, #tpu.memory_space<vmem>> -> memref<1x128xi32, #tpu.memory_space<vmem>>
      %dma_wait3A_880 = tpu.memref_squeeze %dma_wait3A_879 : memref<1x128xi32, #tpu.memory_space<vmem>> -> memref<128xi32, #tpu.memory_space<vmem>>
      %dma_wait3A_881 = arith.constant 0 : i32
      %dma_wait3A_882 = arith.constant 0 : i32
      %dma_wait3A_883 = tpu.memref_slice %arg16[%dma_wait3A_881, %dma_wait3A_882] : memref<10240x64xf32, #tpu.memory_space<vmem_shared>> -> memref<10240x64xf32, #tpu.memory_space<vmem_shared>>
      tpu.wait_indirect_dma semaphore(%arg26 : memref<!tpu.dma_semaphore, #tpu.memory_space<semaphore_mem>>) src(%arg13 : memref<128x64xf32, #tpu.memory_space<vmem>>) dst(%dma_wait3A_883 : memref<10240x64xf32, #tpu.memory_space<vmem_shared>>)
      %add3A_884 = arith.constant 6 : i32
      %add3A_885 = arith.addi %add3A_864, %add3A_884 : i32
      %sub3A_886 = arith.constant 2 : i32
      %sub3A_887 = arith.subi %add3A_885, %sub3A_886 : i32
      %dma_start3A_888 = arith.constant 0 : i32
      %dma_start3A_889 = tpu.memref_slice %arg8[%sub3A_887, %dma_start3A_888] : memref<160x128xi32, #tpu.memory_space<vmem>> -> memref<1x128xi32, #tpu.memory_space<vmem>>
      %dma_start3A_890 = tpu.memref_squeeze %dma_start3A_889 : memref<1x128xi32, #tpu.memory_space<vmem>> -> memref<128xi32, #tpu.memory_space<vmem>>
      %dma_start3A_891 = arith.constant 0 : i32
      %dma_start3A_892 = arith.constant 0 : i32
      %dma_start3A_893 = tpu.memref_slice %arg2[%dma_start3A_891, %dma_start3A_892] : memref<40960x64xf32, #tpu.memory_space<hbm>> -> memref<40960x64xf32, #tpu.memory_space<hbm>>
      tpu.enqueue_indirect_dma source(%dma_start3A_893 : memref<40960x64xf32, #tpu.memory_space<hbm>>) target(%arg13 : memref<128x64xf32, #tpu.memory_space<vmem>>) offsets(%dma_start3A_890 : memref<128xi32, #tpu.memory_space<vmem>>) semaphore(%arg20 : memref<!tpu.dma_semaphore, #tpu.memory_space<semaphore_mem>>)
    }
    %scan3A_561 = arith.constant 25 : i32
    %dma_wait3A_562 = arith.constant 156 : i32
    %dma_wait3A_563 = arith.constant 0 : i32
    %dma_wait3A_564 = tpu.memref_slice %arg8[%dma_wait3A_562, %dma_wait3A_563] : memref<160x128xi32, #tpu.memory_space<vmem>> -> memref<1x128xi32, #tpu.memory_space<vmem>>
    %dma_wait3A_565 = tpu.memref_squeeze %dma_wait3A_564 : memref<1x128xi32, #tpu.memory_space<vmem>> -> memref<128xi32, #tpu.memory_space<vmem>>
    %dma_wait3A_566 = arith.constant 0 : i32
    %dma_wait3A_567 = arith.constant 0 : i32
    %dma_wait3A_568 = tpu.memref_slice %arg2[%dma_wait3A_566, %dma_wait3A_567] : memref<40960x64xf32, #tpu.memory_space<hbm>> -> memref<40960x64xf32, #tpu.memory_space<hbm>>
    tpu.wait_indirect_dma semaphore(%arg17 : memref<!tpu.dma_semaphore, #tpu.memory_space<semaphore_mem>>) src(%dma_wait3A_568 : memref<40960x64xf32, #tpu.memory_space<hbm>>) dst(%arg10 : memref<128x64xf32, #tpu.memory_space<vmem>>)
    %dma_start3A_569 = arith.constant 156 : i32
    %dma_start3A_570 = arith.constant 0 : i32
    %dma_start3A_571 = tpu.memref_slice %arg9[%dma_start3A_569, %dma_start3A_570] : memref<160x128xi32, #tpu.memory_space<vmem>> -> memref<1x128xi32, #tpu.memory_space<vmem>>
    %dma_start3A_572 = tpu.memref_squeeze %dma_start3A_571 : memref<1x128xi32, #tpu.memory_space<vmem>> -> memref<128xi32, #tpu.memory_space<vmem>>
    %dma_start3A_573 = arith.constant 0 : i32
    %dma_start3A_574 = arith.constant 0 : i32
    %dma_start3A_575 = tpu.memref_slice %arg16[%dma_start3A_573, %dma_start3A_574] : memref<10240x64xf32, #tpu.memory_space<vmem_shared>> -> memref<10240x64xf32, #tpu.memory_space<vmem_shared>>
    tpu.enqueue_indirect_dma source(%arg10 : memref<128x64xf32, #tpu.memory_space<vmem>>) target(%dma_start3A_575 : memref<10240x64xf32, #tpu.memory_space<vmem_shared>>) offsets(%dma_start3A_572 : memref<128xi32, #tpu.memory_space<vmem>>) semaphore(%arg23 : memref<!tpu.dma_semaphore, #tpu.memory_space<semaphore_mem>>) {add = true}
    %dma_wait3A_576 = arith.constant 0 : i32
    %dma_wait3A_577 = arith.constant 0 : i32
    %dma_wait3A_578 = tpu.memref_slice %arg9[%dma_wait3A_576, %dma_wait3A_577] : memref<160x128xi32, #tpu.memory_space<vmem>> -> memref<1x128xi32, #tpu.memory_space<vmem>>
    %dma_wait3A_579 = tpu.memref_squeeze %dma_wait3A_578 : memref<1x128xi32, #tpu.memory_space<vmem>> -> memref<128xi32, #tpu.memory_space<vmem>>
    %dma_wait3A_580 = arith.constant 0 : i32
    %dma_wait3A_581 = arith.constant 0 : i32
    %dma_wait3A_582 = tpu.memref_slice %arg16[%dma_wait3A_580, %dma_wait3A_581] : memref<10240x64xf32, #tpu.memory_space<vmem_shared>> -> memref<10240x64xf32, #tpu.memory_space<vmem_shared>>
    tpu.wait_indirect_dma semaphore(%arg27 : memref<!tpu.dma_semaphore, #tpu.memory_space<semaphore_mem>>) src(%arg14 : memref<128x64xf32, #tpu.memory_space<vmem>>) dst(%dma_wait3A_582 : memref<10240x64xf32, #tpu.memory_space<vmem_shared>>)
    %dma_wait3A_583 = arith.constant 157 : i32
    %dma_wait3A_584 = arith.constant 0 : i32
    %dma_wait3A_585 = tpu.memref_slice %arg8[%dma_wait3A_583, %dma_wait3A_584] : memref<160x128xi32, #tpu.memory_space<vmem>> -> memref<1x128xi32, #tpu.memory_space<vmem>>
    %dma_wait3A_586 = tpu.memref_squeeze %dma_wait3A_585 : memref<1x128xi32, #tpu.memory_space<vmem>> -> memref<128xi32, #tpu.memory_space<vmem>>
    %dma_wait3A_587 = arith.constant 0 : i32
    %dma_wait3A_588 = arith.constant 0 : i32
    %dma_wait3A_589 = tpu.memref_slice %arg2[%dma_wait3A_587, %dma_wait3A_588] : memref<40960x64xf32, #tpu.memory_space<hbm>> -> memref<40960x64xf32, #tpu.memory_space<hbm>>
    tpu.wait_indirect_dma semaphore(%arg18 : memref<!tpu.dma_semaphore, #tpu.memory_space<semaphore_mem>>) src(%dma_wait3A_589 : memref<40960x64xf32, #tpu.memory_space<hbm>>) dst(%arg11 : memref<128x64xf32, #tpu.memory_space<vmem>>)
    %dma_start3A_590 = arith.constant 157 : i32
    %dma_start3A_591 = arith.constant 0 : i32
    %dma_start3A_592 = tpu.memref_slice %arg9[%dma_start3A_590, %dma_start3A_591] : memref<160x128xi32, #tpu.memory_space<vmem>> -> memref<1x128xi32, #tpu.memory_space<vmem>>
    %dma_start3A_593 = tpu.memref_squeeze %dma_start3A_592 : memref<1x128xi32, #tpu.memory_space<vmem>> -> memref<128xi32, #tpu.memory_space<vmem>>
    %dma_start3A_594 = arith.constant 0 : i32
    %dma_start3A_595 = arith.constant 0 : i32
    %dma_start3A_596 = tpu.memref_slice %arg16[%dma_start3A_594, %dma_start3A_595] : memref<10240x64xf32, #tpu.memory_space<vmem_shared>> -> memref<10240x64xf32, #tpu.memory_space<vmem_shared>>
    tpu.enqueue_indirect_dma source(%arg11 : memref<128x64xf32, #tpu.memory_space<vmem>>) target(%dma_start3A_596 : memref<10240x64xf32, #tpu.memory_space<vmem_shared>>) offsets(%dma_start3A_593 : memref<128xi32, #tpu.memory_space<vmem>>) semaphore(%arg24 : memref<!tpu.dma_semaphore, #tpu.memory_space<semaphore_mem>>) {add = true}
    %dma_wait3A_597 = arith.constant 0 : i32
    %dma_wait3A_598 = arith.constant 0 : i32
    %dma_wait3A_599 = tpu.memref_slice %arg9[%dma_wait3A_597, %dma_wait3A_598] : memref<160x128xi32, #tpu.memory_space<vmem>> -> memref<1x128xi32, #tpu.memory_space<vmem>>
    %dma_wait3A_600 = tpu.memref_squeeze %dma_wait3A_599 : memref<1x128xi32, #tpu.memory_space<vmem>> -> memref<128xi32, #tpu.memory_space<vmem>>
    %dma_wait3A_601 = arith.constant 0 : i32
    %dma_wait3A_602 = arith.constant 0 : i32
    %dma_wait3A_603 = tpu.memref_slice %arg16[%dma_wait3A_601, %dma_wait3A_602] : memref<10240x64xf32, #tpu.memory_space<vmem_shared>> -> memref<10240x64xf32, #tpu.memory_space<vmem_shared>>
    tpu.wait_indirect_dma semaphore(%arg28 : memref<!tpu.dma_semaphore, #tpu.memory_space<semaphore_mem>>) src(%arg15 : memref<128x64xf32, #tpu.memory_space<vmem>>) dst(%dma_wait3A_603 : memref<10240x64xf32, #tpu.memory_space<vmem_shared>>)
    %dma_wait3A_604 = arith.constant 158 : i32
    %dma_wait3A_605 = arith.constant 0 : i32
    %dma_wait3A_606 = tpu.memref_slice %arg8[%dma_wait3A_604, %dma_wait3A_605] : memref<160x128xi32, #tpu.memory_space<vmem>> -> memref<1x128xi32, #tpu.memory_space<vmem>>
    %dma_wait3A_607 = tpu.memref_squeeze %dma_wait3A_606 : memref<1x128xi32, #tpu.memory_space<vmem>> -> memref<128xi32, #tpu.memory_space<vmem>>
    %dma_wait3A_608 = arith.constant 0 : i32
    %dma_wait3A_609 = arith.constant 0 : i32
    %dma_wait3A_610 = tpu.memref_slice %arg2[%dma_wait3A_608, %dma_wait3A_609] : memref<40960x64xf32, #tpu.memory_space<hbm>> -> memref<40960x64xf32, #tpu.memory_space<hbm>>
    tpu.wait_indirect_dma semaphore(%arg19 : memref<!tpu.dma_semaphore, #tpu.memory_space<semaphore_mem>>) src(%dma_wait3A_610 : memref<40960x64xf32, #tpu.memory_space<hbm>>) dst(%arg12 : memref<128x64xf32, #tpu.memory_space<vmem>>)
    %dma_start3A_611 = arith.constant 158 : i32
    %dma_start3A_612 = arith.constant 0 : i32
    %dma_start3A_613 = tpu.memref_slice %arg9[%dma_start3A_611, %dma_start3A_612] : memref<160x128xi32, #tpu.memory_space<vmem>> -> memref<1x128xi32, #tpu.memory_space<vmem>>
    %dma_start3A_614 = tpu.memref_squeeze %dma_start3A_613 : memref<1x128xi32, #tpu.memory_space<vmem>> -> memref<128xi32, #tpu.memory_space<vmem>>
    %dma_start3A_615 = arith.constant 0 : i32
    %dma_start3A_616 = arith.constant 0 : i32
    %dma_start3A_617 = tpu.memref_slice %arg16[%dma_start3A_615, %dma_start3A_616] : memref<10240x64xf32, #tpu.memory_space<vmem_shared>> -> memref<10240x64xf32, #tpu.memory_space<vmem_shared>>
    tpu.enqueue_indirect_dma source(%arg12 : memref<128x64xf32, #tpu.memory_space<vmem>>) target(%dma_start3A_617 : memref<10240x64xf32, #tpu.memory_space<vmem_shared>>) offsets(%dma_start3A_614 : memref<128xi32, #tpu.memory_space<vmem>>) semaphore(%arg25 : memref<!tpu.dma_semaphore, #tpu.memory_space<semaphore_mem>>) {add = true}
    %dma_wait3A_618 = arith.constant 0 : i32
    %dma_wait3A_619 = arith.constant 0 : i32
    %dma_wait3A_620 = tpu.memref_slice %arg9[%dma_wait3A_618, %dma_wait3A_619] : memref<160x128xi32, #tpu.memory_space<vmem>> -> memref<1x128xi32, #tpu.memory_space<vmem>>
    %dma_wait3A_621 = tpu.memref_squeeze %dma_wait3A_620 : memref<1x128xi32, #tpu.memory_space<vmem>> -> memref<128xi32, #tpu.memory_space<vmem>>
    %dma_wait3A_622 = arith.constant 0 : i32
    %dma_wait3A_623 = arith.constant 0 : i32
    %dma_wait3A_624 = tpu.memref_slice %arg16[%dma_wait3A_622, %dma_wait3A_623] : memref<10240x64xf32, #tpu.memory_space<vmem_shared>> -> memref<10240x64xf32, #tpu.memory_space<vmem_shared>>
    tpu.wait_indirect_dma semaphore(%arg23 : memref<!tpu.dma_semaphore, #tpu.memory_space<semaphore_mem>>) src(%arg10 : memref<128x64xf32, #tpu.memory_space<vmem>>) dst(%dma_wait3A_624 : memref<10240x64xf32, #tpu.memory_space<vmem_shared>>)
    %dma_wait3A_625 = arith.constant 159 : i32
    %dma_wait3A_626 = arith.constant 0 : i32
    %dma_wait3A_627 = tpu.memref_slice %arg8[%dma_wait3A_625, %dma_wait3A_626] : memref<160x128xi32, #tpu.memory_space<vmem>> -> memref<1x128xi32, #tpu.memory_space<vmem>>
    %dma_wait3A_628 = tpu.memref_squeeze %dma_wait3A_627 : memref<1x128xi32, #tpu.memory_space<vmem>> -> memref<128xi32, #tpu.memory_space<vmem>>
    %dma_wait3A_629 = arith.constant 0 : i32
    %dma_wait3A_630 = arith.constant 0 : i32
    %dma_wait3A_631 = tpu.memref_slice %arg2[%dma_wait3A_629, %dma_wait3A_630] : memref<40960x64xf32, #tpu.memory_space<hbm>> -> memref<40960x64xf32, #tpu.memory_space<hbm>>
    tpu.wait_indirect_dma semaphore(%arg20 : memref<!tpu.dma_semaphore, #tpu.memory_space<semaphore_mem>>) src(%dma_wait3A_631 : memref<40960x64xf32, #tpu.memory_space<hbm>>) dst(%arg13 : memref<128x64xf32, #tpu.memory_space<vmem>>)
    %dma_start3A_632 = arith.constant 159 : i32
    %dma_start3A_633 = arith.constant 0 : i32
    %dma_start3A_634 = tpu.memref_slice %arg9[%dma_start3A_632, %dma_start3A_633] : memref<160x128xi32, #tpu.memory_space<vmem>> -> memref<1x128xi32, #tpu.memory_space<vmem>>
    %dma_start3A_635 = tpu.memref_squeeze %dma_start3A_634 : memref<1x128xi32, #tpu.memory_space<vmem>> -> memref<128xi32, #tpu.memory_space<vmem>>
    %dma_start3A_636 = arith.constant 0 : i32
    %dma_start3A_637 = arith.constant 0 : i32
    %dma_start3A_638 = tpu.memref_slice %arg16[%dma_start3A_636, %dma_start3A_637] : memref<10240x64xf32, #tpu.memory_space<vmem_shared>> -> memref<10240x64xf32, #tpu.memory_space<vmem_shared>>
    tpu.enqueue_indirect_dma source(%arg13 : memref<128x64xf32, #tpu.memory_space<vmem>>) target(%dma_start3A_638 : memref<10240x64xf32, #tpu.memory_space<vmem_shared>>) offsets(%dma_start3A_635 : memref<128xi32, #tpu.memory_space<vmem>>) semaphore(%arg26 : memref<!tpu.dma_semaphore, #tpu.memory_space<semaphore_mem>>) {add = true}
    %dma_wait3A_639 = arith.constant 0 : i32
    %dma_wait3A_640 = arith.constant 0 : i32
    %dma_wait3A_641 = tpu.memref_slice %arg9[%dma_wait3A_639, %dma_wait3A_640] : memref<160x128xi32, #tpu.memory_space<vmem>> -> memref<1x128xi32, #tpu.memory_space<vmem>>
    %dma_wait3A_642 = tpu.memref_squeeze %dma_wait3A_641 : memref<1x128xi32, #tpu.memory_space<vmem>> -> memref<128xi32, #tpu.memory_space<vmem>>
    %dma_wait3A_643 = arith.constant 0 : i32
    %dma_wait3A_644 = arith.constant 0 : i32
    %dma_wait3A_645 = tpu.memref_slice %arg16[%dma_wait3A_643, %dma_wait3A_644] : memref<10240x64xf32, #tpu.memory_space<vmem_shared>> -> memref<10240x64xf32, #tpu.memory_space<vmem_shared>>
    tpu.wait_indirect_dma semaphore(%arg24 : memref<!tpu.dma_semaphore, #tpu.memory_space<semaphore_mem>>) src(%arg11 : memref<128x64xf32, #tpu.memory_space<vmem>>) dst(%dma_wait3A_645 : memref<10240x64xf32, #tpu.memory_space<vmem_shared>>)
    %dma_wait3A_646 = arith.constant 0 : i32
    %dma_wait3A_647 = arith.constant 0 : i32
    %dma_wait3A_648 = tpu.memref_slice %arg9[%dma_wait3A_646, %dma_wait3A_647] : memref<160x128xi32, #tpu.memory_space<vmem>> -> memref<1x128xi32, #tpu.memory_space<vmem>>
    %dma_wait3A_649 = tpu.memref_squeeze %dma_wait3A_648 : memref<1x128xi32, #tpu.memory_space<vmem>> -> memref<128xi32, #tpu.memory_space<vmem>>
    %dma_wait3A_650 = arith.constant 0 : i32
    %dma_wait3A_651 = arith.constant 0 : i32
    %dma_wait3A_652 = tpu.memref_slice %arg16[%dma_wait3A_650, %dma_wait3A_651] : memref<10240x64xf32, #tpu.memory_space<vmem_shared>> -> memref<10240x64xf32, #tpu.memory_space<vmem_shared>>
    tpu.wait_indirect_dma semaphore(%arg25 : memref<!tpu.dma_semaphore, #tpu.memory_space<semaphore_mem>>) src(%arg12 : memref<128x64xf32, #tpu.memory_space<vmem>>) dst(%dma_wait3A_652 : memref<10240x64xf32, #tpu.memory_space<vmem_shared>>)
    %dma_wait3A_653 = arith.constant 0 : i32
    %dma_wait3A_654 = arith.constant 0 : i32
    %dma_wait3A_655 = tpu.memref_slice %arg9[%dma_wait3A_653, %dma_wait3A_654] : memref<160x128xi32, #tpu.memory_space<vmem>> -> memref<1x128xi32, #tpu.memory_space<vmem>>
    %dma_wait3A_656 = tpu.memref_squeeze %dma_wait3A_655 : memref<1x128xi32, #tpu.memory_space<vmem>> -> memref<128xi32, #tpu.memory_space<vmem>>
    %dma_wait3A_657 = arith.constant 0 : i32
    %dma_wait3A_658 = arith.constant 0 : i32
    %dma_wait3A_659 = tpu.memref_slice %arg16[%dma_wait3A_657, %dma_wait3A_658] : memref<10240x64xf32, #tpu.memory_space<vmem_shared>> -> memref<10240x64xf32, #tpu.memory_space<vmem_shared>>
    tpu.wait_indirect_dma semaphore(%arg26 : memref<!tpu.dma_semaphore, #tpu.memory_space<semaphore_mem>>) src(%arg13 : memref<128x64xf32, #tpu.memory_space<vmem>>) dst(%dma_wait3A_659 : memref<10240x64xf32, #tpu.memory_space<vmem_shared>>)
    %barrier3A_660 = arith.constant 0 : index
    tpu.barrier barrier_id(%barrier3A_660)
    %mul3A_661 = arith.constant 640 : i32
    %mul3A_662 = arith.muli %arg1, %mul3A_661 : i32
    %add3A_663 = arith.constant 0 : i32
    %add3A_664 = arith.addi %mul3A_662, %add3A_663 : i32
    %mul3A_665 = arith.constant 10240 : i32
    %mul3A_666 = arith.muli %arg0, %mul3A_665 : i32
    %add3A_667 = arith.addi %mul3A_666, %add3A_664 : i32
    "tpu.region"() ({
      %run_scoped3A = tpu.sem_alloc : memref<!tpu.dma_semaphore, #tpu.memory_space<semaphore_mem>>
      %dma_start3A_696 = arith.constant 0 : i32
      %dma_start3A_697 = tpu.memref_slice %arg7[%add3A_667, %dma_start3A_696] : memref<20480x64xf32, #tpu.memory_space<hbm>> -> memref<128x64xf32, #tpu.memory_space<hbm>>
      %dma_start3A_698 = arith.constant 0 : i32
      %dma_start3A_699 = tpu.memref_slice %arg16[%add3A_664, %dma_start3A_698] : memref<10240x64xf32, #tpu.memory_space<vmem_shared>> -> memref<128x64xf32, #tpu.memory_space<vmem_shared>>
      tpu.enqueue_dma source(%dma_start3A_699 : memref<128x64xf32, #tpu.memory_space<vmem_shared>>) target(%dma_start3A_697 : memref<128x64xf32, #tpu.memory_space<hbm>>) target_semaphore(%run_scoped3A : memref<!tpu.dma_semaphore, #tpu.memory_space<semaphore_mem>>)
      %dma_wait3A_700 = arith.constant 0 : i32
      %dma_wait3A_701 = tpu.memref_slice %arg7[%add3A_667, %dma_wait3A_700] : memref<20480x64xf32, #tpu.memory_space<hbm>> -> memref<128x64xf32, #tpu.memory_space<hbm>>
      %dma_wait3A_702 = arith.constant 0 : i32
      %dma_wait3A_703 = tpu.memref_slice %arg16[%add3A_664, %dma_wait3A_702] : memref<10240x64xf32, #tpu.memory_space<vmem_shared>> -> memref<128x64xf32, #tpu.memory_space<vmem_shared>>
      tpu.wait_dma2 semaphore(%run_scoped3A : memref<!tpu.dma_semaphore, #tpu.memory_space<semaphore_mem>>) src(%dma_wait3A_703 : memref<128x64xf32, #tpu.memory_space<vmem_shared>>) dst(%dma_wait3A_701 : memref<128x64xf32, #tpu.memory_space<hbm>>)
      tpu.yield
    }) : () -> ()
    %mul3A_668 = arith.constant 640 : i32
    %mul3A_669 = arith.muli %arg1, %mul3A_668 : i32
    %add3A_670 = arith.constant 128 : i32
    %add3A_671 = arith.addi %mul3A_669, %add3A_670 : i32
    %mul3A_672 = arith.constant 10240 : i32
    %mul3A_673 = arith.muli %arg0, %mul3A_672 : i32
    %add3A_674 = arith.addi %mul3A_673, %add3A_671 : i32
    "tpu.region"() ({
      %run_scoped3A = tpu.sem_alloc : memref<!tpu.dma_semaphore, #tpu.memory_space<semaphore_mem>>
      %dma_start3A_696 = arith.constant 0 : i32
      %dma_start3A_697 = tpu.memref_slice %arg7[%add3A_674, %dma_start3A_696] : memref<20480x64xf32, #tpu.memory_space<hbm>> -> memref<128x64xf32, #tpu.memory_space<hbm>>
      %dma_start3A_698 = arith.constant 0 : i32
      %dma_start3A_699 = tpu.memref_slice %arg16[%add3A_671, %dma_start3A_698] : memref<10240x64xf32, #tpu.memory_space<vmem_shared>> -> memref<128x64xf32, #tpu.memory_space<vmem_shared>>
      tpu.enqueue_dma source(%dma_start3A_699 : memref<128x64xf32, #tpu.memory_space<vmem_shared>>) target(%dma_start3A_697 : memref<128x64xf32, #tpu.memory_space<hbm>>) target_semaphore(%run_scoped3A : memref<!tpu.dma_semaphore, #tpu.memory_space<semaphore_mem>>)
      %dma_wait3A_700 = arith.constant 0 : i32
      %dma_wait3A_701 = tpu.memref_slice %arg7[%add3A_674, %dma_wait3A_700] : memref<20480x64xf32, #tpu.memory_space<hbm>> -> memref<128x64xf32, #tpu.memory_space<hbm>>
      %dma_wait3A_702 = arith.constant 0 : i32
      %dma_wait3A_703 = tpu.memref_slice %arg16[%add3A_671, %dma_wait3A_702] : memref<10240x64xf32, #tpu.memory_space<vmem_shared>> -> memref<128x64xf32, #tpu.memory_space<vmem_shared>>
      tpu.wait_dma2 semaphore(%run_scoped3A : memref<!tpu.dma_semaphore, #tpu.memory_space<semaphore_mem>>) src(%dma_wait3A_703 : memref<128x64xf32, #tpu.memory_space<vmem_shared>>) dst(%dma_wait3A_701 : memref<128x64xf32, #tpu.memory_space<hbm>>)
      tpu.yield
    }) : () -> ()
    %mul3A_675 = arith.constant 640 : i32
    %mul3A_676 = arith.muli %arg1, %mul3A_675 : i32
    %add3A_677 = arith.constant 256 : i32
    %add3A_678 = arith.addi %mul3A_676, %add3A_677 : i32
    %mul3A_679 = arith.constant 10240 : i32
    %mul3A_680 = arith.muli %arg0, %mul3A_679 : i32
    %add3A_681 = arith.addi %mul3A_680, %add3A_678 : i32
    "tpu.region"() ({
      %run_scoped3A = tpu.sem_alloc : memref<!tpu.dma_semaphore, #tpu.memory_space<semaphore_mem>>
      %dma_start3A_696 = arith.constant 0 : i32
      %dma_start3A_697 = tpu.memref_slice %arg7[%add3A_681, %dma_start3A_696] : memref<20480x64xf32, #tpu.memory_space<hbm>> -> memref<128x64xf32, #tpu.memory_space<hbm>>
      %dma_start3A_698 = arith.constant 0 : i32
      %dma_start3A_699 = tpu.memref_slice %arg16[%add3A_678, %dma_start3A_698] : memref<10240x64xf32, #tpu.memory_space<vmem_shared>> -> memref<128x64xf32, #tpu.memory_space<vmem_shared>>
      tpu.enqueue_dma source(%dma_start3A_699 : memref<128x64xf32, #tpu.memory_space<vmem_shared>>) target(%dma_start3A_697 : memref<128x64xf32, #tpu.memory_space<hbm>>) target_semaphore(%run_scoped3A : memref<!tpu.dma_semaphore, #tpu.memory_space<semaphore_mem>>)
      %dma_wait3A_700 = arith.constant 0 : i32
      %dma_wait3A_701 = tpu.memref_slice %arg7[%add3A_681, %dma_wait3A_700] : memref<20480x64xf32, #tpu.memory_space<hbm>> -> memref<128x64xf32, #tpu.memory_space<hbm>>
      %dma_wait3A_702 = arith.constant 0 : i32
      %dma_wait3A_703 = tpu.memref_slice %arg16[%add3A_678, %dma_wait3A_702] : memref<10240x64xf32, #tpu.memory_space<vmem_shared>> -> memref<128x64xf32, #tpu.memory_space<vmem_shared>>
      tpu.wait_dma2 semaphore(%run_scoped3A : memref<!tpu.dma_semaphore, #tpu.memory_space<semaphore_mem>>) src(%dma_wait3A_703 : memref<128x64xf32, #tpu.memory_space<vmem_shared>>) dst(%dma_wait3A_701 : memref<128x64xf32, #tpu.memory_space<hbm>>)
      tpu.yield
    }) : () -> ()
    %mul3A_682 = arith.constant 640 : i32
    %mul3A_683 = arith.muli %arg1, %mul3A_682 : i32
    %add3A_684 = arith.constant 384 : i32
    %add3A_685 = arith.addi %mul3A_683, %add3A_684 : i32
    %mul3A_686 = arith.constant 10240 : i32
    %mul3A_687 = arith.muli %arg0, %mul3A_686 : i32
    %add3A_688 = arith.addi %mul3A_687, %add3A_685 : i32
    "tpu.region"() ({
      %run_scoped3A = tpu.sem_alloc : memref<!tpu.dma_semaphore, #tpu.memory_space<semaphore_mem>>
      %dma_start3A_696 = arith.constant 0 : i32
      %dma_start3A_697 = tpu.memref_slice %arg7[%add3A_688, %dma_start3A_696] : memref<20480x64xf32, #tpu.memory_space<hbm>> -> memref<128x64xf32, #tpu.memory_space<hbm>>
      %dma_start3A_698 = arith.constant 0 : i32
      %dma_start3A_699 = tpu.memref_slice %arg16[%add3A_685, %dma_start3A_698] : memref<10240x64xf32, #tpu.memory_space<vmem_shared>> -> memref<128x64xf32, #tpu.memory_space<vmem_shared>>
      tpu.enqueue_dma source(%dma_start3A_699 : memref<128x64xf32, #tpu.memory_space<vmem_shared>>) target(%dma_start3A_697 : memref<128x64xf32, #tpu.memory_space<hbm>>) target_semaphore(%run_scoped3A : memref<!tpu.dma_semaphore, #tpu.memory_space<semaphore_mem>>)
      %dma_wait3A_700 = arith.constant 0 : i32
      %dma_wait3A_701 = tpu.memref_slice %arg7[%add3A_688, %dma_wait3A_700] : memref<20480x64xf32, #tpu.memory_space<hbm>> -> memref<128x64xf32, #tpu.memory_space<hbm>>
      %dma_wait3A_702 = arith.constant 0 : i32
      %dma_wait3A_703 = tpu.memref_slice %arg16[%add3A_685, %dma_wait3A_702] : memref<10240x64xf32, #tpu.memory_space<vmem_shared>> -> memref<128x64xf32, #tpu.memory_space<vmem_shared>>
      tpu.wait_dma2 semaphore(%run_scoped3A : memref<!tpu.dma_semaphore, #tpu.memory_space<semaphore_mem>>) src(%dma_wait3A_703 : memref<128x64xf32, #tpu.memory_space<vmem_shared>>) dst(%dma_wait3A_701 : memref<128x64xf32, #tpu.memory_space<hbm>>)
      tpu.yield
    }) : () -> ()
    %mul3A_689 = arith.constant 640 : i32
    %mul3A_690 = arith.muli %arg1, %mul3A_689 : i32
    %add3A_691 = arith.constant 512 : i32
    %add3A_692 = arith.addi %mul3A_690, %add3A_691 : i32
    %mul3A_693 = arith.constant 10240 : i32
    %mul3A_694 = arith.muli %arg0, %mul3A_693 : i32
    %add3A_695 = arith.addi %mul3A_694, %add3A_692 : i32
    "tpu.region"() ({
      %run_scoped3A = tpu.sem_alloc : memref<!tpu.dma_semaphore, #tpu.memory_space<semaphore_mem>>
      %dma_start3A_696 = arith.constant 0 : i32
      %dma_start3A_697 = tpu.memref_slice %arg7[%add3A_695, %dma_start3A_696] : memref<20480x64xf32, #tpu.memory_space<hbm>> -> memref<128x64xf32, #tpu.memory_space<hbm>>
      %dma_start3A_698 = arith.constant 0 : i32
      %dma_start3A_699 = tpu.memref_slice %arg16[%add3A_692, %dma_start3A_698] : memref<10240x64xf32, #tpu.memory_space<vmem_shared>> -> memref<128x64xf32, #tpu.memory_space<vmem_shared>>
      tpu.enqueue_dma source(%dma_start3A_699 : memref<128x64xf32, #tpu.memory_space<vmem_shared>>) target(%dma_start3A_697 : memref<128x64xf32, #tpu.memory_space<hbm>>) target_semaphore(%run_scoped3A : memref<!tpu.dma_semaphore, #tpu.memory_space<semaphore_mem>>)
      %dma_wait3A_700 = arith.constant 0 : i32
      %dma_wait3A_701 = tpu.memref_slice %arg7[%add3A_695, %dma_wait3A_700] : memref<20480x64xf32, #tpu.memory_space<hbm>> -> memref<128x64xf32, #tpu.memory_space<hbm>>
      %dma_wait3A_702 = arith.constant 0 : i32
      %dma_wait3A_703 = tpu.memref_slice %arg16[%add3A_692, %dma_wait3A_702] : memref<10240x64xf32, #tpu.memory_space<vmem_shared>> -> memref<128x64xf32, #tpu.memory_space<vmem_shared>>
      tpu.wait_dma2 semaphore(%run_scoped3A : memref<!tpu.dma_semaphore, #tpu.memory_space<semaphore_mem>>) src(%dma_wait3A_703 : memref<128x64xf32, #tpu.memory_space<vmem_shared>>) dst(%dma_wait3A_701 : memref<128x64xf32, #tpu.memory_space<hbm>>)
      tpu.yield
    }) : () -> ()
    return
  }
}

module attributes {stable_mosaic.version = 14 : i64} {
  func.func @_b_body(%arg0: i32, %arg1: memref<1024x128xf32, #tpu.memory_space<vmem>>, %arg2: memref<128x128xf32, #tpu.memory_space<vmem>>, %arg3: memref<1024x1xf32, #tpu.memory_space<vmem>>, %arg4: memref<1024x1xf32, #tpu.memory_space<vmem>>, %arg5: memref<1024x128xf32, #tpu.memory_space<vmem>>) attributes {dimension_semantics = [#tpu.dimension_semantics<arbitrary>], iteration_bounds = array<i64: 20>, scalar_prefetch = 0 : i64, scratch_operands = 0 : i64, tpu.core_type = #tpu.core_type<tc>, window_params = [{transform_indices = @transform_0, window_bounds = array<i64: 1024, 128>}, {pipeline_mode = #tpu.pipeline_mode<synchronous>, transform_indices = @transform_1, window_bounds = array<i64: 128, 128>}, {transform_indices = @transform_2, window_bounds = array<i64: 1024, 1>}, {transform_indices = @transform_3, window_bounds = array<i64: 1024, 1>}, {transform_indices = @transform_4, window_bounds = array<i64: 1024, 128>}]} {
    %get3A = arith.constant 0 : index
    %get3A_0 = arith.constant 0 : index
    %get3A_1 = vector.load %arg3[%get3A, %get3A_0] : memref<1024x1xf32, #tpu.memory_space<vmem>>, vector<1024x1xf32>
    %get3A_2 = arith.constant 0 : index
    %get3A_3 = arith.constant 0 : index
    %get3A_4 = vector.load %arg4[%get3A_2, %get3A_3] : memref<1024x1xf32, #tpu.memory_space<vmem>>, vector<1024x1xf32>
    %add3A = arith.addf %get3A_1, %get3A_4 : vector<1024x1xf32>
    %add3A_5 = arith.constant 1.000000e+00 : f32
    %add3A_6 = vector.broadcast %add3A_5 : f32 to vector<1024x1xf32>
    %add3A_7 = arith.addf %add3A, %add3A_6 : vector<1024x1xf32>
    %rsqrt3A = math.rsqrt %add3A_7 : vector<1024x1xf32>
    %get3A_8 = arith.constant 0 : index
    %get3A_9 = arith.constant 0 : index
    %get3A_10 = vector.load %arg1[%get3A_8, %get3A_9] : memref<1024x128xf32, #tpu.memory_space<vmem>>, vector<1024x128xf32>
    %get3A_11 = arith.constant 0 : index
    %get3A_12 = arith.constant 0 : index
    %get3A_13 = vector.load %arg2[%get3A_11, %get3A_12] : memref<128x128xf32, #tpu.memory_space<vmem>>, vector<128x128xf32>
    %dot_general3A = arith.constant dense<0.000000e+00> : vector<1024x128xf32>
    %dot_general3A_14 = tpu.matmul %get3A_10, %get3A_13, %dot_general3A {dimension_numbers = #tpu.dot_dimension_numbers<[1], [0], [0], [1], [0, 0, 1, 1], [], []>, transpose_lhs_hint = false} : vector<1024x128xf32>, vector<128x128xf32>, vector<1024x128xf32> -> vector<1024x128xf32>
    %mul3A = vector.broadcast %rsqrt3A : vector<1024x1xf32> to vector<1024x128xf32>
    %mul3A_15 = arith.mulf %dot_general3A_14, %mul3A : vector<1024x128xf32>
    %swap3A = arith.constant 0 : index
    %swap3A_16 = arith.constant 0 : index
    %swap3A_17 = vector.load %arg5[%swap3A, %swap3A_16] : memref<1024x128xf32, #tpu.memory_space<vmem>>, vector<1024x128xf32>
    tpu.vector_store %arg5[%swap3A, %swap3A_16], %mul3A_15 {strides = array<i32>} : memref<1024x128xf32, #tpu.memory_space<vmem>>, vector<1024x128xf32>,
    return
  }
  func.func @transform_0(%arg0: i32) -> (i32, i32) {
    %c0_i32 = arith.constant 0 : i32
    %c0_i32_0 = arith.constant 0 : i32
    return %arg0, %c0_i32 : i32, i32
  }
  func.func @transform_1(%arg0: i32) -> (i32, i32) {
    %c0_i32 = arith.constant 0 : i32
    %c0_i32_0 = arith.constant 0 : i32
    %c0_i32_1 = arith.constant 0 : i32
    return %c0_i32, %c0_i32_0 : i32, i32
  }
  func.func @transform_2(%arg0: i32) -> (i32, i32) {
    %jit3A = arith.constant 10 : i32
    %eq3A = arith.constant 0 : i32
    %eq3A_0 = arith.cmpi eq, %jit3A, %eq3A : i32
    %jit3A_1 = arith.constant 1 : i32
    %select_n3A = arith.select %eq3A_0, %jit3A_1, %jit3A : i32
    %rem3A = arith.remsi %arg0, %select_n3A : i32
    %ne3A = arith.constant 0 : i32
    %ne3A_2 = arith.cmpi ne, %rem3A, %ne3A : i32
    %lt3A = arith.constant 0 : i32
    %lt3A_3 = arith.cmpi slt, %rem3A, %lt3A : i32
    %lt3A_4 = arith.constant 0 : i32
    %lt3A_5 = arith.cmpi slt, %select_n3A, %lt3A_4 : i32
    %ne3A_6 = arith.xori %lt3A_3, %lt3A_5 : i1
    %and3A = arith.andi %ne3A_6, %ne3A_2 : i1
    %add3A = arith.addi %rem3A, %select_n3A : i32
    %select_n3A_7 = arith.select %and3A, %add3A, %rem3A : i32
    %c0_i32 = arith.constant 0 : i32
    %c0_i32_8 = arith.constant 0 : i32
    return %select_n3A_7, %c0_i32 : i32, i32
  }
  func.func @transform_3(%arg0: i32) -> (i32, i32) {
    %jit3A = arith.constant 10 : i32
    %eq3A = arith.constant 0 : i32
    %eq3A_0 = arith.cmpi eq, %jit3A, %eq3A : i32
    %jit3A_1 = arith.constant 1 : i32
    %select_n3A = arith.select %eq3A_0, %jit3A_1, %jit3A : i32
    %rem3A = arith.remsi %arg0, %select_n3A : i32
    %ne3A = arith.constant 0 : i32
    %ne3A_2 = arith.cmpi ne, %rem3A, %ne3A : i32
    %lt3A = arith.constant 0 : i32
    %lt3A_3 = arith.cmpi slt, %rem3A, %lt3A : i32
    %lt3A_4 = arith.constant 0 : i32
    %lt3A_5 = arith.cmpi slt, %select_n3A, %lt3A_4 : i32
    %ne3A_6 = arith.xori %lt3A_3, %lt3A_5 : i1
    %and3A = arith.andi %ne3A_6, %ne3A_2 : i1
    %add3A = arith.addi %rem3A, %select_n3A : i32
    %select_n3A_7 = arith.select %and3A, %add3A, %rem3A : i32
    %c0_i32 = arith.constant 0 : i32
    %c0_i32_8 = arith.constant 0 : i32
    return %select_n3A_7, %c0_i32 : i32, i32
  }
  func.func @transform_4(%arg0: i32) -> (i32, i32) {
    %c0_i32 = arith.constant 0 : i32
    %c0_i32_0 = arith.constant 0 : i32
    return %arg0, %c0_i32 : i32, i32
  }
}

module attributes {stable_mosaic.version = 14 : i64} {
  func.func @_d_body(%arg0: i32, %arg1: memref<1024x64xf32, #tpu.memory_space<vmem>>, %arg2: memref<1024x64xf32, #tpu.memory_space<vmem>>, %arg3: memref<1024x128xf32, #tpu.memory_space<vmem>>, %arg4: memref<1024x1xf32, #tpu.memory_space<vmem>>, %arg5: memref<1024x1xf32, #tpu.memory_space<vmem>>, %arg6: memref<1x128xf32, #tpu.memory_space<vmem>>, %arg7: memref<1x1xf32, #tpu.memory_space<vmem>>, %arg8: memref<1x128xf32, #tpu.memory_space<vmem>>) attributes {dimension_semantics = [#tpu.dimension_semantics<arbitrary>], iteration_bounds = array<i64: 10>, scalar_prefetch = 0 : i64, scratch_operands = 0 : i64, tpu.core_type = #tpu.core_type<tc>, window_params = [{transform_indices = @transform_0, window_bounds = array<i64: 1024, 64>}, {transform_indices = @transform_1, window_bounds = array<i64: 1024, 64>}, {transform_indices = @transform_2, window_bounds = array<i64: 1024, 128>}, {transform_indices = @transform_3, window_bounds = array<i64: 1024, 1>}, {transform_indices = @transform_4, window_bounds = array<i64: 1024, 1>}, {pipeline_mode = #tpu.pipeline_mode<synchronous>, transform_indices = @transform_5, window_bounds = array<i64: 1, 128>}, {pipeline_mode = #tpu.pipeline_mode<synchronous>, transform_indices = @transform_6, window_bounds = array<i64: 1, 1>}, {pipeline_mode = #tpu.pipeline_mode<synchronous>, transform_indices = @transform_7, window_bounds = array<i64: 1, 128>}]} {
    %eq3A = arith.constant 0 : i32
    %eq3A_0 = arith.cmpi eq, %arg0, %eq3A : i32
    %convert_element_type3A = arith.extui %eq3A_0 : i1 to i32
    %cond3A = arith.constant 0 : i32
    %cond3A_1 = arith.cmpi ne, %convert_element_type3A, %cond3A : i32
    scf.if %cond3A_1 {
      %broadcast_in_dim3A_49 = arith.constant 0.000000e+00 : f32
      %broadcast_in_dim3A_50 = vector.broadcast %broadcast_in_dim3A_49 : f32 to vector<1x128xf32>
      %swap3A_51 = arith.constant 0 : index
      %swap3A_52 = arith.constant 0 : index
      %swap3A_53 = vector.load %arg8[%swap3A_51, %swap3A_52] : memref<1x128xf32, #tpu.memory_space<vmem>>, vector<1x128xf32>
      tpu.vector_store %arg8[%swap3A_51, %swap3A_52], %broadcast_in_dim3A_50 {strides = array<i32>} : memref<1x128xf32, #tpu.memory_space<vmem>>, vector<1x128xf32>,
    } else {
    }
    %get3A = arith.constant 0 : index
    %get3A_2 = arith.constant 0 : index
    %get3A_3 = vector.load %arg4[%get3A, %get3A_2] : memref<1024x1xf32, #tpu.memory_space<vmem>>, vector<1024x1xf32>
    %get3A_4 = arith.constant 0 : index
    %get3A_5 = arith.constant 0 : index
    %get3A_6 = vector.load %arg5[%get3A_4, %get3A_5] : memref<1024x1xf32, #tpu.memory_space<vmem>>, vector<1024x1xf32>
    %add3A = arith.addf %get3A_3, %get3A_6 : vector<1024x1xf32>
    %add3A_7 = arith.constant 1.000000e+00 : f32
    %add3A_8 = vector.broadcast %add3A_7 : f32 to vector<1024x1xf32>
    %add3A_9 = arith.addf %add3A, %add3A_8 : vector<1024x1xf32>
    %rsqrt3A = math.rsqrt %add3A_9 : vector<1024x1xf32>
    %get3A_10 = arith.constant 0 : index
    %get3A_11 = arith.constant 0 : index
    %get3A_12 = vector.load %arg1[%get3A_10, %get3A_11] : memref<1024x64xf32, #tpu.memory_space<vmem>>, vector<1024x64xf32>
    %get3A_13 = arith.constant 0 : index
    %get3A_14 = arith.constant 0 : index
    %get3A_15 = vector.load %arg2[%get3A_13, %get3A_14] : memref<1024x64xf32, #tpu.memory_space<vmem>>, vector<1024x64xf32>
    %concatenate3A = tpu.concatenate %get3A_12, %get3A_15 in 1 : vector<1024x64xf32>, vector<1024x64xf32> -> vector<1024x128xf32>
    %get3A_16 = arith.constant 0 : index
    %get3A_17 = arith.constant 0 : index
    %get3A_18 = vector.load %arg3[%get3A_16, %get3A_17] : memref<1024x128xf32, #tpu.memory_space<vmem>>, vector<1024x128xf32>
    %add3A_19 = arith.addf %concatenate3A, %get3A_18 : vector<1024x128xf32>
    %mul3A = vector.broadcast %rsqrt3A : vector<1024x1xf32> to vector<1024x128xf32>
    %mul3A_20 = arith.mulf %mul3A, %add3A_19 : vector<1024x128xf32>
    %get3A_21 = arith.constant 0 : index
    %get3A_22 = arith.constant 0 : index
    %get3A_23 = vector.load %arg6[%get3A_21, %get3A_22] : memref<1x128xf32, #tpu.memory_space<vmem>>, vector<1x128xf32>
    %add3A_24 = vector.broadcast %get3A_23 : vector<1x128xf32> to vector<1024x128xf32>
    %add3A_25 = arith.addf %mul3A_20, %add3A_24 : vector<1024x128xf32>
    %get3A_26 = arith.constant 0 : index
    %get3A_27 = arith.constant 0 : index
    %get3A_28 = vector.load %arg7[%get3A_26, %get3A_27] : memref<1x1xf32, #tpu.memory_space<vmem>>, vector<1x1xf32>
    %get3A_29 = vector.extract %get3A_28[0, 0] : f32 from vector<1x1xf32>
    %ge3A = arith.constant 0.000000e+00 : f32
    %ge3A_30 = vector.broadcast %ge3A : f32 to vector<1024x128xf32>
    %ge3A_31 = arith.cmpf oge, %add3A_25, %ge3A_30 : vector<1024x128xf32>
    %mul3A_32 = vector.broadcast %get3A_29 : f32 to vector<1024x128xf32>
    %mul3A_33 = arith.mulf %mul3A_32, %add3A_25 : vector<1024x128xf32>
    %select_n3A = arith.select %ge3A_31, %add3A_25, %mul3A_33 : vector<1024x128xi1>, vector<1024x128xf32>
    %mul3A_34 = arith.constant 1024 : i32
    %mul3A_35 = arith.muli %arg0, %mul3A_34 : i32
    %iota3A = tpu.iota {dimensions = array<i32: 0>} : vector<1024x128xi32>
    %add3A_36 = vector.broadcast %mul3A_35 : i32 to vector<1024x128xi32>
    %add3A_37 = arith.addi %add3A_36, %iota3A : vector<1024x128xi32>
    %lt3A = arith.constant 10000 : i32
    %lt3A_38 = vector.broadcast %lt3A : i32 to vector<1024x128xi32>
    %lt3A_39 = arith.cmpi slt, %add3A_37, %lt3A_38 : vector<1024x128xi32>
    %jit3A = arith.constant 0.000000e+00 : f32
    %broadcast_in_dim3A = vector.broadcast %jit3A : f32 to vector<1024x128xf32>
    %select_n3A_40 = arith.select %lt3A_39, %select_n3A, %broadcast_in_dim3A : vector<1024x128xi1>, vector<1024x128xf32>
    %get3A_41 = arith.constant 0 : index
    %get3A_42 = arith.constant 0 : index
    %get3A_43 = vector.load %arg8[%get3A_41, %get3A_42] : memref<1x128xf32, #tpu.memory_space<vmem>>, vector<1x128xf32>
    %reduce_sum3A = arith.constant dense<0.000000e+00> : vector<128xf32>
    %reduce_sum3A_44 = vector.multi_reduction <add>, %select_n3A_40, %reduce_sum3A [0] : vector<1024x128xf32> to vector<128xf32>
    %broadcast_in_dim3A_45 = vector.shape_cast %reduce_sum3A_44 : vector<128xf32> to vector<1x128xf32>
    %add3A_46 = arith.addf %get3A_43, %broadcast_in_dim3A_45 : vector<1x128xf32>
    %swap3A = arith.constant 0 : index
    %swap3A_47 = arith.constant 0 : index
    %swap3A_48 = vector.load %arg8[%swap3A, %swap3A_47] : memref<1x128xf32, #tpu.memory_space<vmem>>, vector<1x128xf32>
    tpu.vector_store %arg8[%swap3A, %swap3A_47], %add3A_46 {strides = array<i32>} : memref<1x128xf32, #tpu.memory_space<vmem>>, vector<1x128xf32>,
    return
  }
  func.func @transform_0(%arg0: i32) -> (i32, i32) {
    %c0_i32 = arith.constant 0 : i32
    %c0_i32_0 = arith.constant 0 : i32
    return %arg0, %c0_i32 : i32, i32
  }
  func.func @transform_1(%arg0: i32) -> (i32, i32) {
    %c0_i32 = arith.constant 0 : i32
    %c0_i32_0 = arith.constant 0 : i32
    return %arg0, %c0_i32 : i32, i32
  }
  func.func @transform_2(%arg0: i32) -> (i32, i32) {
    %c0_i32 = arith.constant 0 : i32
    %c0_i32_0 = arith.constant 0 : i32
    return %arg0, %c0_i32 : i32, i32
  }
  func.func @transform_3(%arg0: i32) -> (i32, i32) {
    %c0_i32 = arith.constant 0 : i32
    %c0_i32_0 = arith.constant 0 : i32
    return %arg0, %c0_i32 : i32, i32
  }
  func.func @transform_4(%arg0: i32) -> (i32, i32) {
    %c0_i32 = arith.constant 0 : i32
    %c0_i32_0 = arith.constant 0 : i32
    return %arg0, %c0_i32 : i32, i32
  }
  func.func @transform_5(%arg0: i32) -> (i32, i32) {
    %c0_i32 = arith.constant 0 : i32
    %c0_i32_0 = arith.constant 0 : i32
    %c0_i32_1 = arith.constant 0 : i32
    return %c0_i32, %c0_i32_0 : i32, i32
  }
  func.func @transform_6(%arg0: i32) -> (i32, i32) {
    %c0_i32 = arith.constant 0 : i32
    %c0_i32_0 = arith.constant 0 : i32
    %c0_i32_1 = arith.constant 0 : i32
    return %c0_i32, %c0_i32_0 : i32, i32
  }
  func.func @transform_7(%arg0: i32) -> (i32, i32) {
    %c0_i32 = arith.constant 0 : i32
    %c0_i32_0 = arith.constant 0 : i32
    %c0_i32_1 = arith.constant 0 : i32
    return %c0_i32, %c0_i32_0 : i32, i32
  }
}

module attributes {stable_mosaic.version = 14 : i64} {
  func.func @_e_body(%arg0: i32, %arg1: memref<1024x64xf32, #tpu.memory_space<vmem>>, %arg2: memref<1024x64xf32, #tpu.memory_space<vmem>>, %arg3: memref<1024x128xf32, #tpu.memory_space<vmem>>, %arg4: memref<1024x64xf32, #tpu.memory_space<vmem>>, %arg5: memref<1024x64xf32, #tpu.memory_space<vmem>>, %arg6: memref<1024x128xf32, #tpu.memory_space<vmem>>, %arg7: memref<1024x1xf32, #tpu.memory_space<vmem>>, %arg8: memref<1024x1xf32, #tpu.memory_space<vmem>>, %arg9: memref<1x128xf32, #tpu.memory_space<vmem>>, %arg10: memref<128x128xf32, #tpu.memory_space<vmem>>, %arg11: memref<1x128xf32, #tpu.memory_space<vmem>>, %arg12: memref<1x1xf32, #tpu.memory_space<vmem>>, %arg13: memref<1x1xf32, #tpu.memory_space<vmem>>, %arg14: memref<1024x1xf32, #tpu.memory_space<vmem>>, %arg15: memref<1024x1xf32, #tpu.memory_space<vmem>>) attributes {dimension_semantics = [#tpu.dimension_semantics<arbitrary>], iteration_bounds = array<i64: 10>, scalar_prefetch = 0 : i64, scratch_operands = 0 : i64, tpu.core_type = #tpu.core_type<tc>, window_params = [{transform_indices = @transform_0, window_bounds = array<i64: 1024, 64>}, {transform_indices = @transform_1, window_bounds = array<i64: 1024, 64>}, {transform_indices = @transform_2, window_bounds = array<i64: 1024, 128>}, {transform_indices = @transform_3, window_bounds = array<i64: 1024, 64>}, {transform_indices = @transform_4, window_bounds = array<i64: 1024, 64>}, {transform_indices = @transform_5, window_bounds = array<i64: 1024, 128>}, {transform_indices = @transform_6, window_bounds = array<i64: 1024, 1>}, {transform_indices = @transform_7, window_bounds = array<i64: 1024, 1>}, {pipeline_mode = #tpu.pipeline_mode<synchronous>, transform_indices = @transform_8, window_bounds = array<i64: 1, 128>}, {pipeline_mode = #tpu.pipeline_mode<synchronous>, transform_indices = @transform_9, window_bounds = array<i64: 128, 128>}, {pipeline_mode = #tpu.pipeline_mode<synchronous>, transform_indices = @transform_10, window_bounds = array<i64: 1, 128>}, {pipeline_mode = #tpu.pipeline_mode<synchronous>, transform_indices = @transform_11, window_bounds = array<i64: 1, 1>}, {pipeline_mode = #tpu.pipeline_mode<synchronous>, transform_indices = @transform_12, window_bounds = array<i64: 1, 1>}, {transform_indices = @transform_13, window_bounds = array<i64: 1024, 1>}, {transform_indices = @transform_14, window_bounds = array<i64: 1024, 1>}]} {
    %get3A = arith.constant 0 : index
    %get3A_0 = arith.constant 0 : index
    %get3A_1 = vector.load %arg9[%get3A, %get3A_0] : memref<1x128xf32, #tpu.memory_space<vmem>>, vector<1x128xf32>
    %mul3A = arith.constant 9.99999974E-5 : f32
    %mul3A_2 = vector.broadcast %mul3A : f32 to vector<1x128xf32>
    %mul3A_3 = arith.mulf %get3A_1, %mul3A_2 : vector<1x128xf32>
    %logistic3A = arith.negf %mul3A_3 : vector<1x128xf32>
    %logistic3A_4 = math.exp %logistic3A : vector<1x128xf32>
    %logistic3A_5 = arith.constant 1.000000e+00 : f32
    %logistic3A_6 = vector.broadcast %logistic3A_5 : f32 to vector<1x128xf32>
    %logistic3A_7 = arith.addf %logistic3A_6, %logistic3A_4 : vector<1x128xf32>
    %logistic3A_8 = arith.divf %logistic3A_6, %logistic3A_7 : vector<1x128xf32>
    %get3A_9 = arith.constant 0 : index
    %get3A_10 = arith.constant 0 : index
    %get3A_11 = vector.load %arg10[%get3A_9, %get3A_10] : memref<128x128xf32, #tpu.memory_space<vmem>>, vector<128x128xf32>
    %dot_general3A = arith.constant dense<0.000000e+00> : vector<128x1xf32>
    %dot_general3A_12 = tpu.matmul %get3A_11, %logistic3A_8, %dot_general3A {dimension_numbers = #tpu.dot_dimension_numbers<[1], [1], [0], [0], [0, 0, 1, 0], [], []>, transpose_lhs_hint = false} : vector<128x128xf32>, vector<1x128xf32>, vector<128x1xf32> -> vector<128x1xf32>
    %get3A_13 = arith.constant 0 : index
    %get3A_14 = arith.constant 0 : index
    %get3A_15 = vector.load %arg12[%get3A_13, %get3A_14] : memref<1x1xf32, #tpu.memory_space<vmem>>, vector<1x1xf32>
    %get3A_16 = vector.extract %get3A_15[0, 0] : f32 from vector<1x1xf32>
    %get3A_17 = arith.constant 0 : index
    %get3A_18 = arith.constant 0 : index
    %get3A_19 = vector.load %arg11[%get3A_17, %get3A_18] : memref<1x128xf32, #tpu.memory_space<vmem>>, vector<1x128xf32>
    %get3A_20 = arith.constant 0 : index
    %get3A_21 = arith.constant 0 : index
    %get3A_22 = vector.load %arg7[%get3A_20, %get3A_21] : memref<1024x1xf32, #tpu.memory_space<vmem>>, vector<1024x1xf32>
    %get3A_23 = arith.constant 0 : index
    %get3A_24 = arith.constant 0 : index
    %get3A_25 = vector.load %arg8[%get3A_23, %get3A_24] : memref<1024x1xf32, #tpu.memory_space<vmem>>, vector<1024x1xf32>
    %add3A = arith.addf %get3A_22, %get3A_25 : vector<1024x1xf32>
    %add3A_26 = arith.constant 1.000000e+00 : f32
    %add3A_27 = vector.broadcast %add3A_26 : f32 to vector<1024x1xf32>
    %add3A_28 = arith.addf %add3A, %add3A_27 : vector<1024x1xf32>
    %rsqrt3A = math.rsqrt %add3A_28 : vector<1024x1xf32>
    %get3A_29 = arith.constant 0 : index
    %get3A_30 = arith.constant 0 : index
    %get3A_31 = vector.load %arg1[%get3A_29, %get3A_30] : memref<1024x64xf32, #tpu.memory_space<vmem>>, vector<1024x64xf32>
    %get3A_32 = arith.constant 0 : index
    %get3A_33 = arith.constant 0 : index
    %get3A_34 = vector.load %arg2[%get3A_32, %get3A_33] : memref<1024x64xf32, #tpu.memory_space<vmem>>, vector<1024x64xf32>
    %concatenate3A = tpu.concatenate %get3A_31, %get3A_34 in 1 : vector<1024x64xf32>, vector<1024x64xf32> -> vector<1024x128xf32>
    %get3A_35 = arith.constant 0 : index
    %get3A_36 = arith.constant 0 : index
    %get3A_37 = vector.load %arg3[%get3A_35, %get3A_36] : memref<1024x128xf32, #tpu.memory_space<vmem>>, vector<1024x128xf32>
    %add3A_38 = arith.addf %concatenate3A, %get3A_37 : vector<1024x128xf32>
    %mul3A_39 = vector.broadcast %rsqrt3A : vector<1024x1xf32> to vector<1024x128xf32>
    %mul3A_40 = arith.mulf %mul3A_39, %add3A_38 : vector<1024x128xf32>
    %add3A_41 = vector.broadcast %get3A_19 : vector<1x128xf32> to vector<1024x128xf32>
    %add3A_42 = arith.addf %mul3A_40, %add3A_41 : vector<1024x128xf32>
    %ge3A = arith.constant 0.000000e+00 : f32
    %ge3A_43 = vector.broadcast %ge3A : f32 to vector<1024x128xf32>
    %ge3A_44 = arith.cmpf oge, %add3A_42, %ge3A_43 : vector<1024x128xf32>
    %mul3A_45 = vector.broadcast %get3A_16 : f32 to vector<1024x128xf32>
    %mul3A_46 = arith.mulf %mul3A_45, %add3A_42 : vector<1024x128xf32>
    %select_n3A = arith.select %ge3A_44, %add3A_42, %mul3A_46 : vector<1024x128xi1>, vector<1024x128xf32>
    %dot_general3A_47 = arith.constant dense<0.000000e+00> : vector<1024x1xf32>
    %dot_general3A_48 = tpu.matmul %select_n3A, %dot_general3A_12, %dot_general3A_47 {dimension_numbers = #tpu.dot_dimension_numbers<[1], [0], [0], [1], [0, 0, 1, 1], [], []>, transpose_lhs_hint = false} : vector<1024x128xf32>, vector<128x1xf32>, vector<1024x1xf32> -> vector<1024x1xf32>
    %get3A_49 = arith.constant 0 : index
    %get3A_50 = arith.constant 0 : index
    %get3A_51 = vector.load %arg13[%get3A_49, %get3A_50] : memref<1x1xf32, #tpu.memory_space<vmem>>, vector<1x1xf32>
    %get3A_52 = vector.extract %get3A_51[0, 0] : f32 from vector<1x1xf32>
    %add3A_53 = vector.broadcast %get3A_52 : f32 to vector<1024x1xf32>
    %add3A_54 = arith.addf %dot_general3A_48, %add3A_53 : vector<1024x1xf32>
    %swap3A = arith.constant 0 : index
    %swap3A_55 = arith.constant 0 : index
    %swap3A_56 = vector.load %arg14[%swap3A, %swap3A_55] : memref<1024x1xf32, #tpu.memory_space<vmem>>, vector<1024x1xf32>
    tpu.vector_store %arg14[%swap3A, %swap3A_55], %add3A_54 {strides = array<i32>} : memref<1024x1xf32, #tpu.memory_space<vmem>>, vector<1024x1xf32>,
    %get3A_57 = arith.constant 0 : index
    %get3A_58 = arith.constant 0 : index
    %get3A_59 = vector.load %arg4[%get3A_57, %get3A_58] : memref<1024x64xf32, #tpu.memory_space<vmem>>, vector<1024x64xf32>
    %get3A_60 = arith.constant 0 : index
    %get3A_61 = arith.constant 0 : index
    %get3A_62 = vector.load %arg5[%get3A_60, %get3A_61] : memref<1024x64xf32, #tpu.memory_space<vmem>>, vector<1024x64xf32>
    %concatenate3A_63 = tpu.concatenate %get3A_59, %get3A_62 in 1 : vector<1024x64xf32>, vector<1024x64xf32> -> vector<1024x128xf32>
    %get3A_64 = arith.constant 0 : index
    %get3A_65 = arith.constant 0 : index
    %get3A_66 = vector.load %arg6[%get3A_64, %get3A_65] : memref<1024x128xf32, #tpu.memory_space<vmem>>, vector<1024x128xf32>
    %add3A_67 = arith.addf %concatenate3A_63, %get3A_66 : vector<1024x128xf32>
    %mul3A_68 = vector.broadcast %rsqrt3A : vector<1024x1xf32> to vector<1024x128xf32>
    %mul3A_69 = arith.mulf %mul3A_68, %add3A_67 : vector<1024x128xf32>
    %add3A_70 = vector.broadcast %get3A_19 : vector<1x128xf32> to vector<1024x128xf32>
    %add3A_71 = arith.addf %mul3A_69, %add3A_70 : vector<1024x128xf32>
    %ge3A_72 = arith.constant 0.000000e+00 : f32
    %ge3A_73 = vector.broadcast %ge3A_72 : f32 to vector<1024x128xf32>
    %ge3A_74 = arith.cmpf oge, %add3A_71, %ge3A_73 : vector<1024x128xf32>
    %mul3A_75 = vector.broadcast %get3A_16 : f32 to vector<1024x128xf32>
    %mul3A_76 = arith.mulf %mul3A_75, %add3A_71 : vector<1024x128xf32>
    %select_n3A_77 = arith.select %ge3A_74, %add3A_71, %mul3A_76 : vector<1024x128xi1>, vector<1024x128xf32>
    %dot_general3A_78 = arith.constant dense<0.000000e+00> : vector<1024x1xf32>
    %dot_general3A_79 = tpu.matmul %select_n3A_77, %dot_general3A_12, %dot_general3A_78 {dimension_numbers = #tpu.dot_dimension_numbers<[1], [0], [0], [1], [0, 0, 1, 1], [], []>, transpose_lhs_hint = false} : vector<1024x128xf32>, vector<128x1xf32>, vector<1024x1xf32> -> vector<1024x1xf32>
    %get3A_80 = arith.constant 0 : index
    %get3A_81 = arith.constant 0 : index
    %get3A_82 = vector.load %arg13[%get3A_80, %get3A_81] : memref<1x1xf32, #tpu.memory_space<vmem>>, vector<1x1xf32>
    %get3A_83 = vector.extract %get3A_82[0, 0] : f32 from vector<1x1xf32>
    %add3A_84 = vector.broadcast %get3A_83 : f32 to vector<1024x1xf32>
    %add3A_85 = arith.addf %dot_general3A_79, %add3A_84 : vector<1024x1xf32>
    %swap3A_86 = arith.constant 0 : index
    %swap3A_87 = arith.constant 0 : index
    %swap3A_88 = vector.load %arg15[%swap3A_86, %swap3A_87] : memref<1024x1xf32, #tpu.memory_space<vmem>>, vector<1024x1xf32>
    tpu.vector_store %arg15[%swap3A_86, %swap3A_87], %add3A_85 {strides = array<i32>} : memref<1024x1xf32, #tpu.memory_space<vmem>>, vector<1024x1xf32>,
    return
  }
  func.func @transform_0(%arg0: i32) -> (i32, i32) {
    %c0_i32 = arith.constant 0 : i32
    %c0_i32_0 = arith.constant 0 : i32
    return %arg0, %c0_i32 : i32, i32
  }
  func.func @transform_1(%arg0: i32) -> (i32, i32) {
    %c0_i32 = arith.constant 0 : i32
    %c0_i32_0 = arith.constant 0 : i32
    return %arg0, %c0_i32 : i32, i32
  }
  func.func @transform_2(%arg0: i32) -> (i32, i32) {
    %c0_i32 = arith.constant 0 : i32
    %c0_i32_0 = arith.constant 0 : i32
    return %arg0, %c0_i32 : i32, i32
  }
  func.func @transform_3(%arg0: i32) -> (i32, i32) {
    %add3A = arith.constant 10 : i32
    %add3A_0 = arith.addi %arg0, %add3A : i32
    %c0_i32 = arith.constant 0 : i32
    %c0_i32_1 = arith.constant 0 : i32
    return %add3A_0, %c0_i32 : i32, i32
  }
  func.func @transform_4(%arg0: i32) -> (i32, i32) {
    %add3A = arith.constant 10 : i32
    %add3A_0 = arith.addi %arg0, %add3A : i32
    %c0_i32 = arith.constant 0 : i32
    %c0_i32_1 = arith.constant 0 : i32
    return %add3A_0, %c0_i32 : i32, i32
  }
  func.func @transform_5(%arg0: i32) -> (i32, i32) {
    %add3A = arith.constant 10 : i32
    %add3A_0 = arith.addi %arg0, %add3A : i32
    %c0_i32 = arith.constant 0 : i32
    %c0_i32_1 = arith.constant 0 : i32
    return %add3A_0, %c0_i32 : i32, i32
  }
  func.func @transform_6(%arg0: i32) -> (i32, i32) {
    %c0_i32 = arith.constant 0 : i32
    %c0_i32_0 = arith.constant 0 : i32
    return %arg0, %c0_i32 : i32, i32
  }
  func.func @transform_7(%arg0: i32) -> (i32, i32) {
    %c0_i32 = arith.constant 0 : i32
    %c0_i32_0 = arith.constant 0 : i32
    return %arg0, %c0_i32 : i32, i32
  }
  func.func @transform_8(%arg0: i32) -> (i32, i32) {
    %c0_i32 = arith.constant 0 : i32
    %c0_i32_0 = arith.constant 0 : i32
    %c0_i32_1 = arith.constant 0 : i32
    return %c0_i32, %c0_i32_0 : i32, i32
  }
  func.func @transform_9(%arg0: i32) -> (i32, i32) {
    %c0_i32 = arith.constant 0 : i32
    %c0_i32_0 = arith.constant 0 : i32
    %c0_i32_1 = arith.constant 0 : i32
    return %c0_i32, %c0_i32_0 : i32, i32
  }
  func.func @transform_10(%arg0: i32) -> (i32, i32) {
    %c0_i32 = arith.constant 0 : i32
    %c0_i32_0 = arith.constant 0 : i32
    %c0_i32_1 = arith.constant 0 : i32
    return %c0_i32, %c0_i32_0 : i32, i32
  }
  func.func @transform_11(%arg0: i32) -> (i32, i32) {
    %c0_i32 = arith.constant 0 : i32
    %c0_i32_0 = arith.constant 0 : i32
    %c0_i32_1 = arith.constant 0 : i32
    return %c0_i32, %c0_i32_0 : i32, i32
  }
  func.func @transform_12(%arg0: i32) -> (i32, i32) {
    %c0_i32 = arith.constant 0 : i32
    %c0_i32_0 = arith.constant 0 : i32
    %c0_i32_1 = arith.constant 0 : i32
    return %c0_i32, %c0_i32_0 : i32, i32
  }
  func.func @transform_13(%arg0: i32) -> (i32, i32) {
    %c0_i32 = arith.constant 0 : i32
    %c0_i32_0 = arith.constant 0 : i32
    return %arg0, %c0_i32 : i32, i32
  }
  func.func @transform_14(%arg0: i32) -> (i32, i32) {
    %c0_i32 = arith.constant 0 : i32
    %c0_i32_0 = arith.constant 0 : i32
    return %arg0, %c0_i32 : i32, i32
  }
}

</mosaic_0001>

<sc_bundles>
// kernel: kernel.10.cloned.1.call-start
scs
__scs_entry_jumppad:
0x0: {  	(pc) =	sbr.rel $0x88, $3  }
0x1: {  	(tag) =	ssettag $0x0;
	lr =	simm.s32 $0x1  }
0x2: {  	[smem:$0x3F99] =	sst lr;
	_ =	strace $0xD0000000  }
0x3: {  	_ = 	snop  }
0x4: {  	_ = 	snop  }
0x5: {  	_ = 	snop  }
0x6: {  	_ = 	snop  }
0x7: {  	_ = 	snop  }
__scs_overlays_trampoline_lowered:
0x8: {  	[smem:$0x3FA8] =	sst s0  }
0x9: {  	[smem:$0x3FA9] =	sst s1  }
0xa: {  	[smem:$0x3FAA] =	sst s2  }
0xb: {  	[smem:$0x3FAB] =	sst s3  }
0xc: {  	[smem:$0x3FAC] =	sst s4  }
0xd: {  	[smem:$0x3FAD] =	sst s5  }
0xe: {  	[smem:$0x3FAE] =	sst s6  }
0xf: {  	[smem:$0x3FAF] =	sst s7  }
0x10: {  	[smem:$0x3FB0] =	sst s8  }
0x11: {  	[smem:$0x3FB1] =	sst s9;
	s0 =	simm.s32 @!p0 $0x0  }
0x12: {  	s1 =	sld [smem:$0x3F97];
	s0 =	simm.s32 @p0 $0x1  }
0x13: {  	[smem:$0x3FB2] =	sst s0;
	s0 =	simm.s32 @!p1 $0x0  }
0x14: {  	s2 =	sld [smem:$0x3F96];
	s0 =	simm.s32 @p1 $0x1  }
0x15: {  	[smem:$0x3FB3] =	sst s0;
	s0 =	simm.s32 @!p2 $0x0  }
0x16: {  	s3 =	sld [smem:$0x3FDB];
	s0 =	simm.s32 @p2 $0x1  }
0x17: {  	s4 =	simm.s32 $0x1BF5;
	[smem:$0x3FB5] =	sst s0  }
0x18: {  	s0 =	sld [smem:$0x3F98];
	_ =	swait.ge [sflag:s4], $0x0  }
0x19: {  	s7 =	sld [smem:$0x3F99]  }
0x1a: {  	s8 =	sadd.s32 $0xFFFFE003, lr  }
0x1b: {  	s9 =	sadd.s32 $0xFFFFFEF7, lr;
	s5 =	simm.s32 $0xFFFFFFFF;
	p2 =	slt.u32 s8, $0xFFFFF086  }
0x1c: {  	p1 =	slt.u32 s9, $0xF7A;
	s5 =	simm.s32 @!p2 $0x0  }
0x1d: {  	s5 =	simm.s32 @p1 $0x1;
	p0 =	seq.s32 s7, s2  }
0x1e: {  	s7 =	smul.u32 @!p0 $0xF7A, s2;
	p2 =	seq.s32 @!p0 s5, $0x0  }
0x1f: {  	s9 =	smul.u32 $0xF7A, s1;
	s8 =	simm.s32 @!p0 $0x1BF5;
	p2 =	por !p2, p0  }
0x20: {  	[sflag:s8] =	ssyncset.s32 @!p0 $0xFFFFF086;
	s6 =	sadd.s32 @!p0 s3, s7;
	s7 =	simm.s32 @!p0 $0x108  }
0x21: {  	s3 =	sadd.s32 s3, s9;
	s6 =	sadd.s32 @!p0 $0x88, s6;
	s7 =	simm.s32 @p2 $0x1082  }
0x22: {  	[simem:s7], [sflag:s8] =	dma.local @!p0 [hbm:s6], $0xF7A  }
0x23: {  	s9 =	sor.u32 $0xD0000000, s2;
	s6 =	simm.s32 $0x108;
	_ =	swait.ge @!p0 [sflag:s8], $0x0  }
0x24: {  	s3 =	sadd.s32 $0x88, s3;
	s6 =	simm.s32 @!p1 $0x1082;
	[sflag:s4] =	ssyncset.s32 $0xFFFFF086  }
0x25: {  	[simem:s6], [sflag:s4] =	dma.local [hbm:s3], $0xF7A  }
0x26: {  	[smem:$0x3F99] =	sst s1;
	(tag) =	ssettag s2;
	_ =	strace s9  }
0x27: {  	s1 =	sld [smem:$0x3FA9]  }
0x28: {  	s2 =	sld [smem:$0x3FAA]  }
0x29: {  	s4 =	sld [smem:$0x3FAC]  }
0x2a: {  	p0 =	seq.s32 s5, $0x0;
	s5 =	sld [smem:$0x3FAD]  }
0x2b: {  	s6 =	sld [smem:$0x3FAE]  }
0x2c: {  	s7 =	sld [smem:$0x3FAF]  }
0x2d: {  	s3 =	simm.s32 $0x108;
	s8 =	sld [smem:$0x3FB0]  }
0x2e: {  	s3 =	simm.s32 @!p0 $0x1082;
	s9 =	sld [smem:$0x3FB1]  }
0x2f: {  	lr =	sadd.s32 s0, s3;
	s0 =	sld [smem:$0x3FA8]  }
0x30: {  	s3 =	sld [smem:$0x3FAB]  }
0x31: {  	[smem:$0x3FB4] =	sst s10  }
0x32: {  	s10 =	sld [smem:$0x3FB2];
	_ =	sdelay $0x3  }
0x33: {  	p0 =	seq.s32 s10, $0x1;
	s10 =	sld [smem:$0x3FB4];
	_ =	sdelay $0x3  }
0x34: {  	[smem:$0x3FB4] =	sst s10  }
0x35: {  	s10 =	sld [smem:$0x3FB3];
	_ =	sdelay $0x3  }
0x36: {  	p1 =	seq.s32 s10, $0x1;
	s10 =	sld [smem:$0x3FB4];
	_ =	sdelay $0x3  }
0x37: {  	[smem:$0x3FB4] =	sst s10  }
0x38: {  	s10 =	sld [smem:$0x3FB5]  }
0x39: {  	_ = 	snop;
	(pc) =	sbr.ind lr, $3  }
0x3a: {  	_ = 	snop  }
0x3b: {  	_ = 	snop  }
0x3c: {  	p2 =	seq.s32 s10, $0x1;
	s10 =	sld [smem:$0x3FB4]  }
0x3d: {  	_ =	shalt  }
0x3e: {  	_ =	shalt  }
0x3f: {  	_ =	shalt  }
0x40: {  	_ =	shalt  }
0x41: {  	_ =	shalt  }
0x42: {  	_ =	shalt  }
0x43: {  	_ =	shalt  }
0x44: {  	_ =	shalt  }
0x45: {  	_ =	shalt  }
0x46: {  	_ =	shalt  }
0x47: {  	_ =	shalt  }
0x48: {  	_ =	shalt  }
0x49: {  	_ =	shalt  }
0x4a: {  	_ =	shalt  }
0x4b: {  	_ =	shalt  }
0x4c: {  	_ =	shalt  }
0x4d: {  	_ =	shalt  }
0x4e: {  	_ =	shalt  }
0x4f: {  	_ =	shalt  }
0x50: {  	_ =	shalt  }
0x51: {  	_ =	shalt  }
0x52: {  	_ =	shalt  }
0x53: {  	_ =	shalt  }
0x54: {  	_ =	shalt  }
0x55: {  	_ =	shalt  }
0x56: {  	_ =	shalt  }
0x57: {  	_ =	shalt  }
0x58: {  	_ =	shalt  }
0x59: {  	_ =	shalt  }
0x5a: {  	_ =	shalt  }
0x5b: {  	_ =	shalt  }
0x5c: {  	_ =	shalt  }
0x5d: {  	_ =	shalt  }
0x5e: {  	_ =	shalt  }
0x5f: {  	_ =	shalt  }
0x60: {  	_ =	shalt  }
0x61: {  	_ =	shalt  }
0x62: {  	_ =	shalt  }
0x63: {  	_ =	shalt  }
0x64: {  	_ =	shalt  }
0x65: {  	_ =	shalt  }
0x66: {  	_ =	shalt  }
0x67: {  	_ =	shalt  }
0x68: {  	_ =	shalt  }
0x69: {  	_ =	shalt  }
0x6a: {  	_ =	shalt  }
0x6b: {  	_ =	shalt  }
0x6c: {  	_ =	shalt  }
0x6d: {  	_ =	shalt  }
0x6e: {  	_ =	shalt  }
0x6f: {  	_ =	shalt  }
0x70: {  	_ =	shalt  }
0x71: {  	_ =	shalt  }
0x72: {  	_ =	shalt  }
0x73: {  	_ =	shalt  }
0x74: {  	_ =	shalt  }
0x75: {  	_ =	shalt  }
0x76: {  	_ =	shalt  }
0x77: {  	_ =	shalt  }
0x78: {  	_ =	shalt  }
0x79: {  	_ =	shalt  }
0x7a: {  	_ =	shalt  }
0x7b: {  	_ =	shalt  }
0x7c: {  	_ =	shalt  }
0x7d: {  	_ =	shalt  }
0x7e: {  	_ =	shalt  }
0x7f: {  	_ =	shalt  }
0x80: {  	_ =	shalt  }
0x81: {  	_ =	shalt  }
0x82: {  	_ =	shalt  }
0x83: {  	_ =	shalt  }
0x84: {  	_ =	shalt  }
0x85: {  	_ =	shalt  }
0x86: {  	_ =	shalt  }
0x87: {  	_ =	shalt  }
.Lfunc_end0:
.L_simem_size_0:
called_computation.1_lowered:
.L_overlay_start_0:
0x88: {  	s2 =	sld [smem:$0x3FD9]  }
0x89: {  	s3 =	sld [smem:$0x3FFE];
	_ =	sdelay $0x1  }
0x8a: {  	s1 =	srdreg.scid  }
0x8b: {  	s0 =	sand.u32 $0x1, s1  }
0x8c: {  	s17 =	sshll.u32 s0, $0xA;
	s2 =	sadd.s32 s3, s2  }
0x8d: {  	s2 =	sadd.s32 s2, s17  }
0x8e: {  	[smem:$0x3FC0] =	sst s2  }
0x8f: {  	_ = 	snop  }
0x90: {  	s2 =	sld [smem:$0x3FD0];
	(tm) =	ssettm $0x1  }
0x91: {  	s18 =	sld [smem:$0x3FFB];
	_ =	sdelay $0x3  }
0x92: {  	_ =	strace s18  }
0x93: {  	s3 =	sld [smem:$0x3FFC];
	_ =	sdelay $0x3  }
0x94: {  	_ =	strace s3  }
0x95: {  	s3 =	sld [smem:$0x3FFD];
	_ =	sdelay $0x3  }
0x96: {  	_ =	strace s3  }
0x97: {  	_ =	strace $0x8FFFFFFF  }
0x98: {  	s19 =	sld [smem:$0x3FDB];
	_ =	sdelay $0x1  }
0x99: {  	s4 =	simm.s32 $_scs_section_size  }
0x9a: {  	s5 =	simm.s32 $_size__tile_overlayer_lowered;
	s6 =	simm.s32 $_tile_overlayer_lowered  }
0x9b: {  	s22 =	simm.s32 $0x1BFF;
	s21 =	sshll.u32 s6, $0x1;
	s3 =	sadd.s32 s4, s19  }
0x9c: {  	s7 =	simm.s32 $0x0;
	s20 =	sshll.u32 s5, $0x1;
	s5 =	sadd.s32 s21, s3  }
0x9d: {  	[timem:s7], [sflag:s22] =	dma.local [hbm:s5], s20  }
0x9e: {  	_ =	swait.ge [sflag:s22], s20  }
0x9f: {  	s4 =	ssub.s32 $0x0, s20;
	[sflag:s22] =	ssyncset.done $0x0  }
0xa0: {  	[sflag:s22] =	ssyncadd.s32 s4;
	_ =	sdelay $0x1  }
0xa1: {  	s23 =	simm.s32 $0x1B8B  }
0xa2: {  	_ =	swait.ge [sflag:s23], $0x1  }
0xa3: {  	[sflag:s23] =	ssyncset.done $0x0  }
0xa4: {  	s25 =	simm.s32 $0x1B8E;
	s24 =	sld [smem:$0x3FFE];
	[sflag:s23] =	ssyncadd.s32 $0xFFFFFFFF  }
0xa5: {  	s26 =	simm.s32 $execute0_lowered;
	[smem:$0x3FD2] =	sst s25  }
0xa6: {  	s5 =	sshll.u32 s26, $0x1;
	_ =	strace $0x80000049;
	[dreg:$0x1] =	wrdreg $0xFFFFFFFF  }
0xa7: {  	s28 =	simm.s32 $_size_execute0_lowered;
	s3 =	sadd.s32 s3, s5;
	[dreg:$0x0] =	wrdreg $0x0  }
0xa8: {  	s5 =	sshll.u32 s28, $0x1;
	[dreg:$0x2] =	wrdreg s3  }
0xa9: {  	[dreg:$0x3] =	wrdreg s5  }
0xaa: {  	[dreg:$0x4] =	wrdreg $0xC0  }
0xab: {  	_ =	task [dreg:s7], $0x5FFFF  }
0xac: {  	[dreg:$0x1] =	wrdreg $0xFFFFFFFF  }
0xad: {  	[dreg:$0x0] =	wrdreg $0x60  }
0xae: {  	[dreg:$0x2] =	wrdreg s24  }
0xaf: {  	[dreg:$0x3] =	wrdreg s2  }
0xb0: {  	[dreg:$0x4] =	wrdreg $0x160000  }
0xb1: {  	[dreg:$0x5] =	wrdreg $0x9  }
0xb2: {  	_ =	task.clear_ibuf [dreg:s7], $0x6FFFF;
	_ =	strace $0x90000049  }
0xb3: {  	s29 =	simm.s32 $0x9;
	_ =	strace $0x8000004B  }
0xb4: {  	_ =	swait.ge [sflag:s29], $0x1  }
0xb5: {  	[sflag:s29] =	ssyncadd.s32 $0xFFFFFFFF  }
0xb6: {  	_ =	strace $0x9000004B  }
0xb7: {  	_ =	sfence  }
0xb8: {  	s30 =	sld [smem:$0x0];
	_ =	sdelay $0x2  }
0xb9: {  	s31 =	sshll.u32 s1, $0xD;
	s1 =	sshrl.u32 s1, $0x2  }
0xba: {  	s3 =	sand.u32 $0x4000, s31;
	s1 =	sadd.s32 s1, s30  }
0xbb: {  	s0 =	sor.u32 s3, s0;
	s1 =	sshll.u32 s1, $0x11  }
0xbc: {  	s0 =	sor.u32 s1, s0  }
0xbd: {  	s0 =	sadd.s32 $0x8F2B, s0  }
0xbe: {  	[sflag:s0] =	ssyncadd.remote.s32 $0x1  }
0xbf: {  	_ =	sfence.sel $0xFFFF  }
0xc0: {  	[dreg:$0x0] =	wrdreg $0xFFFFFFFF;
	(pc) =	sbr.abs _section_cstart, $3  }
0xc1: {  	[dreg:$0x1] =	wrdreg $0xFFFFFFFF  }
0xc2: {  	_ =	task.clear_ibuf [dreg:s7], $0x2FFFF;
	_ =	strace $0x9FFFFFFF  }
0xc3: {  	(tm) =	ssettm $0x7FFFFFFF  }
tec
execute0_lowered:
.L_overlay_start_1:
0x0: {  	(tag) =	ssettag $0x1  }
0x1: {  	s0 =	rddreg [dreg:$0x0]  }
0x2: {  	s1 =	srdreg.scid;
	s10 =	stileid.u32  }
0x3: {  	s3 =	rddreg [dreg:$0x2];
	s5 =	simm.s32 $0x0;
	s28 =	simm.s32 $0x80  }
0x4: {  	s29 =	simm.s32 $0xA000;
	s30 =	simm.s32 $0xC000;
	s2 =	smul.u32 $0x5000, s10  }
0x5: {  	s31 =	simm.s32 $0x7;
	s1 =	sand.u32 $0x1, s1;
	s8 =	smul.u32 $0x28000, s10  }
0x6: {  	[smem:$0x7FF] =	sst s5;
	s5 =	sadd.s32 $0x2CC00, s0;
	s10 =	smul.u32 $0x280, s10  }
0x7: {  	s6 =	sadd.s32 $0xF4C00, s0;
	s4 =	smul.u32 $0x50000, s1;
	s7 =	ssub.s32 $0x2, s1  }
0x8: {  	_ =	strace $0x8000004A;
	s1 =	smul.u32 $0x2800, s1;
	s9 =	sshrl.u32 s7, $0x1  }
0x9: {  	s21 =	sshrl.u32 s8, $0x2;
	s23 =	sadd.s32 $0x80, s10;
	s25 =	sadd.s32 $0x100, s10  }
0xa: {  	s26 =	sadd.s32 $0x180, s10;
	s15 =	sadd.s32 $0x200, s10;
	s4 =	sadd.s32 s2, s4  }
0xb: {  	s2 =	sshrl.u32 s2, $0x3;
	s7 =	ssub.s32 s7, s9;
	s22 =	sadd.s32 s21, s3  }
0xc: {  	s24 =	sshll.u32 s23, $0x6;
	s11 =	sshll.u32 s25, $0x6;
	s12 =	sshll.u32 s26, $0x6  }
0xd: {  	s10 =	sadd.s32 s10, s1;
	s16 =	sshll.u32 s15, $0x6;
	s8 =	sadd.s32 s1, s25  }
0xe: {  	s9 =	sadd.s32 s1, s26;
	s4 =	sshrl.u32 s4, $0x3;
	s2 =	sadd.s32 s2, s0  }
0xf: {  	[dreg:$0x6] =	wrdreg s22;
	s13 =	sadd.s32 s11, s3;
	s14 =	sadd.s32 s12, s3  }
0x10: {  	s10 =	sshll.u32 s10, $0x3;
	s11 =	sadd.s32 s16, s3;
	s19 =	sshll.u32 s8, $0x3  }
0x11: {  	s20 =	sshll.u32 s9, $0x3;
	s26 =	smax.u32 s7, $0x1;
	s7 =	simm.s32 $0x12000  }
0x12: {  	s16 =	simm.s32 $0x3;
	s12 =	simm.s32 $0x9E00;
	[dreg:$0x8] =	wrdreg s13  }
0x13: {  	s4 =	sadd.s32 s4, s0;
	s0 =	sadd.s32 $0xCCC00, s0;
	[dreg:$0x9] =	wrdreg s14  }
0x14: {  	s2 =	sadd.s32 $0xE000, s2;
	[dreg:$0xa] =	wrdreg s11;
	s17 =	sadd.s32 s6, s10  }
0x15: {  	s21 =	sadd.s32 s6, s19;
	s22 =	sadd.s32 s6, s20;
	[dreg:$0x15] =	wrdreg s26  }
0x16: {  	s26 =	simm.s32 $0x14000;
	s13 =	simm.s32 $0x2;
	[dreg:$0x5] =	wrdreg s2  }
0x17: {  	s14 =	simm.s32 $0x9E80;
	s4 =	sadd.s32 $0x18C00, s4;
	[dreg:$0xb] =	wrdreg s17  }
0x18: {  	s2 =	sadd.s32 s1, s23;
	s1 =	sadd.s32 s1, s15;
	[dreg:$0xd] =	wrdreg s21  }
0x19: {  	[dreg:$0xe] =	wrdreg s22;
	s23 =	sadd.s32 s0, s10;
	s25 =	sadd.s32 s0, s20  }
0x1a: {  	s20 =	simm.s32 $0x8;
	s22 =	simm.s32 $0x5;
	[dreg:$0x4] =	wrdreg s4  }
0x1b: {  	s15 =	simm.s32 $0x6;
	s21 =	simm.s32 $0xB;
	[dreg:$0x10] =	wrdreg s23  }
0x1c: {  	s17 =	simm.s32 $0x0;
	s4 =	sadd.s32 s24, s3;
	[dreg:$0x13] =	wrdreg s25  }
0x1d: {  	s2 =	sshll.u32 s2, $0x3;
	s24 =	sadd.s32 s0, s19;
	[dreg:$0x7] =	wrdreg s4  }
0x1e: {  	s1 =	sshll.u32 s1, $0x3;
	s18 =	sadd.s32 s6, s2;
	[dreg:$0x12] =	wrdreg s24  }
0x1f: {  	s19 =	simm.s32 $0x4;
	s6 =	sadd.s32 s6, s1;
	[dreg:$0xc] =	wrdreg s18  }
0x20: {  	s23 =	simm.s32 $0x9;
	s2 =	sadd.s32 s0, s2;
	[dreg:$0xf] =	wrdreg s6  }
0x21: {  	s0 =	sadd.s32 s0, s1;
	s24 =	simm.s32 $0xD;
	[dreg:$0x11] =	wrdreg s2  }
0x22: {  	s1 =	simm.s32 $0xE000;
	s4 =	simm.s32 $0x1;
	[dreg:$0x14] =	wrdreg s0  }
0x23: {  	s2 =	simm.s32 $0x10000;
	s18 =	simm.s32 $0xA;
	s6 =	simm.s32 $0xC  }
.LBB2_1:
0x24: {  	s0 =	simm.s32 $0x0;
	s8 =	rddreg [dreg:$0x4]  }
0x25: {  	[tilespmem:s0], [sflag:$0xD] =	stream.linear.gather [hbm4b:s8+s0], $0x5000, $0x38;
	v63 =	vld [tilespmem:$0x0]  }
0x26: {  	_ =	swait.ge [sflag:s24], $0x5000  }
0x27: {  	[sflag:s24] =	ssyncset.done $0x0  }
0x28: {  	s9 =	simm.s32 $0x5000;
	s25 =	rddreg [dreg:$0x5];
	[sflag:s24] =	ssyncadd.s32 $0xFFFFB000  }
0x29: {  	[tilespmem:s9], [sflag:$0xD] =	stream.linear.gather [hbm4b:s25+s0], $0x5000, $0x38;
	v63 =	vld [tilespmem:$0x0]  }
0x2a: {  	_ =	swait.ge [sflag:s24], $0x5000  }
0x2b: {  	[sflag:s24] =	ssyncset.done $0x0  }
0x2c: {  	s0 =	simm.s32 $0x0;
	[sflag:s24] =	ssyncadd.s32 $0xFFFFB000  }
0x2d: {  	v2 =	vld [tilespmem:s0+$0x0]  }
0x2e: {  	v4 =	vld [tilespmem:s0+$0x10]  }
0x2f: {  	v3 =	vld [tilespmem:s0+$0x20]  }
0x30: {  	v1 =	vld [tilespmem:s0+$0x30]  }
0x31: {  	v0 =	vld [tilespmem:s0+$0x40]  }
0x32: {  	v5 =	vshll.u32 v2, $0x1;
	v2 =	vld [tilespmem:s0+$0x50]  }
0x33: {  	s8 =	simm.s32 $0x200;
	[tilespmem:s0+$0x0] =	vst v5;
	v5 =	vshll.u32 v4, $0x1;
	v4 =	vld [tilespmem:s0+$0x60]  }
.LBB2_2:
0x34: {  	s9 =	sshra.s32 s8, $0x2;
	p0 =	sne.s32 s8, $0x13E00;
	[tilespmem:s0+$0x10] =	vst v5;
	v3 =	vshll.u32 v3, $0x1;
	v5 =	vld [tilespmem:s0+$0x70]  }
0x35: {  	v6 =	vld [tilespmem:s9+$0x0];
	[tilespmem:s0+$0x20] =	vst v3;
	v1 =	vshll.u32 v1, $0x1  }
0x36: {  	v7 =	vld [tilespmem:s9+$0x10];
	[tilespmem:s0+$0x30] =	vst v1;
	v0 =	vshll.u32 v0, $0x1  }
.Ltmp0:
0x37: {  	v3 =	vld [tilespmem:s9+$0x20];
	[tilespmem:s0+$0x40] =	vst v0;
	v0 =	vshll.u32 v2, $0x1;
	(pc) =	sbr.rel @p0 .LBB2_2-.Ltmp0, $4  }
0x38: {  	v1 =	vld [tilespmem:s9+$0x30];
	[tilespmem:s0+$0x50] =	vst v0;
	v2 =	vshll.u32 v4, $0x1  }
0x39: {  	v0 =	vld [tilespmem:s9+$0x40];
	[tilespmem:s0+$0x60] =	vst v2;
	v4 =	vshll.u32 v5, $0x1  }
0x3a: {  	v5 =	vshll.u32 v6, $0x1;
	v2 =	vld [tilespmem:s9+$0x50];
	[tilespmem:s0+$0x70] =	vst v4;
	s0 =	smov.u32 s9  }
0x3b: {  	s8 =	sadd.s32 $0x200, s8;
	[tilespmem:s0+$0x0] =	vst v5;
	v5 =	vshll.u32 v7, $0x1;
	v4 =	vld [tilespmem:s0+$0x60]  }
0x3c: {  	[tilespmem:s0+$0x10] =	vst v5;
	v3 =	vshll.u32 v3, $0x1;
	v59 =	vld [tilespmem:s0+$0x70]  }
0x3d: {  	[tilespmem:s0+$0x20] =	vst v3;
	v1 =	vshll.u32 v1, $0x1  }
0x3e: {  	[tilespmem:s0+$0x30] =	vst v1;
	v0 =	vshll.u32 v0, $0x1  }
0x3f: {  	[tilespmem:s0+$0x40] =	vst v0;
	v60 =	vshll.u32 v2, $0x1  }
0x40: {  	[tilespmem:s0+$0x50] =	vst v60;
	v61 =	vshll.u32 v4, $0x1  }
0x41: {  	[tilespmem:s0+$0x60] =	vst v61;
	v62 =	vshll.u32 v59, $0x1  }
0x42: {  	s8 =	rddreg [dreg:$0x1];
	[tilespmem:s0+$0x70] =	vst v62;
	s0 =	simm.s32 $0x0  }
0x43: {  	[tilespmem:s26], [sflag:$0xD] =	stream.linear.gather [hbm4b:s8+s0], $0x2000, $0x38;
	v63 =	vld [tilespmem:$0x0]  }
0x44: {  	_ =	swait.ge [sflag:s24], $0x2000  }
0x45: {  	[sflag:s24] =	ssyncset.done $0x0  }
0x46: {  	s25 =	rddreg [dreg:$0x6];
	[sflag:s24] =	ssyncadd.s32 $0xFFFFE000  }
0x47: {  	[spmem:s25] =	stream.linear.scatter [tilespmem:s26], [sflag:$0xD], $0x2000, $0x38;
	v63 =	vld [tilespmem:$0x0]  }
0x48: {  	_ =	swait.ge [sflag:s24], $0x2000  }
0x49: {  	[sflag:s24] =	ssyncset.done $0x0  }
0x4a: {  	s9 =	rddreg [dreg:$0x7];
	[sflag:s24] =	ssyncadd.s32 $0xFFFFE000  }
0x4b: {  	[spmem:s9] =	stream.linear.scatter [tilespmem:s26], [sflag:$0xD], $0x2000, $0x38;
	v63 =	vld [tilespmem:$0x0]  }
0x4c: {  	_ =	swait.ge [sflag:s24], $0x2000  }
0x4d: {  	[sflag:s24] =	ssyncset.done $0x0  }
0x4e: {  	s10 =	rddreg [dreg:$0x8];
	[sflag:s24] =	ssyncadd.s32 $0xFFFFE000  }
0x4f: {  	[spmem:s10] =	stream.linear.scatter [tilespmem:s26], [sflag:$0xD], $0x2000, $0x38;
	v63 =	vld [tilespmem:$0x0]  }
0x50: {  	_ =	swait.ge [sflag:s24], $0x2000  }
0x51: {  	[sflag:s24] =	ssyncset.done $0x0  }
0x52: {  	s11 =	rddreg [dreg:$0x9];
	[sflag:s24] =	ssyncadd.s32 $0xFFFFE000  }
0x53: {  	[spmem:s11] =	stream.linear.scatter [tilespmem:s26], [sflag:$0xD], $0x2000, $0x38;
	v63 =	vld [tilespmem:$0x0]  }
0x54: {  	_ =	swait.ge [sflag:s24], $0x2000  }
0x55: {  	[sflag:s24] =	ssyncset.done $0x0  }
0x56: {  	s25 =	rddreg [dreg:$0xa];
	[sflag:s24] =	ssyncadd.s32 $0xFFFFE000  }
0x57: {  	[spmem:s25] =	stream.linear.scatter [tilespmem:s26], [sflag:$0xD], $0x2000, $0x38;
	v63 =	vld [tilespmem:$0x0]  }
0x58: {  	_ =	swait.ge [sflag:s24], $0x2000  }
0x59: {  	[sflag:s24] =	ssyncset.done $0x0  }
0x5a: {  	[sflag:s24] =	ssyncadd.s32 $0xFFFFE000  }
0x5b: {  	[bflag:$0x0] =	sbarrier.arrive $0xFFFF  }
0x5c: {  	[tilespmem:s29], [sflag:$0x1] =	stream.indirect.gather [hbm4b:s5+s28], $0x40, s0, s28, $0xb8;
	v63 =	vld [tilespmem:$0x0]  }
0x5d: {  	_ = 	snop  }
0x5e: {  	[tilespmem:s30], [sflag:$0x2] =	stream.indirect.gather [hbm4b:s5+s28], $0x40, s28, s28, $0xb8;
	v63 =	vld [tilespmem:$0x0]  }
0x5f: {  	s8 =	simm.s32 $0x100  }
0x60: {  	[tilespmem:s1], [sflag:$0x3] =	stream.indirect.gather [hbm4b:s5+s28], $0x40, s8, s28, $0xb8;
	v63 =	vld [tilespmem:$0x0]  }
0x61: {  	s9 =	simm.s32 $0x180  }
0x62: {  	[tilespmem:s2], [sflag:$0x4] =	stream.indirect.gather [hbm4b:s5+s28], $0x40, s9, s28, $0xb8;
	v63 =	vld [tilespmem:$0x0]  }
0x63: {  	_ =	swait.ge [sflag:s4], $0x2000  }
0x64: {  	[sflag:s4] =	ssyncset.done $0x0  }
0x65: {  	s10 =	simm.s32 $0x5000;
	[sflag:s4] =	ssyncadd.s32 $0xFFFFE000  }
0x66: {  	[spmem:s3] =	stream.indirect.scatter.add.f32 [tilespmem:s29], [sflag:$0x7], $0x40, s10, s28, $0xb8;
	v63 =	vld [tilespmem:$0x0]  }
0x67: {  	s11 =	simm.s32 $0x200  }
0x68: {  	[tilespmem:s7], [sflag:$0x5] =	stream.indirect.gather [hbm4b:s5+s28], $0x40, s11, s28, $0xb8;
	v63 =	vld [tilespmem:$0x0]  }
0x69: {  	_ =	swait.ge [sflag:s13], $0x2000  }
0x6a: {  	[sflag:s13] =	ssyncset.done $0x0  }
0x6b: {  	s25 =	simm.s32 $0x5080;
	[sflag:s13] =	ssyncadd.s32 $0xFFFFE000  }
0x6c: {  	[spmem:s3] =	stream.indirect.scatter.add.f32 [tilespmem:s30], [sflag:$0x8], $0x40, s25, s28, $0xb8;
	v63 =	vld [tilespmem:$0x0]  }
0x6d: {  	s8 =	simm.s32 $0x280  }
0x6e: {  	[tilespmem:s26], [sflag:$0x6] =	stream.indirect.gather [hbm4b:s5+s28], $0x40, s8, s28, $0xb8;
	v63 =	vld [tilespmem:$0x0]  }
0x6f: {  	_ =	swait.ge [sflag:s16], $0x2000  }
0x70: {  	[sflag:s16] =	ssyncset.done $0x0  }
0x71: {  	s9 =	simm.s32 $0x5100;
	[sflag:s16] =	ssyncadd.s32 $0xFFFFE000  }
0x72: {  	[spmem:s3] =	stream.indirect.scatter.add.f32 [tilespmem:s1], [sflag:$0x9], $0x40, s9, s28, $0xb8;
	v63 =	vld [tilespmem:$0x0]  }
0x73: {  	_ =	swait.ge [sflag:s31], $0x2000  }
0x74: {  	[sflag:s31] =	ssyncset.done $0x0  }
0x75: {  	s10 =	simm.s32 $0x300;
	[sflag:s31] =	ssyncadd.s32 $0xFFFFE000  }
0x76: {  	[tilespmem:s29], [sflag:$0x1] =	stream.indirect.gather [hbm4b:s5+s28], $0x40, s10, s28, $0xb8;
	v63 =	vld [tilespmem:$0x0]  }
0x77: {  	_ =	swait.ge [sflag:s19], $0x2000  }
0x78: {  	[sflag:s19] =	ssyncset.done $0x0  }
0x79: {  	s11 =	simm.s32 $0x5180;
	[sflag:s19] =	ssyncadd.s32 $0xFFFFE000  }
0x7a: {  	[spmem:s3] =	stream.indirect.scatter.add.f32 [tilespmem:s2], [sflag:$0xA], $0x40, s11, s28, $0xb8;
	v63 =	vld [tilespmem:$0x0]  }
0x7b: {  	_ =	swait.ge [sflag:s20], $0x2000  }
0x7c: {  	[sflag:s20] =	ssyncset.done $0x0  }
0x7d: {  	s25 =	simm.s32 $0x380;
	[sflag:s20] =	ssyncadd.s32 $0xFFFFE000  }
0x7e: {  	[tilespmem:s30], [sflag:$0x2] =	stream.indirect.gather [hbm4b:s5+s28], $0x40, s25, s28, $0xb8;
	v63 =	vld [tilespmem:$0x0]  }
0x7f: {  	_ =	swait.ge [sflag:s22], $0x2000  }
0x80: {  	[sflag:s22] =	ssyncset.done $0x0  }
0x81: {  	s8 =	simm.s32 $0x5200;
	[sflag:s22] =	ssyncadd.s32 $0xFFFFE000  }
0x82: {  	[spmem:s3] =	stream.indirect.scatter.add.f32 [tilespmem:s7], [sflag:$0xB], $0x40, s8, s28, $0xb8;
	v63 =	vld [tilespmem:$0x0]  }
0x83: {  	_ =	swait.ge [sflag:s23], $0x2000  }
0x84: {  	[sflag:s23] =	ssyncset.done $0x0  }
0x85: {  	s9 =	simm.s32 $0x400;
	[sflag:s23] =	ssyncadd.s32 $0xFFFFE000  }
0x86: {  	[tilespmem:s1], [sflag:$0x3] =	stream.indirect.gather [hbm4b:s5+s28], $0x40, s9, s28, $0xb8;
	v63 =	vld [tilespmem:$0x0]  }
0x87: {  	_ =	swait.ge [sflag:s15], $0x2000  }
0x88: {  	[sflag:s15] =	ssyncset.done $0x0  }
0x89: {  	s10 =	simm.s32 $0x5280;
	[sflag:s15] =	ssyncadd.s32 $0xFFFFE000  }
0x8a: {  	[spmem:s3] =	stream.indirect.scatter.add.f32 [tilespmem:s26], [sflag:$0xC], $0x40, s10, s28, $0xb8;
	v63 =	vld [tilespmem:$0x0]  }
0x8b: {  	_ =	swait.ge [sflag:s18], $0x2000  }
0x8c: {  	[sflag:s18] =	ssyncset.done $0x0  }
0x8d: {  	s11 =	simm.s32 $0x480;
	[sflag:s18] =	ssyncadd.s32 $0xFFFFE000  }
0x8e: {  	[tilespmem:s2], [sflag:$0x4] =	stream.indirect.gather [hbm4b:s5+s28], $0x40, s11, s28, $0xb8;
	v63 =	vld [tilespmem:$0x0]  }
0x8f: {  	_ =	swait.ge [sflag:s4], $0x2000  }
0x90: {  	[sflag:s4] =	ssyncset.done $0x0  }
0x91: {  	s25 =	simm.s32 $0x5300;
	[sflag:s4] =	ssyncadd.s32 $0xFFFFE000  }
0x92: {  	[spmem:s3] =	stream.indirect.scatter.add.f32 [tilespmem:s29], [sflag:$0x7], $0x40, s25, s28, $0xb8;
	v63 =	vld [tilespmem:$0x0]  }
0x93: {  	_ =	swait.ge [sflag:s21], $0x2000  }
0x94: {  	[sflag:s21] =	ssyncset.done $0x0  }
0x95: {  	s8 =	simm.s32 $0x500;
	[sflag:s21] =	ssyncadd.s32 $0xFFFFE000  }
0x96: {  	[tilespmem:s7], [sflag:$0x5] =	stream.indirect.gather [hbm4b:s5+s28], $0x40, s8, s28, $0xb8;
	v63 =	vld [tilespmem:$0x0]  }
0x97: {  	_ =	swait.ge [sflag:s13], $0x2000  }
0x98: {  	[sflag:s13] =	ssyncset.done $0x0  }
0x99: {  	s9 =	simm.s32 $0x5380;
	[sflag:s13] =	ssyncadd.s32 $0xFFFFE000  }
0x9a: {  	[spmem:s3] =	stream.indirect.scatter.add.f32 [tilespmem:s30], [sflag:$0x8], $0x40, s9, s28, $0xb8;
	v63 =	vld [tilespmem:$0x0]  }
0x9b: {  	_ =	swait.ge [sflag:s6], $0x2000  }
0x9c: {  	[sflag:s6] =	ssyncset.done $0x0  }
0x9d: {  	s10 =	simm.s32 $0x580;
	[sflag:s6] =	ssyncadd.s32 $0xFFFFE000  }
0x9e: {  	[tilespmem:s26], [sflag:$0x6] =	stream.indirect.gather [hbm4b:s5+s28], $0x40, s10, s28, $0xb8;
	v63 =	vld [tilespmem:$0x0]  }
0x9f: {  	_ =	swait.ge [sflag:s16], $0x2000  }
0xa0: {  	[sflag:s16] =	ssyncset.done $0x0  }
0xa1: {  	s11 =	simm.s32 $0x5400;
	[sflag:s16] =	ssyncadd.s32 $0xFFFFE000  }
0xa2: {  	[spmem:s3] =	stream.indirect.scatter.add.f32 [tilespmem:s1], [sflag:$0x9], $0x40, s11, s28, $0xb8;
	v63 =	vld [tilespmem:$0x0]  }
0xa3: {  	_ =	swait.ge [sflag:s31], $0x2000  }
0xa4: {  	[sflag:s31] =	ssyncset.done $0x0  }
0xa5: {  	s25 =	simm.s32 $0x600;
	[sflag:s31] =	ssyncadd.s32 $0xFFFFE000  }
0xa6: {  	[tilespmem:s29], [sflag:$0x1] =	stream.indirect.gather [hbm4b:s5+s28], $0x40, s25, s28, $0xb8;
	v63 =	vld [tilespmem:$0x0]  }
0xa7: {  	_ =	swait.ge [sflag:s19], $0x2000  }
0xa8: {  	[sflag:s19] =	ssyncset.done $0x0  }
0xa9: {  	s8 =	simm.s32 $0x5480;
	[sflag:s19] =	ssyncadd.s32 $0xFFFFE000  }
0xaa: {  	[spmem:s3] =	stream.indirect.scatter.add.f32 [tilespmem:s2], [sflag:$0xA], $0x40, s8, s28, $0xb8;
	v63 =	vld [tilespmem:$0x0]  }
0xab: {  	_ =	swait.ge [sflag:s20], $0x2000  }
0xac: {  	[sflag:s20] =	ssyncset.done $0x0  }
0xad: {  	s9 =	simm.s32 $0x680;
	[sflag:s20] =	ssyncadd.s32 $0xFFFFE000  }
0xae: {  	[tilespmem:s30], [sflag:$0x2] =	stream.indirect.gather [hbm4b:s5+s28], $0x40, s9, s28, $0xb8;
	v63 =	vld [tilespmem:$0x0]  }
0xaf: {  	_ =	swait.ge [sflag:s22], $0x2000  }
0xb0: {  	[sflag:s22] =	ssyncset.done $0x0  }
0xb1: {  	s10 =	simm.s32 $0x5500;
	[sflag:s22] =	ssyncadd.s32 $0xFFFFE000  }
0xb2: {  	[spmem:s3] =	stream.indirect.scatter.add.f32 [tilespmem:s7], [sflag:$0xB], $0x40, s10, s28, $0xb8;
	v63 =	vld [tilespmem:$0x0]  }
0xb3: {  	_ =	swait.ge [sflag:s23], $0x2000  }
0xb4: {  	[sflag:s23] =	ssyncset.done $0x0  }
0xb5: {  	s11 =	simm.s32 $0x700;
	[sflag:s23] =	ssyncadd.s32 $0xFFFFE000  }
0xb6: {  	[tilespmem:s1], [sflag:$0x3] =	stream.indirect.gather [hbm4b:s5+s28], $0x40, s11, s28, $0xb8;
	v63 =	vld [tilespmem:$0x0]  }
0xb7: {  	_ =	swait.ge [sflag:s15], $0x2000  }
0xb8: {  	[sflag:s15] =	ssyncset.done $0x0  }
0xb9: {  	s25 =	simm.s32 $0x5580;
	[sflag:s15] =	ssyncadd.s32 $0xFFFFE000  }
0xba: {  	[spmem:s3] =	stream.indirect.scatter.add.f32 [tilespmem:s26], [sflag:$0xC], $0x40, s25, s28, $0xb8;
	v63 =	vld [tilespmem:$0x0]  }
0xbb: {  	_ =	swait.ge [sflag:s18], $0x2000  }
0xbc: {  	[sflag:s18] =	ssyncset.done $0x0  }
0xbd: {  	s0 =	simm.s32 $0xC00;
	s8 =	simm.s32 $0x780;
	[sflag:s18] =	ssyncadd.s32 $0xFFFFE000  }
.LBB2_4:
0xbe: {  	[tilespmem:s2], [sflag:$0x4] =	stream.indirect.gather [hbm4b:s5+s28], $0x40, s8, s28, $0xb8;
	v63 =	vld [tilespmem:$0x0]  }
0xbf: {  	s8 =	smov.u32 s0  }
0xc0: {  	p0 =	sne.s32 s0, $0x12000;
	s0 =	sadd.s32 $0xC00, s0;
	_ =	swait.ge [sflag:s4], $0x2000  }
0xc1: {  	s8 =	sshra.s32 s8, $0x2;
	[sflag:s4] =	ssyncset.done $0x0  }
0xc2: {  	s9 =	sadd.s32 $0x5300, s8;
	[sflag:s4] =	ssyncadd.s32 $0xFFFFE000  }
0xc3: {  	[spmem:s3] =	stream.indirect.scatter.add.f32 [tilespmem:s29], [sflag:$0x7], $0x40, s9, s28, $0xb8;
	v63 =	vld [tilespmem:$0x0]  }
0xc4: {  	_ =	swait.ge [sflag:s21], $0x2000  }
0xc5: {  	[sflag:s21] =	ssyncset.done $0x0  }
0xc6: {  	s9 =	sadd.s32 $0x500, s8;
	[sflag:s21] =	ssyncadd.s32 $0xFFFFE000  }
0xc7: {  	[tilespmem:s7], [sflag:$0x5] =	stream.indirect.gather [hbm4b:s5+s28], $0x40, s9, s28, $0xb8;
	v63 =	vld [tilespmem:$0x0]  }
0xc8: {  	_ =	swait.ge [sflag:s13], $0x2000  }
0xc9: {  	[sflag:s13] =	ssyncset.done $0x0  }
0xca: {  	s9 =	sadd.s32 $0x5380, s8;
	[sflag:s13] =	ssyncadd.s32 $0xFFFFE000  }
0xcb: {  	[spmem:s3] =	stream.indirect.scatter.add.f32 [tilespmem:s30], [sflag:$0x8], $0x40, s9, s28, $0xb8;
	v63 =	vld [tilespmem:$0x0]  }
0xcc: {  	_ =	swait.ge [sflag:s6], $0x2000  }
0xcd: {  	[sflag:s6] =	ssyncset.done $0x0  }
0xce: {  	s9 =	sadd.s32 $0x580, s8;
	[sflag:s6] =	ssyncadd.s32 $0xFFFFE000  }
0xcf: {  	[tilespmem:s26], [sflag:$0x6] =	stream.indirect.gather [hbm4b:s5+s28], $0x40, s9, s28, $0xb8;
	v63 =	vld [tilespmem:$0x0]  }
0xd0: {  	_ =	swait.ge [sflag:s16], $0x2000  }
0xd1: {  	[sflag:s16] =	ssyncset.done $0x0  }
0xd2: {  	s9 =	sadd.s32 $0x5400, s8;
	[sflag:s16] =	ssyncadd.s32 $0xFFFFE000  }
0xd3: {  	[spmem:s3] =	stream.indirect.scatter.add.f32 [tilespmem:s1], [sflag:$0x9], $0x40, s9, s28, $0xb8;
	v63 =	vld [tilespmem:$0x0]  }
0xd4: {  	_ =	swait.ge [sflag:s31], $0x2000  }
0xd5: {  	[sflag:s31] =	ssyncset.done $0x0  }
0xd6: {  	s9 =	sadd.s32 $0x600, s8;
	[sflag:s31] =	ssyncadd.s32 $0xFFFFE000  }
0xd7: {  	[tilespmem:s29], [sflag:$0x1] =	stream.indirect.gather [hbm4b:s5+s28], $0x40, s9, s28, $0xb8;
	v63 =	vld [tilespmem:$0x0]  }
0xd8: {  	_ =	swait.ge [sflag:s19], $0x2000  }
0xd9: {  	[sflag:s19] =	ssyncset.done $0x0  }
0xda: {  	s9 =	sadd.s32 $0x5480, s8;
	[sflag:s19] =	ssyncadd.s32 $0xFFFFE000  }
0xdb: {  	[spmem:s3] =	stream.indirect.scatter.add.f32 [tilespmem:s2], [sflag:$0xA], $0x40, s9, s28, $0xb8;
	v63 =	vld [tilespmem:$0x0]  }
0xdc: {  	_ =	swait.ge [sflag:s20], $0x2000  }
0xdd: {  	[sflag:s20] =	ssyncset.done $0x0  }
0xde: {  	s9 =	sadd.s32 $0x680, s8;
	[sflag:s20] =	ssyncadd.s32 $0xFFFFE000  }
0xdf: {  	[tilespmem:s30], [sflag:$0x2] =	stream.indirect.gather [hbm4b:s5+s28], $0x40, s9, s28, $0xb8;
	v63 =	vld [tilespmem:$0x0]  }
0xe0: {  	_ =	swait.ge [sflag:s22], $0x2000  }
0xe1: {  	[sflag:s22] =	ssyncset.done $0x0  }
0xe2: {  	s9 =	sadd.s32 $0x5500, s8;
	[sflag:s22] =	ssyncadd.s32 $0xFFFFE000  }
0xe3: {  	[spmem:s3] =	stream.indirect.scatter.add.f32 [tilespmem:s7], [sflag:$0xB], $0x40, s9, s28, $0xb8;
	v63 =	vld [tilespmem:$0x0]  }
0xe4: {  	_ =	swait.ge [sflag:s23], $0x2000  }
0xe5: {  	[sflag:s23] =	ssyncset.done $0x0  }
0xe6: {  	s9 =	sadd.s32 $0x700, s8;
	[sflag:s23] =	ssyncadd.s32 $0xFFFFE000  }
0xe7: {  	[tilespmem:s1], [sflag:$0x3] =	stream.indirect.gather [hbm4b:s5+s28], $0x40, s9, s28, $0xb8;
	v63 =	vld [tilespmem:$0x0]  }
0xe8: {  	_ =	swait.ge [sflag:s15], $0x2000  }
0xe9: {  	[sflag:s15] =	ssyncset.done $0x0  }
.Ltmp1:
0xea: {  	s9 =	sadd.s32 $0x5580, s8;
	[sflag:s15] =	ssyncadd.s32 $0xFFFFE000;
	(pc) =	sbr.rel @p0 .LBB2_4-.Ltmp1, $4  }
0xeb: {  	[spmem:s3] =	stream.indirect.scatter.add.f32 [tilespmem:s26], [sflag:$0xC], $0x40, s9, s28, $0xb8;
	v63 =	vld [tilespmem:$0x0]  }
0xec: {  	_ =	swait.ge [sflag:s18], $0x2000  }
0xed: {  	[sflag:s18] =	ssyncset.done $0x0  }
0xee: {  	s8 =	sadd.s32 $0x780, s8;
	[sflag:s18] =	ssyncadd.s32 $0xFFFFE000  }
0xef: {  	[tilespmem:s2], [sflag:$0x4] =	stream.indirect.gather [hbm4b:s5+s28], $0x40, s8, s28, $0xb8;
	v63 =	vld [tilespmem:$0x0]  }
0xf0: {  	_ =	swait.ge [sflag:s4], $0x2000  }
0xf1: {  	[sflag:s4] =	ssyncset.done $0x0  }
0xf2: {  	[sflag:s4] =	ssyncadd.s32 $0xFFFFE000  }
0xf3: {  	[spmem:s3] =	stream.indirect.scatter.add.f32 [tilespmem:s29], [sflag:$0x7], $0x40, s12, s28, $0xb8;
	v63 =	vld [tilespmem:$0x0]  }
0xf4: {  	_ =	swait.ge [sflag:s21], $0x2000  }
0xf5: {  	[sflag:s21] =	ssyncset.done $0x0  }
0xf6: {  	[sflag:s21] =	ssyncadd.s32 $0xFFFFE000  }
0xf7: {  	_ =	swait.ge [sflag:s13], $0x2000  }
0xf8: {  	[sflag:s13] =	ssyncset.done $0x0  }
0xf9: {  	[sflag:s13] =	ssyncadd.s32 $0xFFFFE000  }
0xfa: {  	[spmem:s3] =	stream.indirect.scatter.add.f32 [tilespmem:s30], [sflag:$0x8], $0x40, s14, s28, $0xb8;
	v63 =	vld [tilespmem:$0x0]  }
0xfb: {  	_ =	swait.ge [sflag:s6], $0x2000  }
0xfc: {  	[sflag:s6] =	ssyncset.done $0x0  }
0xfd: {  	[sflag:s6] =	ssyncadd.s32 $0xFFFFE000  }
0xfe: {  	_ =	swait.ge [sflag:s16], $0x2000  }
0xff: {  	[sflag:s16] =	ssyncset.done $0x0  }
0x100: {  	s0 =	simm.s32 $0x9F00;
	[sflag:s16] =	ssyncadd.s32 $0xFFFFE000  }
0x101: {  	[spmem:s3] =	stream.indirect.scatter.add.f32 [tilespmem:s1], [sflag:$0x9], $0x40, s0, s28, $0xb8;
	v63 =	vld [tilespmem:$0x0]  }
0x102: {  	_ =	swait.ge [sflag:s31], $0x2000  }
0x103: {  	[sflag:s31] =	ssyncset.done $0x0  }
0x104: {  	[sflag:s31] =	ssyncadd.s32 $0xFFFFE000  }
0x105: {  	_ =	swait.ge [sflag:s19], $0x2000  }
0x106: {  	[sflag:s19] =	ssyncset.done $0x0  }
0x107: {  	s10 =	simm.s32 $0x9F80;
	[sflag:s19] =	ssyncadd.s32 $0xFFFFE000  }
0x108: {  	[spmem:s3] =	stream.indirect.scatter.add.f32 [tilespmem:s2], [sflag:$0xA], $0x40, s10, s28, $0xb8;
	v63 =	vld [tilespmem:$0x0]  }
0x109: {  	_ =	swait.ge [sflag:s20], $0x2000  }
0x10a: {  	[sflag:s20] =	ssyncset.done $0x0  }
0x10b: {  	[sflag:s20] =	ssyncadd.s32 $0xFFFFE000  }
0x10c: {  	_ =	swait.ge [sflag:s23], $0x2000  }
0x10d: {  	[sflag:s23] =	ssyncset.done $0x0  }
0x10e: {  	[sflag:s23] =	ssyncadd.s32 $0xFFFFE000  }
0x10f: {  	_ =	swait.ge [sflag:s18], $0x2000  }
0x110: {  	[sflag:s18] =	ssyncset.done $0x0  }
0x111: {  	[sflag:s18] =	ssyncadd.s32 $0xFFFFE000  }
0x112: {  	[bflag:$0x0] =	sbarrier.arrive $0xFFFF  }
0x113: {  	s11 =	stileid.u32;
	s12 =	rddreg [dreg:$0x6]  }
0x114: {  	s0 =	sshll.u32 s11, $0x6;
	s14 =	rddreg [dreg:$0xb];
	s9 =	sshrl.u32 s12, $0x3  }
0x115: {  	s0 =	sor.u32 $0x1C0D, s0;
	[dreg:$0x16] =	wrdreg s9  }
0x116: {  	[hbm:s14], [sflag:s0] =	dma.local [spmem:s9], $0x400  }
0x117: {  	_ =	swait.ge [sflag:s24], $0x400  }
0x118: {  	s25 =	rddreg [dreg:$0x7]  }
0x119: {  	[sflag:s24] =	ssyncset.done $0x0;
	s10 =	rddreg [dreg:$0xc];
	s8 =	sshrl.u32 s25, $0x3  }
0x11a: {  	[sflag:s24] =	ssyncadd.s32 $0xFFFFFC00;
	[dreg:$0x17] =	wrdreg s8  }
0x11b: {  	[hbm:s10], [sflag:s0] =	dma.local [spmem:s8], $0x400  }
0x11c: {  	_ =	swait.ge [sflag:s24], $0x400  }
0x11d: {  	[sflag:s24] =	ssyncset.done $0x0;
	s11 =	rddreg [dreg:$0x8]  }
0x11e: {  	s12 =	rddreg [dreg:$0xd];
	[sflag:s24] =	ssyncadd.s32 $0xFFFFFC00;
	s8 =	sshrl.u32 s11, $0x3  }
0x11f: {  	[hbm:s12], [sflag:s0] =	dma.local [spmem:s8], $0x400  }
0x120: {  	_ =	swait.ge [sflag:s24], $0x400  }
0x121: {  	[sflag:s24] =	ssyncset.done $0x0;
	s14 =	rddreg [dreg:$0x9]  }
0x122: {  	s10 =	rddreg [dreg:$0xe];
	[sflag:s24] =	ssyncadd.s32 $0xFFFFFC00;
	s9 =	sshrl.u32 s14, $0x3  }
0x123: {  	[hbm:s10], [sflag:s0] =	dma.local [spmem:s9], $0x400  }
0x124: {  	_ =	swait.ge [sflag:s24], $0x400  }
0x125: {  	[sflag:s24] =	ssyncset.done $0x0;
	s25 =	rddreg [dreg:$0xa]  }
0x126: {  	s11 =	rddreg [dreg:$0xf];
	[sflag:s24] =	ssyncadd.s32 $0xFFFFFC00;
	s10 =	sshrl.u32 s25, $0x3  }
0x127: {  	[hbm:s11], [sflag:s0] =	dma.local [spmem:s10], $0x400  }
0x128: {  	_ =	swait.ge [sflag:s24], $0x400  }
0x129: {  	[sflag:s24] =	ssyncset.done $0x0  }
0x12a: {  	s11 =	simm.s32 $0x0;
	[sflag:s24] =	ssyncadd.s32 $0xFFFFFC00  }
0x12b: {  	v2 =	vld [tilespmem:s11+$0x0]  }
0x12c: {  	v4 =	vld [tilespmem:s11+$0x10]  }
0x12d: {  	v3 =	vld [tilespmem:s11+$0x20]  }
0x12e: {  	v1 =	vld [tilespmem:s11+$0x30]  }
0x12f: {  	v0 =	vld [tilespmem:s11+$0x40]  }
0x130: {  	v5 =	vadd.s32 $0x1, v2;
	v2 =	vld [tilespmem:s11+$0x50]  }
0x131: {  	s12 =	simm.s32 $0x200;
	[tilespmem:s11+$0x0] =	vst v5;
	v5 =	vadd.s32 $0x1, v4;
	v4 =	vld [tilespmem:s11+$0x60]  }
.LBB2_6:
0x132: {  	s14 =	sshra.s32 s12, $0x2;
	p0 =	sne.s32 s12, $0x13E00;
	[tilespmem:s11+$0x10] =	vst v5;
	v3 =	vadd.s32 $0x1, v3;
	v5 =	vld [tilespmem:s11+$0x70]  }
0x133: {  	v6 =	vld [tilespmem:s14+$0x0];
	[tilespmem:s11+$0x20] =	vst v3;
	v1 =	vadd.s32 $0x1, v1  }
0x134: {  	v7 =	vld [tilespmem:s14+$0x10];
	[tilespmem:s11+$0x30] =	vst v1;
	v0 =	vadd.s32 $0x1, v0  }
.Ltmp2:
0x135: {  	v3 =	vld [tilespmem:s14+$0x20];
	[tilespmem:s11+$0x40] =	vst v0;
	v0 =	vadd.s32 $0x1, v2;
	(pc) =	sbr.rel @p0 .LBB2_6-.Ltmp2, $4  }
0x136: {  	v1 =	vld [tilespmem:s14+$0x30];
	[tilespmem:s11+$0x50] =	vst v0;
	v2 =	vadd.s32 $0x1, v4  }
0x137: {  	v0 =	vld [tilespmem:s14+$0x40];
	[tilespmem:s11+$0x60] =	vst v2;
	v4 =	vadd.s32 $0x1, v5  }
0x138: {  	v5 =	vadd.s32 $0x1, v6;
	v2 =	vld [tilespmem:s14+$0x50];
	[tilespmem:s11+$0x70] =	vst v4;
	s11 =	smov.u32 s14  }
0x139: {  	s12 =	sadd.s32 $0x200, s12;
	[tilespmem:s11+$0x0] =	vst v5;
	v5 =	vadd.s32 $0x1, v7;
	v4 =	vld [tilespmem:s11+$0x60]  }
0x13a: {  	[tilespmem:s11+$0x10] =	vst v5;
	v3 =	vadd.s32 $0x1, v3;
	v59 =	vld [tilespmem:s11+$0x70]  }
0x13b: {  	[tilespmem:s11+$0x20] =	vst v3;
	v1 =	vadd.s32 $0x1, v1  }
0x13c: {  	[tilespmem:s11+$0x30] =	vst v1;
	v0 =	vadd.s32 $0x1, v0  }
0x13d: {  	[tilespmem:s11+$0x40] =	vst v0;
	v60 =	vadd.s32 $0x1, v2  }
0x13e: {  	[tilespmem:s11+$0x50] =	vst v60;
	v61 =	vadd.s32 $0x1, v4  }
0x13f: {  	[tilespmem:s11+$0x60] =	vst v61;
	v62 =	vadd.s32 $0x1, v59  }
0x140: {  	s12 =	rddreg [dreg:$0x1];
	[tilespmem:s11+$0x70] =	vst v62;
	s11 =	simm.s32 $0x0  }
0x141: {  	[tilespmem:s26], [sflag:$0xD] =	stream.linear.gather [hbm4b:s12+s11], $0x2000, $0x38;
	v63 =	vld [tilespmem:$0x0]  }
0x142: {  	_ =	swait.ge [sflag:s24], $0x2000  }
0x143: {  	[sflag:s24] =	ssyncset.done $0x0  }
0x144: {  	s14 =	rddreg [dreg:$0x6];
	[sflag:s24] =	ssyncadd.s32 $0xFFFFE000  }
0x145: {  	[spmem:s14] =	stream.linear.scatter [tilespmem:s26], [sflag:$0xD], $0x2000, $0x38;
	v63 =	vld [tilespmem:$0x0]  }
0x146: {  	_ =	swait.ge [sflag:s24], $0x2000  }
0x147: {  	[sflag:s24] =	ssyncset.done $0x0  }
0x148: {  	s25 =	rddreg [dreg:$0x7];
	[sflag:s24] =	ssyncadd.s32 $0xFFFFE000  }
0x149: {  	[spmem:s25] =	stream.linear.scatter [tilespmem:s26], [sflag:$0xD], $0x2000, $0x38;
	v63 =	vld [tilespmem:$0x0]  }
0x14a: {  	_ =	swait.ge [sflag:s24], $0x2000  }
0x14b: {  	[sflag:s24] =	ssyncset.done $0x0  }
0x14c: {  	s14 =	rddreg [dreg:$0x8];
	[sflag:s24] =	ssyncadd.s32 $0xFFFFE000  }
0x14d: {  	[spmem:s14] =	stream.linear.scatter [tilespmem:s26], [sflag:$0xD], $0x2000, $0x38;
	v63 =	vld [tilespmem:$0x0]  }
0x14e: {  	_ =	swait.ge [sflag:s24], $0x2000  }
0x14f: {  	[sflag:s24] =	ssyncset.done $0x0  }
0x150: {  	s25 =	rddreg [dreg:$0x9];
	[sflag:s24] =	ssyncadd.s32 $0xFFFFE000  }
0x151: {  	[spmem:s25] =	stream.linear.scatter [tilespmem:s26], [sflag:$0xD], $0x2000, $0x38;
	v63 =	vld [tilespmem:$0x0]  }
0x152: {  	_ =	swait.ge [sflag:s24], $0x2000  }
0x153: {  	[sflag:s24] =	ssyncset.done $0x0  }
0x154: {  	s14 =	rddreg [dreg:$0xa];
	[sflag:s24] =	ssyncadd.s32 $0xFFFFE000  }
0x155: {  	[spmem:s14] =	stream.linear.scatter [tilespmem:s26], [sflag:$0xD], $0x2000, $0x38;
	v63 =	vld [tilespmem:$0x0]  }
0x156: {  	_ =	swait.ge [sflag:s24], $0x2000  }
0x157: {  	[sflag:s24] =	ssyncset.done $0x0  }
0x158: {  	[sflag:s24] =	ssyncadd.s32 $0xFFFFE000  }
0x159: {  	[bflag:$0x0] =	sbarrier.arrive $0xFFFF  }
0x15a: {  	[tilespmem:s29], [sflag:$0x1] =	stream.indirect.gather [hbm4b:s5+s28], $0x40, s11, s28, $0xb8;
	v63 =	vld [tilespmem:$0x0]  }
0x15b: {  	_ = 	snop  }
0x15c: {  	[tilespmem:s30], [sflag:$0x2] =	stream.indirect.gather [hbm4b:s5+s28], $0x40, s28, s28, $0xb8;
	v63 =	vld [tilespmem:$0x0]  }
0x15d: {  	s25 =	simm.s32 $0x100  }
0x15e: {  	[tilespmem:s1], [sflag:$0x3] =	stream.indirect.gather [hbm4b:s5+s28], $0x40, s25, s28, $0xb8;
	v63 =	vld [tilespmem:$0x0]  }
0x15f: {  	s12 =	simm.s32 $0x180  }
0x160: {  	[tilespmem:s2], [sflag:$0x4] =	stream.indirect.gather [hbm4b:s5+s28], $0x40, s12, s28, $0xb8;
	v63 =	vld [tilespmem:$0x0]  }
0x161: {  	_ =	swait.ge [sflag:s4], $0x2000  }
0x162: {  	[sflag:s4] =	ssyncset.done $0x0  }
0x163: {  	s14 =	simm.s32 $0x5000;
	[sflag:s4] =	ssyncadd.s32 $0xFFFFE000  }
0x164: {  	[spmem:s3] =	stream.indirect.scatter.add.f32 [tilespmem:s29], [sflag:$0x7], $0x40, s14, s28, $0xb8;
	v63 =	vld [tilespmem:$0x0]  }
0x165: {  	s25 =	simm.s32 $0x200  }
0x166: {  	[tilespmem:s7], [sflag:$0x5] =	stream.indirect.gather [hbm4b:s5+s28], $0x40, s25, s28, $0xb8;
	v63 =	vld [tilespmem:$0x0]  }
0x167: {  	_ =	swait.ge [sflag:s13], $0x2000  }
0x168: {  	[sflag:s13] =	ssyncset.done $0x0  }
0x169: {  	s12 =	simm.s32 $0x5080;
	[sflag:s13] =	ssyncadd.s32 $0xFFFFE000  }
0x16a: {  	[spmem:s3] =	stream.indirect.scatter.add.f32 [tilespmem:s30], [sflag:$0x8], $0x40, s12, s28, $0xb8;
	v63 =	vld [tilespmem:$0x0]  }
0x16b: {  	s14 =	simm.s32 $0x280  }
0x16c: {  	[tilespmem:s26], [sflag:$0x6] =	stream.indirect.gather [hbm4b:s5+s28], $0x40, s14, s28, $0xb8;
	v63 =	vld [tilespmem:$0x0]  }
0x16d: {  	_ =	swait.ge [sflag:s16], $0x2000  }
0x16e: {  	[sflag:s16] =	ssyncset.done $0x0  }
0x16f: {  	s25 =	simm.s32 $0x5100;
	[sflag:s16] =	ssyncadd.s32 $0xFFFFE000  }
0x170: {  	[spmem:s3] =	stream.indirect.scatter.add.f32 [tilespmem:s1], [sflag:$0x9], $0x40, s25, s28, $0xb8;
	v63 =	vld [tilespmem:$0x0]  }
0x171: {  	_ =	swait.ge [sflag:s31], $0x2000  }
0x172: {  	[sflag:s31] =	ssyncset.done $0x0  }
0x173: {  	s12 =	simm.s32 $0x300;
	[sflag:s31] =	ssyncadd.s32 $0xFFFFE000  }
0x174: {  	[tilespmem:s29], [sflag:$0x1] =	stream.indirect.gather [hbm4b:s5+s28], $0x40, s12, s28, $0xb8;
	v63 =	vld [tilespmem:$0x0]  }
0x175: {  	_ =	swait.ge [sflag:s19], $0x2000  }
0x176: {  	[sflag:s19] =	ssyncset.done $0x0  }
0x177: {  	s14 =	simm.s32 $0x5180;
	[sflag:s19] =	ssyncadd.s32 $0xFFFFE000  }
0x178: {  	[spmem:s3] =	stream.indirect.scatter.add.f32 [tilespmem:s2], [sflag:$0xA], $0x40, s14, s28, $0xb8;
	v63 =	vld [tilespmem:$0x0]  }
0x179: {  	_ =	swait.ge [sflag:s20], $0x2000  }
0x17a: {  	[sflag:s20] =	ssyncset.done $0x0  }
0x17b: {  	s25 =	simm.s32 $0x380;
	[sflag:s20] =	ssyncadd.s32 $0xFFFFE000  }
0x17c: {  	[tilespmem:s30], [sflag:$0x2] =	stream.indirect.gather [hbm4b:s5+s28], $0x40, s25, s28, $0xb8;
	v63 =	vld [tilespmem:$0x0]  }
0x17d: {  	_ =	swait.ge [sflag:s22], $0x2000  }
0x17e: {  	[sflag:s22] =	ssyncset.done $0x0  }
0x17f: {  	s12 =	simm.s32 $0x5200;
	[sflag:s22] =	ssyncadd.s32 $0xFFFFE000  }
0x180: {  	[spmem:s3] =	stream.indirect.scatter.add.f32 [tilespmem:s7], [sflag:$0xB], $0x40, s12, s28, $0xb8;
	v63 =	vld [tilespmem:$0x0]  }
0x181: {  	_ =	swait.ge [sflag:s23], $0x2000  }
0x182: {  	[sflag:s23] =	ssyncset.done $0x0  }
0x183: {  	s14 =	simm.s32 $0x400;
	[sflag:s23] =	ssyncadd.s32 $0xFFFFE000  }
0x184: {  	[tilespmem:s1], [sflag:$0x3] =	stream.indirect.gather [hbm4b:s5+s28], $0x40, s14, s28, $0xb8;
	v63 =	vld [tilespmem:$0x0]  }
0x185: {  	_ =	swait.ge [sflag:s15], $0x2000  }
0x186: {  	[sflag:s15] =	ssyncset.done $0x0  }
0x187: {  	s25 =	simm.s32 $0x5280;
	[sflag:s15] =	ssyncadd.s32 $0xFFFFE000  }
0x188: {  	[spmem:s3] =	stream.indirect.scatter.add.f32 [tilespmem:s26], [sflag:$0xC], $0x40, s25, s28, $0xb8;
	v63 =	vld [tilespmem:$0x0]  }
0x189: {  	_ =	swait.ge [sflag:s18], $0x2000  }
0x18a: {  	[sflag:s18] =	ssyncset.done $0x0  }
0x18b: {  	s12 =	simm.s32 $0x480;
	[sflag:s18] =	ssyncadd.s32 $0xFFFFE000  }
0x18c: {  	[tilespmem:s2], [sflag:$0x4] =	stream.indirect.gather [hbm4b:s5+s28], $0x40, s12, s28, $0xb8;
	v63 =	vld [tilespmem:$0x0]  }
0x18d: {  	_ =	swait.ge [sflag:s4], $0x2000  }
0x18e: {  	[sflag:s4] =	ssyncset.done $0x0  }
0x18f: {  	s14 =	simm.s32 $0x5300;
	[sflag:s4] =	ssyncadd.s32 $0xFFFFE000  }
0x190: {  	[spmem:s3] =	stream.indirect.scatter.add.f32 [tilespmem:s29], [sflag:$0x7], $0x40, s14, s28, $0xb8;
	v63 =	vld [tilespmem:$0x0]  }
0x191: {  	_ =	swait.ge [sflag:s21], $0x2000  }
0x192: {  	[sflag:s21] =	ssyncset.done $0x0  }
0x193: {  	s25 =	simm.s32 $0x500;
	[sflag:s21] =	ssyncadd.s32 $0xFFFFE000  }
0x194: {  	[tilespmem:s7], [sflag:$0x5] =	stream.indirect.gather [hbm4b:s5+s28], $0x40, s25, s28, $0xb8;
	v63 =	vld [tilespmem:$0x0]  }
0x195: {  	_ =	swait.ge [sflag:s13], $0x2000  }
0x196: {  	[sflag:s13] =	ssyncset.done $0x0  }
0x197: {  	s12 =	simm.s32 $0x5380;
	[sflag:s13] =	ssyncadd.s32 $0xFFFFE000  }
0x198: {  	[spmem:s3] =	stream.indirect.scatter.add.f32 [tilespmem:s30], [sflag:$0x8], $0x40, s12, s28, $0xb8;
	v63 =	vld [tilespmem:$0x0]  }
0x199: {  	_ =	swait.ge [sflag:s6], $0x2000  }
0x19a: {  	[sflag:s6] =	ssyncset.done $0x0  }
0x19b: {  	s14 =	simm.s32 $0x580;
	[sflag:s6] =	ssyncadd.s32 $0xFFFFE000  }
0x19c: {  	[tilespmem:s26], [sflag:$0x6] =	stream.indirect.gather [hbm4b:s5+s28], $0x40, s14, s28, $0xb8;
	v63 =	vld [tilespmem:$0x0]  }
0x19d: {  	_ =	swait.ge [sflag:s16], $0x2000  }
0x19e: {  	[sflag:s16] =	ssyncset.done $0x0  }
0x19f: {  	s25 =	simm.s32 $0x5400;
	[sflag:s16] =	ssyncadd.s32 $0xFFFFE000  }
0x1a0: {  	[spmem:s3] =	stream.indirect.scatter.add.f32 [tilespmem:s1], [sflag:$0x9], $0x40, s25, s28, $0xb8;
	v63 =	vld [tilespmem:$0x0]  }
0x1a1: {  	_ =	swait.ge [sflag:s31], $0x2000  }
0x1a2: {  	[sflag:s31] =	ssyncset.done $0x0  }
0x1a3: {  	s12 =	simm.s32 $0x600;
	[sflag:s31] =	ssyncadd.s32 $0xFFFFE000  }
0x1a4: {  	[tilespmem:s29], [sflag:$0x1] =	stream.indirect.gather [hbm4b:s5+s28], $0x40, s12, s28, $0xb8;
	v63 =	vld [tilespmem:$0x0]  }
0x1a5: {  	_ =	swait.ge [sflag:s19], $0x2000  }
0x1a6: {  	[sflag:s19] =	ssyncset.done $0x0  }
0x1a7: {  	s14 =	simm.s32 $0x5480;
	[sflag:s19] =	ssyncadd.s32 $0xFFFFE000  }
0x1a8: {  	[spmem:s3] =	stream.indirect.scatter.add.f32 [tilespmem:s2], [sflag:$0xA], $0x40, s14, s28, $0xb8;
	v63 =	vld [tilespmem:$0x0]  }
0x1a9: {  	_ =	swait.ge [sflag:s20], $0x2000  }
0x1aa: {  	[sflag:s20] =	ssyncset.done $0x0  }
0x1ab: {  	s25 =	simm.s32 $0x680;
	[sflag:s20] =	ssyncadd.s32 $0xFFFFE000  }
0x1ac: {  	[tilespmem:s30], [sflag:$0x2] =	stream.indirect.gather [hbm4b:s5+s28], $0x40, s25, s28, $0xb8;
	v63 =	vld [tilespmem:$0x0]  }
0x1ad: {  	_ =	swait.ge [sflag:s22], $0x2000  }
0x1ae: {  	[sflag:s22] =	ssyncset.done $0x0  }
0x1af: {  	s12 =	simm.s32 $0x5500;
	[sflag:s22] =	ssyncadd.s32 $0xFFFFE000  }
0x1b0: {  	[spmem:s3] =	stream.indirect.scatter.add.f32 [tilespmem:s7], [sflag:$0xB], $0x40, s12, s28, $0xb8;
	v63 =	vld [tilespmem:$0x0]  }
0x1b1: {  	_ =	swait.ge [sflag:s23], $0x2000  }
0x1b2: {  	[sflag:s23] =	ssyncset.done $0x0  }
0x1b3: {  	s14 =	simm.s32 $0x700;
	[sflag:s23] =	ssyncadd.s32 $0xFFFFE000  }
0x1b4: {  	[tilespmem:s1], [sflag:$0x3] =	stream.indirect.gather [hbm4b:s5+s28], $0x40, s14, s28, $0xb8;
	v63 =	vld [tilespmem:$0x0]  }
0x1b5: {  	_ =	swait.ge [sflag:s15], $0x2000  }
0x1b6: {  	[sflag:s15] =	ssyncset.done $0x0  }
0x1b7: {  	s25 =	simm.s32 $0x5580;
	[sflag:s15] =	ssyncadd.s32 $0xFFFFE000  }
0x1b8: {  	[spmem:s3] =	stream.indirect.scatter.add.f32 [tilespmem:s26], [sflag:$0xC], $0x40, s25, s28, $0xb8;
	v63 =	vld [tilespmem:$0x0]  }
0x1b9: {  	_ =	swait.ge [sflag:s18], $0x2000  }
0x1ba: {  	[sflag:s18] =	ssyncset.done $0x0  }
0x1bb: {  	s11 =	simm.s32 $0xC00;
	s12 =	simm.s32 $0x780;
	[sflag:s18] =	ssyncadd.s32 $0xFFFFE000  }
.LBB2_8:
0x1bc: {  	[tilespmem:s2], [sflag:$0x4] =	stream.indirect.gather [hbm4b:s5+s28], $0x40, s12, s28, $0xb8;
	v63 =	vld [tilespmem:$0x0]  }
0x1bd: {  	s12 =	smov.u32 s11  }
0x1be: {  	p0 =	sne.s32 s11, $0x12000;
	s11 =	sadd.s32 $0xC00, s11;
	_ =	swait.ge [sflag:s4], $0x2000  }
0x1bf: {  	s12 =	sshra.s32 s12, $0x2;
	[sflag:s4] =	ssyncset.done $0x0  }
0x1c0: {  	s14 =	sadd.s32 $0x5300, s12;
	[sflag:s4] =	ssyncadd.s32 $0xFFFFE000  }
0x1c1: {  	[spmem:s3] =	stream.indirect.scatter.add.f32 [tilespmem:s29], [sflag:$0x7], $0x40, s14, s28, $0xb8;
	v63 =	vld [tilespmem:$0x0]  }
0x1c2: {  	_ =	swait.ge [sflag:s21], $0x2000  }
0x1c3: {  	[sflag:s21] =	ssyncset.done $0x0  }
0x1c4: {  	s14 =	sadd.s32 $0x500, s12;
	[sflag:s21] =	ssyncadd.s32 $0xFFFFE000  }
0x1c5: {  	[tilespmem:s7], [sflag:$0x5] =	stream.indirect.gather [hbm4b:s5+s28], $0x40, s14, s28, $0xb8;
	v63 =	vld [tilespmem:$0x0]  }
0x1c6: {  	_ =	swait.ge [sflag:s13], $0x2000  }
0x1c7: {  	[sflag:s13] =	ssyncset.done $0x0  }
0x1c8: {  	s14 =	sadd.s32 $0x5380, s12;
	[sflag:s13] =	ssyncadd.s32 $0xFFFFE000  }
0x1c9: {  	[spmem:s3] =	stream.indirect.scatter.add.f32 [tilespmem:s30], [sflag:$0x8], $0x40, s14, s28, $0xb8;
	v63 =	vld [tilespmem:$0x0]  }
0x1ca: {  	_ =	swait.ge [sflag:s6], $0x2000  }
0x1cb: {  	[sflag:s6] =	ssyncset.done $0x0  }
0x1cc: {  	s14 =	sadd.s32 $0x580, s12;
	[sflag:s6] =	ssyncadd.s32 $0xFFFFE000  }
0x1cd: {  	[tilespmem:s26], [sflag:$0x6] =	stream.indirect.gather [hbm4b:s5+s28], $0x40, s14, s28, $0xb8;
	v63 =	vld [tilespmem:$0x0]  }
0x1ce: {  	_ =	swait.ge [sflag:s16], $0x2000  }
0x1cf: {  	[sflag:s16] =	ssyncset.done $0x0  }
0x1d0: {  	s14 =	sadd.s32 $0x5400, s12;
	[sflag:s16] =	ssyncadd.s32 $0xFFFFE000  }
0x1d1: {  	[spmem:s3] =	stream.indirect.scatter.add.f32 [tilespmem:s1], [sflag:$0x9], $0x40, s14, s28, $0xb8;
	v63 =	vld [tilespmem:$0x0]  }
0x1d2: {  	_ =	swait.ge [sflag:s31], $0x2000  }
0x1d3: {  	[sflag:s31] =	ssyncset.done $0x0  }
0x1d4: {  	s14 =	sadd.s32 $0x600, s12;
	[sflag:s31] =	ssyncadd.s32 $0xFFFFE000  }
0x1d5: {  	[tilespmem:s29], [sflag:$0x1] =	stream.indirect.gather [hbm4b:s5+s28], $0x40, s14, s28, $0xb8;
	v63 =	vld [tilespmem:$0x0]  }
0x1d6: {  	_ =	swait.ge [sflag:s19], $0x2000  }
0x1d7: {  	[sflag:s19] =	ssyncset.done $0x0  }
0x1d8: {  	s14 =	sadd.s32 $0x5480, s12;
	[sflag:s19] =	ssyncadd.s32 $0xFFFFE000  }
0x1d9: {  	[spmem:s3] =	stream.indirect.scatter.add.f32 [tilespmem:s2], [sflag:$0xA], $0x40, s14, s28, $0xb8;
	v63 =	vld [tilespmem:$0x0]  }
0x1da: {  	_ =	swait.ge [sflag:s20], $0x2000  }
0x1db: {  	[sflag:s20] =	ssyncset.done $0x0  }
0x1dc: {  	s14 =	sadd.s32 $0x680, s12;
	[sflag:s20] =	ssyncadd.s32 $0xFFFFE000  }
0x1dd: {  	[tilespmem:s30], [sflag:$0x2] =	stream.indirect.gather [hbm4b:s5+s28], $0x40, s14, s28, $0xb8;
	v63 =	vld [tilespmem:$0x0]  }
0x1de: {  	_ =	swait.ge [sflag:s22], $0x2000  }
0x1df: {  	[sflag:s22] =	ssyncset.done $0x0  }
0x1e0: {  	s14 =	sadd.s32 $0x5500, s12;
	[sflag:s22] =	ssyncadd.s32 $0xFFFFE000  }
0x1e1: {  	[spmem:s3] =	stream.indirect.scatter.add.f32 [tilespmem:s7], [sflag:$0xB], $0x40, s14, s28, $0xb8;
	v63 =	vld [tilespmem:$0x0]  }
0x1e2: {  	_ =	swait.ge [sflag:s23], $0x2000  }
0x1e3: {  	[sflag:s23] =	ssyncset.done $0x0  }
0x1e4: {  	s14 =	sadd.s32 $0x700, s12;
	[sflag:s23] =	ssyncadd.s32 $0xFFFFE000  }
0x1e5: {  	[tilespmem:s1], [sflag:$0x3] =	stream.indirect.gather [hbm4b:s5+s28], $0x40, s14, s28, $0xb8;
	v63 =	vld [tilespmem:$0x0]  }
0x1e6: {  	_ =	swait.ge [sflag:s15], $0x2000  }
0x1e7: {  	[sflag:s15] =	ssyncset.done $0x0  }
.Ltmp3:
0x1e8: {  	s14 =	sadd.s32 $0x5580, s12;
	[sflag:s15] =	ssyncadd.s32 $0xFFFFE000;
	(pc) =	sbr.rel @p0 .LBB2_8-.Ltmp3, $4  }
0x1e9: {  	[spmem:s3] =	stream.indirect.scatter.add.f32 [tilespmem:s26], [sflag:$0xC], $0x40, s14, s28, $0xb8;
	v63 =	vld [tilespmem:$0x0]  }
0x1ea: {  	_ =	swait.ge [sflag:s18], $0x2000  }
0x1eb: {  	[sflag:s18] =	ssyncset.done $0x0  }
0x1ec: {  	s12 =	sadd.s32 $0x780, s12;
	[sflag:s18] =	ssyncadd.s32 $0xFFFFE000  }
0x1ed: {  	[tilespmem:s2], [sflag:$0x4] =	stream.indirect.gather [hbm4b:s5+s28], $0x40, s12, s28, $0xb8;
	v63 =	vld [tilespmem:$0x0]  }
0x1ee: {  	_ =	swait.ge [sflag:s4], $0x2000  }
0x1ef: {  	[sflag:s4] =	ssyncset.done $0x0  }
0x1f0: {  	s12 =	simm.s32 $0x9E00;
	[sflag:s4] =	ssyncadd.s32 $0xFFFFE000  }
0x1f1: {  	[spmem:s3] =	stream.indirect.scatter.add.f32 [tilespmem:s29], [sflag:$0x7], $0x40, s12, s28, $0xb8;
	v63 =	vld [tilespmem:$0x0]  }
0x1f2: {  	_ =	swait.ge [sflag:s21], $0x2000  }
0x1f3: {  	[sflag:s21] =	ssyncset.done $0x0  }
0x1f4: {  	[sflag:s21] =	ssyncadd.s32 $0xFFFFE000  }
0x1f5: {  	_ =	swait.ge [sflag:s13], $0x2000  }
0x1f6: {  	[sflag:s13] =	ssyncset.done $0x0  }
0x1f7: {  	s14 =	simm.s32 $0x9E80;
	[sflag:s13] =	ssyncadd.s32 $0xFFFFE000  }
0x1f8: {  	[spmem:s3] =	stream.indirect.scatter.add.f32 [tilespmem:s30], [sflag:$0x8], $0x40, s14, s28, $0xb8;
	v63 =	vld [tilespmem:$0x0]  }
0x1f9: {  	_ =	swait.ge [sflag:s6], $0x2000  }
0x1fa: {  	[sflag:s6] =	ssyncset.done $0x0  }
0x1fb: {  	[sflag:s6] =	ssyncadd.s32 $0xFFFFE000  }
0x1fc: {  	_ =	swait.ge [sflag:s16], $0x2000  }
0x1fd: {  	[sflag:s16] =	ssyncset.done $0x0  }
0x1fe: {  	s11 =	simm.s32 $0x9F00;
	[sflag:s16] =	ssyncadd.s32 $0xFFFFE000  }
0x1ff: {  	[spmem:s3] =	stream.indirect.scatter.add.f32 [tilespmem:s1], [sflag:$0x9], $0x40, s11, s28, $0xb8;
	v63 =	vld [tilespmem:$0x0]  }
0x200: {  	_ =	swait.ge [sflag:s31], $0x2000  }
0x201: {  	[sflag:s31] =	ssyncset.done $0x0  }
0x202: {  	[sflag:s31] =	ssyncadd.s32 $0xFFFFE000  }
0x203: {  	_ =	swait.ge [sflag:s19], $0x2000  }
0x204: {  	[sflag:s19] =	ssyncset.done $0x0  }
0x205: {  	s25 =	simm.s32 $0x9F80;
	[sflag:s19] =	ssyncadd.s32 $0xFFFFE000  }
0x206: {  	[spmem:s3] =	stream.indirect.scatter.add.f32 [tilespmem:s2], [sflag:$0xA], $0x40, s25, s28, $0xb8;
	v63 =	vld [tilespmem:$0x0]  }
0x207: {  	_ =	swait.ge [sflag:s20], $0x2000  }
0x208: {  	[sflag:s20] =	ssyncset.done $0x0  }
0x209: {  	[sflag:s20] =	ssyncadd.s32 $0xFFFFE000  }
0x20a: {  	_ =	swait.ge [sflag:s23], $0x2000  }
0x20b: {  	[sflag:s23] =	ssyncset.done $0x0  }
0x20c: {  	[sflag:s23] =	ssyncadd.s32 $0xFFFFE000  }
0x20d: {  	_ =	swait.ge [sflag:s18], $0x2000  }
0x20e: {  	[sflag:s18] =	ssyncset.done $0x0  }
0x20f: {  	[sflag:s18] =	ssyncadd.s32 $0xFFFFE000  }
0x210: {  	[bflag:$0x0] =	sbarrier.arrive $0xFFFF  }
0x211: {  	s11 =	rddreg [dreg:$0x10]  }
0x212: {  	s25 =	rddreg [dreg:$0x16]  }
0x213: {  	[hbm:s11], [sflag:s0] =	dma.local [spmem:s25], $0x400  }
0x214: {  	_ =	swait.ge [sflag:s24], $0x400  }
0x215: {  	[sflag:s24] =	ssyncset.done $0x0;
	s11 =	rddreg [dreg:$0x11]  }
0x216: {  	s25 =	rddreg [dreg:$0x17];
	[sflag:s24] =	ssyncadd.s32 $0xFFFFFC00  }
0x217: {  	[hbm:s11], [sflag:s0] =	dma.local [spmem:s25], $0x400  }
0x218: {  	_ =	swait.ge [sflag:s24], $0x400  }
0x219: {  	[sflag:s24] =	ssyncset.done $0x0  }
0x21a: {  	s25 =	rddreg [dreg:$0x12];
	[sflag:s24] =	ssyncadd.s32 $0xFFFFFC00  }
0x21b: {  	[hbm:s25], [sflag:s0] =	dma.local [spmem:s8], $0x400  }
0x21c: {  	_ =	swait.ge [sflag:s24], $0x400  }
0x21d: {  	[sflag:s24] =	ssyncset.done $0x0  }
0x21e: {  	s25 =	rddreg [dreg:$0x13];
	[sflag:s24] =	ssyncadd.s32 $0xFFFFFC00  }
0x21f: {  	[hbm:s25], [sflag:s0] =	dma.local [spmem:s9], $0x400  }
0x220: {  	_ =	swait.ge [sflag:s24], $0x400  }
0x221: {  	[sflag:s24] =	ssyncset.done $0x0  }
0x222: {  	s11 =	rddreg [dreg:$0x14];
	[sflag:s24] =	ssyncadd.s32 $0xFFFFFC00  }
0x223: {  	[hbm:s11], [sflag:s0] =	dma.local [spmem:s10], $0x400  }
0x224: {  	_ =	swait.ge [sflag:s24], $0x400  }
0x225: {  	s17 =	sadd.s32 $0x1, s17;
	s25 =	rddreg [dreg:$0x15]  }
0x226: {  	p0 =	sne.s32 s17, s25  }
.Ltmp4:
0x227: {  	_ = 	snop;
	(pc) =	sbr.rel @p0 .LBB2_1-.Ltmp4, $3  }
0x228: {  	_ =	sdelay $0x1  }
0x229: {  	[sflag:s24] =	ssyncset.done $0x0  }
0x22a: {  	[sflag:s24] =	ssyncadd.s32 $0xFFFFFC00  }
0x22b: {  	_ =	sfence.sel $0x180000  }
0x22c: {  	[bflag:$0x0] =	sbarrier.arrive $0xFFFF  }
0x22d: {  	_ =	strace $0x9000004A  }
0x22e: {  	s0 =	stileid.u32;
	[bflag:$0x2] =	sbarrier.arrive $0xFFFF  }
0x22f: {  	p0 =	sne.s32 s0, $0x0;
	s0 =	rddreg [dreg:$0x3]  }
0x230: {  	s0 =	sadd.s32 @!p0 $0x100000, s0  }
0x231: {  	[sflag:s0] =	ssyncadd.tile.s32 @!p0 $0x1;
	_ =	shalt  }
.Lfunc_end2:
_tile_overlayer_lowered:
.L_overlay_start_2:
0x232: {  	(tag) =	ssettag $0x2  }
0x233: {  	s0 =	rddreg [dreg:$0x0];
	s2 =	stileid.u32  }
0x234: {  	s1 =	rddreg [dreg:$0x1];
	p0 =	sne.s32 s2, $0x0  }
0x235: {  	s3 =	rddreg [dreg:$0x2];
	[bflag:$0x3] =	sbarrier.arrive $0xFFFF;
	s2 =	simm.s32 @!p0 $0x1C0D  }
0x236: {  	[timem:s3], [sflag:s2] =	dma.local @!p0 [hbm:s0], s1  }
0x237: {  	s0 =	simm.s32 @!p0 $0xD  }
0x238: {  	_ =	swait.ge @!p0 [sflag:s0], s1  }
0x239: {  	s1 =	ssub.s32 @!p0 $0x0, s1;
	[sflag:s0] =	ssyncset.done @!p0 $0x0  }
0x23a: {  	[sflag:s0] =	ssyncadd.s32 @!p0 s1  }
0x23b: {  	[bflag:$0x3] =	sbarrier.arrive $0xFFFF  }
0x23c: {  	_ =	shalt  }

// kernel: kernel.7.cloned.1.call-start
scs
__scs_entry_jumppad:
0x0: {  	(pc) =	sbr.rel $0x88, $3  }
0x1: {  	(tag) =	ssettag $0x0;
	lr =	simm.s32 $0x1  }
0x2: {  	[smem:$0x3F99] =	sst lr;
	_ =	strace $0xD0000000  }
0x3: {  	_ = 	snop  }
0x4: {  	_ = 	snop  }
0x5: {  	_ = 	snop  }
0x6: {  	_ = 	snop  }
0x7: {  	_ = 	snop  }
__scs_overlays_trampoline_lowered:
0x8: {  	[smem:$0x3FA8] =	sst s0  }
0x9: {  	[smem:$0x3FA9] =	sst s1  }
0xa: {  	[smem:$0x3FAA] =	sst s2  }
0xb: {  	[smem:$0x3FAB] =	sst s3  }
0xc: {  	[smem:$0x3FAC] =	sst s4  }
0xd: {  	[smem:$0x3FAD] =	sst s5  }
0xe: {  	[smem:$0x3FAE] =	sst s6  }
0xf: {  	[smem:$0x3FAF] =	sst s7  }
0x10: {  	[smem:$0x3FB0] =	sst s8  }
0x11: {  	[smem:$0x3FB1] =	sst s9;
	s0 =	simm.s32 @!p0 $0x0  }
0x12: {  	s1 =	sld [smem:$0x3F97];
	s0 =	simm.s32 @p0 $0x1  }
0x13: {  	[smem:$0x3FB2] =	sst s0;
	s0 =	simm.s32 @!p1 $0x0  }
0x14: {  	s2 =	sld [smem:$0x3F96];
	s0 =	simm.s32 @p1 $0x1  }
0x15: {  	[smem:$0x3FB3] =	sst s0;
	s0 =	simm.s32 @!p2 $0x0  }
0x16: {  	s3 =	sld [smem:$0x3FDB];
	s0 =	simm.s32 @p2 $0x1  }
0x17: {  	s4 =	simm.s32 $0x1BF5;
	[smem:$0x3FB5] =	sst s0  }
0x18: {  	s0 =	sld [smem:$0x3F98];
	_ =	swait.ge [sflag:s4], $0x0  }
0x19: {  	s7 =	sld [smem:$0x3F99]  }
0x1a: {  	s8 =	sadd.s32 $0xFFFFE003, lr  }
0x1b: {  	s9 =	sadd.s32 $0xFFFFFEF7, lr;
	s5 =	simm.s32 $0xFFFFFFFF;
	p2 =	slt.u32 s8, $0xFFFFF086  }
0x1c: {  	p1 =	slt.u32 s9, $0xF7A;
	s5 =	simm.s32 @!p2 $0x0  }
0x1d: {  	s5 =	simm.s32 @p1 $0x1;
	p0 =	seq.s32 s7, s2  }
0x1e: {  	s7 =	smul.u32 @!p0 $0xF7A, s2;
	p2 =	seq.s32 @!p0 s5, $0x0  }
0x1f: {  	s9 =	smul.u32 $0xF7A, s1;
	s8 =	simm.s32 @!p0 $0x1BF5;
	p2 =	por !p2, p0  }
0x20: {  	[sflag:s8] =	ssyncset.s32 @!p0 $0xFFFFF086;
	s6 =	sadd.s32 @!p0 s3, s7;
	s7 =	simm.s32 @!p0 $0x108  }
0x21: {  	s3 =	sadd.s32 s3, s9;
	s6 =	sadd.s32 @!p0 $0x88, s6;
	s7 =	simm.s32 @p2 $0x1082  }
0x22: {  	[simem:s7], [sflag:s8] =	dma.local @!p0 [hbm:s6], $0xF7A  }
0x23: {  	s9 =	sor.u32 $0xD0000000, s2;
	s6 =	simm.s32 $0x108;
	_ =	swait.ge @!p0 [sflag:s8], $0x0  }
0x24: {  	s3 =	sadd.s32 $0x88, s3;
	s6 =	simm.s32 @!p1 $0x1082;
	[sflag:s4] =	ssyncset.s32 $0xFFFFF086  }
0x25: {  	[simem:s6], [sflag:s4] =	dma.local [hbm:s3], $0xF7A  }
0x26: {  	[smem:$0x3F99] =	sst s1;
	(tag) =	ssettag s2;
	_ =	strace s9  }
0x27: {  	s1 =	sld [smem:$0x3FA9]  }
0x28: {  	s2 =	sld [smem:$0x3FAA]  }
0x29: {  	s4 =	sld [smem:$0x3FAC]  }
0x2a: {  	p0 =	seq.s32 s5, $0x0;
	s5 =	sld [smem:$0x3FAD]  }
0x2b: {  	s6 =	sld [smem:$0x3FAE]  }
0x2c: {  	s7 =	sld [smem:$0x3FAF]  }
0x2d: {  	s3 =	simm.s32 $0x108;
	s8 =	sld [smem:$0x3FB0]  }
0x2e: {  	s3 =	simm.s32 @!p0 $0x1082;
	s9 =	sld [smem:$0x3FB1]  }
0x2f: {  	lr =	sadd.s32 s0, s3;
	s0 =	sld [smem:$0x3FA8]  }
0x30: {  	s3 =	sld [smem:$0x3FAB]  }
0x31: {  	[smem:$0x3FB4] =	sst s10  }
0x32: {  	s10 =	sld [smem:$0x3FB2];
	_ =	sdelay $0x3  }
0x33: {  	p0 =	seq.s32 s10, $0x1;
	s10 =	sld [smem:$0x3FB4];
	_ =	sdelay $0x3  }
0x34: {  	[smem:$0x3FB4] =	sst s10  }
0x35: {  	s10 =	sld [smem:$0x3FB3];
	_ =	sdelay $0x3  }
0x36: {  	p1 =	seq.s32 s10, $0x1;
	s10 =	sld [smem:$0x3FB4];
	_ =	sdelay $0x3  }
0x37: {  	[smem:$0x3FB4] =	sst s10  }
0x38: {  	s10 =	sld [smem:$0x3FB5]  }
0x39: {  	_ = 	snop;
	(pc) =	sbr.ind lr, $3  }
0x3a: {  	_ = 	snop  }
0x3b: {  	_ = 	snop  }
0x3c: {  	p2 =	seq.s32 s10, $0x1;
	s10 =	sld [smem:$0x3FB4]  }
0x3d: {  	_ =	shalt  }
0x3e: {  	_ =	shalt  }
0x3f: {  	_ =	shalt  }
0x40: {  	_ =	shalt  }
0x41: {  	_ =	shalt  }
0x42: {  	_ =	shalt  }
0x43: {  	_ =	shalt  }
0x44: {  	_ =	shalt  }
0x45: {  	_ =	shalt  }
0x46: {  	_ =	shalt  }
0x47: {  	_ =	shalt  }
0x48: {  	_ =	shalt  }
0x49: {  	_ =	shalt  }
0x4a: {  	_ =	shalt  }
0x4b: {  	_ =	shalt  }
0x4c: {  	_ =	shalt  }
0x4d: {  	_ =	shalt  }
0x4e: {  	_ =	shalt  }
0x4f: {  	_ =	shalt  }
0x50: {  	_ =	shalt  }
0x51: {  	_ =	shalt  }
0x52: {  	_ =	shalt  }
0x53: {  	_ =	shalt  }
0x54: {  	_ =	shalt  }
0x55: {  	_ =	shalt  }
0x56: {  	_ =	shalt  }
0x57: {  	_ =	shalt  }
0x58: {  	_ =	shalt  }
0x59: {  	_ =	shalt  }
0x5a: {  	_ =	shalt  }
0x5b: {  	_ =	shalt  }
0x5c: {  	_ =	shalt  }
0x5d: {  	_ =	shalt  }
0x5e: {  	_ =	shalt  }
0x5f: {  	_ =	shalt  }
0x60: {  	_ =	shalt  }
0x61: {  	_ =	shalt  }
0x62: {  	_ =	shalt  }
0x63: {  	_ =	shalt  }
0x64: {  	_ =	shalt  }
0x65: {  	_ =	shalt  }
0x66: {  	_ =	shalt  }
0x67: {  	_ =	shalt  }
0x68: {  	_ =	shalt  }
0x69: {  	_ =	shalt  }
0x6a: {  	_ =	shalt  }
0x6b: {  	_ =	shalt  }
0x6c: {  	_ =	shalt  }
0x6d: {  	_ =	shalt  }
0x6e: {  	_ =	shalt  }
0x6f: {  	_ =	shalt  }
0x70: {  	_ =	shalt  }
0x71: {  	_ =	shalt  }
0x72: {  	_ =	shalt  }
0x73: {  	_ =	shalt  }
0x74: {  	_ =	shalt  }
0x75: {  	_ =	shalt  }
0x76: {  	_ =	shalt  }
0x77: {  	_ =	shalt  }
0x78: {  	_ =	shalt  }
0x79: {  	_ =	shalt  }
0x7a: {  	_ =	shalt  }
0x7b: {  	_ =	shalt  }
0x7c: {  	_ =	shalt  }
0x7d: {  	_ =	shalt  }
0x7e: {  	_ =	shalt  }
0x7f: {  	_ =	shalt  }
0x80: {  	_ =	shalt  }
0x81: {  	_ =	shalt  }
0x82: {  	_ =	shalt  }
0x83: {  	_ =	shalt  }
0x84: {  	_ =	shalt  }
0x85: {  	_ =	shalt  }
0x86: {  	_ =	shalt  }
0x87: {  	_ =	shalt  }
.Lfunc_end0:
.L_simem_size_0:
called_computation_lowered:
.L_overlay_start_0:
0x88: {  	s2 =	sld [smem:$0x3FD9]  }
0x89: {  	s3 =	sld [smem:$0x3FFE];
	_ =	sdelay $0x1  }
0x8a: {  	s1 =	srdreg.scid  }
0x8b: {  	s0 =	sand.u32 $0x1, s1  }
0x8c: {  	s17 =	sshll.u32 s0, $0xA;
	s2 =	sadd.s32 s3, s2  }
0x8d: {  	s2 =	sadd.s32 s2, s17  }
0x8e: {  	[smem:$0x3FC0] =	sst s2  }
0x8f: {  	_ = 	snop  }
0x90: {  	s2 =	sld [smem:$0x3FD0];
	(tm) =	ssettm $0x1  }
0x91: {  	s18 =	sld [smem:$0x3FFB];
	_ =	sdelay $0x3  }
0x92: {  	_ =	strace s18  }
0x93: {  	s3 =	sld [smem:$0x3FFC];
	_ =	sdelay $0x3  }
0x94: {  	_ =	strace s3  }
0x95: {  	s3 =	sld [smem:$0x3FFD];
	_ =	sdelay $0x3  }
0x96: {  	_ =	strace s3  }
0x97: {  	_ =	strace $0x8FFFFFFF  }
0x98: {  	s19 =	sld [smem:$0x3FDB];
	_ =	sdelay $0x1  }
0x99: {  	s4 =	simm.s32 $_scs_section_size  }
0x9a: {  	s5 =	simm.s32 $_size__tile_overlayer_lowered;
	s6 =	simm.s32 $_tile_overlayer_lowered  }
0x9b: {  	s22 =	simm.s32 $0x1BFF;
	s21 =	sshll.u32 s6, $0x1;
	s3 =	sadd.s32 s4, s19  }
0x9c: {  	s7 =	simm.s32 $0x0;
	s20 =	sshll.u32 s5, $0x1;
	s5 =	sadd.s32 s21, s3  }
0x9d: {  	[timem:s7], [sflag:s22] =	dma.local [hbm:s5], s20  }
0x9e: {  	_ =	swait.ge [sflag:s22], s20  }
0x9f: {  	s4 =	ssub.s32 $0x0, s20;
	[sflag:s22] =	ssyncset.done $0x0  }
0xa0: {  	[sflag:s22] =	ssyncadd.s32 s4;
	_ =	sdelay $0x1  }
0xa1: {  	s23 =	simm.s32 $0x1B8B  }
0xa2: {  	_ =	swait.ge [sflag:s23], $0x1  }
0xa3: {  	[sflag:s23] =	ssyncset.done $0x0  }
0xa4: {  	s25 =	simm.s32 $0x1B8E;
	s24 =	sld [smem:$0x3FFE];
	[sflag:s23] =	ssyncadd.s32 $0xFFFFFFFF  }
0xa5: {  	s26 =	simm.s32 $execute0_lowered;
	[smem:$0x3FD2] =	sst s25  }
0xa6: {  	s5 =	sshll.u32 s26, $0x1;
	_ =	strace $0x80000046;
	[dreg:$0x1] =	wrdreg $0xFFFFFFFF  }
0xa7: {  	s28 =	simm.s32 $_size_execute0_lowered;
	s3 =	sadd.s32 s3, s5;
	[dreg:$0x0] =	wrdreg $0x0  }
0xa8: {  	s5 =	sshll.u32 s28, $0x1;
	[dreg:$0x2] =	wrdreg s3  }
0xa9: {  	[dreg:$0x3] =	wrdreg s5  }
0xaa: {  	[dreg:$0x4] =	wrdreg $0xC0  }
0xab: {  	_ =	task [dreg:s7], $0x5FFFF  }
0xac: {  	[dreg:$0x1] =	wrdreg $0xFFFFFFFF  }
0xad: {  	[dreg:$0x0] =	wrdreg $0x60  }
0xae: {  	[dreg:$0x2] =	wrdreg s24  }
0xaf: {  	[dreg:$0x3] =	wrdreg s2  }
0xb0: {  	[dreg:$0x4] =	wrdreg $0x28800  }
0xb1: {  	[dreg:$0x5] =	wrdreg $0x9  }
0xb2: {  	_ =	task.clear_ibuf [dreg:s7], $0x6FFFF;
	_ =	strace $0x90000046  }
0xb3: {  	s29 =	simm.s32 $0x9;
	_ =	strace $0x80000048  }
0xb4: {  	_ =	swait.ge [sflag:s29], $0x1  }
0xb5: {  	[sflag:s29] =	ssyncadd.s32 $0xFFFFFFFF  }
0xb6: {  	_ =	strace $0x90000048  }
0xb7: {  	_ =	sfence  }
0xb8: {  	s30 =	sld [smem:$0x0];
	_ =	sdelay $0x2  }
0xb9: {  	s31 =	sshll.u32 s1, $0xD;
	s1 =	sshrl.u32 s1, $0x2  }
0xba: {  	s3 =	sand.u32 $0x4000, s31;
	s1 =	sadd.s32 s1, s30  }
0xbb: {  	s0 =	sor.u32 s3, s0;
	s1 =	sshll.u32 s1, $0x11  }
0xbc: {  	s0 =	sor.u32 s1, s0  }
0xbd: {  	s0 =	sadd.s32 $0x8F2B, s0  }
0xbe: {  	[sflag:s0] =	ssyncadd.remote.s32 $0x1  }
0xbf: {  	_ =	sfence.sel $0xFFFF  }
0xc0: {  	[dreg:$0x0] =	wrdreg $0xFFFFFFFF;
	(pc) =	sbr.abs _section_cstart, $3  }
0xc1: {  	[dreg:$0x1] =	wrdreg $0xFFFFFFFF  }
0xc2: {  	_ =	task.clear_ibuf [dreg:s7], $0x2FFFF;
	_ =	strace $0x9FFFFFFF  }
0xc3: {  	(tm) =	ssettm $0x7FFFFFFF  }
tec
execute0_lowered:
.L_overlay_start_1:
0x0: {  	(tag) =	ssettag $0x1  }
0x1: {  	s5 =	rddreg [dreg:$0x0]  }
0x2: {  	s6 =	rddreg [dreg:$0x1]  }
0x3: {  	s0 =	srdreg.scid;
	s2 =	rddreg [dreg:$0x2]  }
0x4: {  	s1 =	rddreg [dreg:$0x3];
	s4 =	sand.u32 $0x1, s0  }
0x5: {  	s3 =	simm.s32 $0x0;
	s0 =	stileid.u32;
	s7 =	smul.u32 $0x5000, s4  }
0x6: {  	s12 =	simm.s32 $0x2800;
	s13 =	simm.s32 $0x80;
	s8 =	smul.u32 $0x500, s0  }
0x7: {  	s14 =	simm.s32 $0x0;
	[smem:$0x7FF] =	sst s3;
	s9 =	smul.u32 $0x280, s0  }
0x8: {  	s10 =	smul.u32 $0x2800, s4;
	_ =	strace $0x80000047;
	s28 =	ssub.s32 $0x2, s4  }
0x9: {  	s4 =	sadd.s32 $0x18000, s5;
	s31 =	sshll.u32 s0, $0x6;
	s11 =	sshrl.u32 s28, $0x1  }
0xa: {  	s7 =	sadd.s32 s8, s7;
	s26 =	sadd.s32 s9, s10;
	s10 =	ssub.s32 s28, s11  }
0xb: {  	s29 =	sshrl.u32 s9, $0x3;
	s30 =	sadd.s32 s9, s2;
	s11 =	simm.s32 $0x1  }
0xc: {  	s7 =	sadd.s32 s7, s5;
	s8 =	sshrl.u32 s26, $0x3;
	s9 =	smax.u32 s10, $0x1  }
0xd: {  	s10 =	sshrl.u32 s30, $0x3;
	s8 =	sadd.s32 s8, s5;
	s5 =	sadd.s32 s6, s29  }
0xe: {  	s6 =	sor.u32 $0x1C01, s31;
	s7 =	sadd.s32 $0x4000, s7;
	s8 =	sadd.s32 $0x18200, s8  }
.LBB2_1:
0xf: {  	[spmem:s10], [sflag:s6] =	dma.local [hbm:s5], $0x50  }
0x10: {  	_ =	swait.ge [sflag:s11], $0x50  }
0x11: {  	[sflag:s11] =	ssyncset.done $0x0  }
0x12: {  	[sflag:s11] =	ssyncadd.s32 $0xFFFFFFB0  }
0x13: {  	[tilespmem:s12], [sflag:$0x1] =	stream.linear.gather [hbm4b:s4+s3], $0x80, $0x38;
	[tilespmem:$0x2B00] =	vst v63  }
0x14: {  	_ =	swait.ge [sflag:s11], $0x80  }
0x15: {  	[sflag:s11] =	ssyncset.done $0x0  }
0x16: {  	[sflag:s11] =	ssyncadd.s32 $0xFFFFFF80  }
0x17: {  	[tilespmem:s3], [sflag:$0x1] =	stream.linear.gather [hbm4b:s7+s3], $0x2800, $0x38;
	[tilespmem:$0x2B00] =	vst v63  }
0x18: {  	_ =	swait.ge [sflag:s11], $0x2800  }
0x19: {  	[sflag:s11] =	ssyncset.done $0x0  }
0x1a: {  	[sflag:s11] =	ssyncadd.s32 $0xFFFFD800  }
0x1b: {  	s15 =	simm.s32 $0x0;
	[bflag:$0x0] =	sbarrier.arrive $0xFFFF  }
0x1c: {  	[spmem:s2] =	stream.indirect.scatter.add.f32 [tilespmem:s12], [sflag:$0x1], $0x1, s15, s13, $0xb8;
	[tilespmem:$0x2B00] =	vst v63  }
0x1d: {  	_ =	swait.ge [sflag:s11], $0x80  }
0x1e: {  	s15 =	simm.s32 $0x200;
	[sflag:s11] =	ssyncset.done $0x0  }
.LBB2_2:
0x1f: {  	s16 =	sshra.s32 s15, $0x2;
	[sflag:s11] =	ssyncadd.s32 $0xFFFFFF80;
	p0 =	sne.s32 s15, $0x9E00  }
0x20: {  	[spmem:s2] =	stream.indirect.scatter.add.f32 [tilespmem:s12], [sflag:$0x1], $0x1, s16, s13, $0xb8;
	[tilespmem:$0x2B00] =	vst v63  }
.Ltmp0:
0x21: {  	_ = 	snop;
	(pc) =	sbr.rel @p0 .LBB2_2-.Ltmp0, $4  }
0x22: {  	_ = 	snop  }
0x23: {  	s15 =	sadd.s32 $0x200, s15  }
0x24: {  	_ =	swait.ge [sflag:s11], $0x80  }
0x25: {  	[sflag:s11] =	ssyncset.done $0x0  }
0x26: {  	s14 =	sadd.s32 $0x1, s14  }
0x27: {  	[sflag:s11] =	ssyncadd.s32 $0xFFFFFF80;
	p0 =	sne.s32 s14, s9  }
.Ltmp1:
0x28: {  	[bflag:$0x0] =	sbarrier.arrive $0xFFFF;
	(pc) =	sbr.rel @p0 .LBB2_1-.Ltmp1, $4  }
0x29: {  	[hbm:s8], [sflag:s6] =	dma.local [spmem:s10], $0x50  }
0x2a: {  	_ =	swait.ge [sflag:s11], $0x50  }
0x2b: {  	[sflag:s11] =	ssyncset.done $0x0  }
0x2c: {  	[sflag:s11] =	ssyncadd.s32 $0xFFFFFFB0  }
0x2d: {  	_ =	sfence.sel $0x180000  }
0x2e: {  	[bflag:$0x0] =	sbarrier.arrive $0xFFFF  }
0x2f: {  	p0 =	sne.s32 s0, $0x0;
	_ =	strace $0x90000047  }
0x30: {  	s0 =	sadd.s32 @!p0 $0x100000, s1;
	[bflag:$0x2] =	sbarrier.arrive $0xFFFF  }
0x31: {  	[sflag:s0] =	ssyncadd.tile.s32 @!p0 $0x1;
	_ =	shalt  }
.Lfunc_end2:
_tile_overlayer_lowered:
.L_overlay_start_2:
0x32: {  	(tag) =	ssettag $0x2  }
0x33: {  	s0 =	rddreg [dreg:$0x0];
	s2 =	stileid.u32  }
0x34: {  	s1 =	rddreg [dreg:$0x1];
	p0 =	sne.s32 s2, $0x0  }
0x35: {  	s3 =	rddreg [dreg:$0x2];
	[bflag:$0x3] =	sbarrier.arrive $0xFFFF;
	s2 =	simm.s32 @!p0 $0x1C01  }
0x36: {  	[timem:s3], [sflag:s2] =	dma.local @!p0 [hbm:s0], s1  }
0x37: {  	s0 =	simm.s32 @!p0 $0x1  }
0x38: {  	_ =	swait.ge @!p0 [sflag:s0], s1  }
0x39: {  	s1 =	ssub.s32 @!p0 $0x0, s1;
	[sflag:s0] =	ssyncset.done @!p0 $0x0  }
0x3a: {  	[sflag:s0] =	ssyncadd.s32 @!p0 s1  }
0x3b: {  	[bflag:$0x3] =	sbarrier.arrive $0xFFFF  }
0x3c: {  	_ =	shalt  }

</sc_bundles>
